<compile_context>
chip_gen: v7x
topology: tpu7x:2x2x1
jax: 0.10.2.dev20260603
libtpu: 0.0.44.dev20260713+nightly
codegen_flags: <defaults>
</compile_context>

<pallas_src>
import functools

import jax
import jax.numpy as jnp
from jax import lax
from jax.experimental import pallas as pl
from jax.experimental.pallas import tpu as pltpu
from jax.experimental.pallas import tpu_sc as plsc

N = 320000
D = 128
S = 10000

SLICES = (32000, 96000, 96000, 96000)
OFFS = tuple(sum(SLICES[:i]) for i in range(len(SLICES)))

NS = 16
CHUNK = 128
NBUF = 3
SEG_TILES = 10
SEG_PER_TILE = S // SEG_TILES

FWD_BLK = 2000


def _fwd_body(x_ref, wh_ref, bh_ref, wg_ref, bg_ref, out_ref):
    xb = x_ref[...]
    dn = (((1,), (1,)), ((), ()))
    h = lax.dot_general(xb, wh_ref[...], dn,
                        preferred_element_type=jnp.float32) + bh_ref[...]
    g = lax.dot_general(xb, wg_ref[...], dn,
                        preferred_element_type=jnp.float32) + bg_ref[...]
    e = jnp.exp(g)
    out_ref[0] = e
    out_ref[1] = h * e


def _make_fwd(half):
    off = OFFS[half] // FWD_BLK
    grid = SLICES[half] // FWD_BLK
    return pl.pallas_call(
        _fwd_body,
        grid=(grid,),
        in_specs=[
            pl.BlockSpec((FWD_BLK, D), lambda i: (i + off, 0)),
            pl.BlockSpec((D, D), lambda i: (0, 0)),
            pl.BlockSpec((1, D), lambda i: (0, 0)),
            pl.BlockSpec((D, D), lambda i: (0, 0)),
            pl.BlockSpec((1, D), lambda i: (0, 0)),
        ],
        out_specs=pl.BlockSpec((2, FWD_BLK, D), lambda i: (0, i, 0)),
        out_shape=jax.ShapeDtypeStruct((2, SLICES[half], D), jnp.float32),
    )


def _make_segsum(half):
    chunk_off = OFFS[half] // CHUNK
    nchunks = SLICES[half] // CHUNK
    CPT = nchunks // NS
    NTAIL = nchunks - CPT * NS

    @functools.partial(
        pl.kernel,
        out_type=jax.ShapeDtypeStruct((2, S, D), jnp.float32),
        mesh=plsc.VectorSubcoreMesh(core_axis_name="c", subcore_axis_name="s"),
        scratch_types=(
            [pltpu.VMEM((1, CHUNK), jnp.int32) for _ in range(NBUF)]
            + [pltpu.VMEM((CHUNK, D), jnp.float32) for _ in range(NBUF)]
            + [pltpu.VMEM_SHARED((S, D), jnp.float32)]
            + [pltpu.SemaphoreType.DMA for _ in range(2 * NBUF)]
        ),
    )
    def segsum(a_hbm, idx3_hbm, init_hbm, out_hbm, *bufs_sems):
        ibufs = bufs_sems[0:NBUF]
        dbufs = bufs_sems[NBUF:2 * NBUF]
        acc = bufs_sems[2 * NBUF]
        isems = bufs_sems[2 * NBUF + 1:3 * NBUF + 1]
        dsems = bufs_sems[3 * NBUF + 1:4 * NBUF + 1]
        cid = lax.axis_index("c")
        sid = lax.axis_index("s")

        @pl.when(sid < SEG_TILES)
        def _():
            sl = pl.ds(sid * SEG_PER_TILE, SEG_PER_TILE)
            pltpu.sync_copy(init_hbm.at[cid, sl], acc.at[sl])
        plsc.subcore_barrier()

        def fetch(slot, c):
            pltpu.async_copy(a_hbm.at[cid, pl.ds(c * CHUNK, CHUNK)],
                             dbufs[slot], dsems[slot])
            pltpu.async_copy(idx3_hbm.at[c + chunk_off], ibufs[slot],
                             isems[slot])

        def wait_scatter(slot):
            pltpu.make_async_copy(a_hbm.at[cid, pl.ds(0, CHUNK)],
                                  dbufs[slot], dsems[slot]).wait()
            pltpu.make_async_copy(idx3_hbm.at[0], ibufs[slot],
                                  isems[slot]).wait()
            pltpu.sync_copy(dbufs[slot], acc.at[ibufs[slot].at[0]], add=True)

        c0 = sid * CPT
        mtot = CPT + (1 if NTAIL else 0)
        m = CPT + jnp.where(sid < NTAIL, 1, 0) if NTAIL else CPT

        def cix(k):
            if NTAIL:
                return jnp.where(k < CPT, c0 + k, NS * CPT + sid)
            return c0 + k

        for p in range(NBUF):
            if p < CPT:
                fetch(p, cix(p))

        def step(kb, carry):
            for p in range(NBUF):
                k = kb * NBUF + p

                @pl.when(k < m)
                def _():
                    wait_scatter(p)

                    @pl.when(k + NBUF < m)
                    def _():
                        fetch(p, cix(k + NBUF))
            return carry

        lax.fori_loop(0, (mtot + NBUF - 1) // NBUF, step, 0)
        plsc.subcore_barrier()

        @pl.when(sid < SEG_TILES)
        def _():
            sl = pl.ds(sid * SEG_PER_TILE, SEG_PER_TILE)
            pltpu.sync_copy(acc.at[sl], out_hbm.at[cid, sl])

    return segsum


_fwds = [_make_fwd(h) for h in range(len(SLICES))]
_segsums = [_make_segsum(h) for h in range(len(SLICES))]


def _div_body(s_ref, o_ref):
    den = s_ref[0]
    num = s_ref[1]
    safe = jnp.where(den > 0, den, 1.0)
    o_ref[...] = jnp.where(den > 0, num / safe, 0.0)


_div = pl.pallas_call(
    _div_body,
    grid=(10,),
    in_specs=[pl.BlockSpec((2, S // 10, D), lambda i: (0, i, 0))],
    out_specs=pl.BlockSpec((S // 10, D), lambda i: (i, 0)),
    out_shape=jax.ShapeDtypeStruct((S, D), jnp.float32),
)


def kernel(x, batch, Wh, bh, Wg, bg):
    bh2 = bh.reshape(1, D)
    bg2 = bg.reshape(1, D)
    idx3 = batch.astype(jnp.int32).reshape(N // CHUNK, 1, CHUNK)
    a_slices = [_fwds[h](x, Wh, bh2, Wg, bg2) for h in range(len(SLICES))]
    sums = jnp.zeros((2, S, D), jnp.float32)
    for h in range(len(SLICES)):
        sums = _segsums[h](a_slices[h], idx3, sums)
    return _div(sums)

# --- scband reference (transcript-rebuilt; emitter-appended) ---
"""Pipeline reference for scband-gated-aggregation-37383395345195 (READ-ONLY COPY).

The authoritative reference and input builder live on the scoring server;
editing this copy changes nothing except your own understanding.
"""

import jax, jax.numpy as jnp
import numpy as np

N = 320000
D_IN = 128
D_OUT = 128
NUM_SEGMENTS = 10000

def setup_inputs(seed: int = 0) -> dict:
    key = jax.random.key(seed)
    k1, k2, k3, k4, k5, k6 = jax.random.split(key, 6)
    x = jax.random.normal(k1, (N, D_IN), dtype=jnp.float32)
    batch = jnp.sort(jax.random.randint(k2, (N,), 0, NUM_SEGMENTS, dtype=jnp.int64))
    # Linear h: in_features -> out_features
    Wh = jax.random.normal(k3, (D_OUT, D_IN), dtype=jnp.float32) * (1.0 / np.sqrt(D_IN))
    bh = jnp.zeros((D_OUT,), dtype=jnp.float32)
    # Linear gate: in_features -> in_features
    Wg = jax.random.normal(k4, (D_IN, D_IN), dtype=jnp.float32) * (1.0 / np.sqrt(D_IN))
    bg = jnp.zeros((D_IN,), dtype=jnp.float32)
    return {"x": x, "batch": batch, "Wh": Wh, "bh": bh, "Wg": Wg, "bg": bg}

def _segment_softmax(g, batch, num_segments):
    m = jax.ops.segment_max(g, batch, num_segments=num_segments)
    e = jnp.exp(g - m[batch])
    s = jax.ops.segment_sum(e, batch, num_segments=num_segments)
    return e / (s[batch] + 1e-16)

def reference(x, batch, Wh, bh, Wg, bg):
    h = x @ Wh.T + bh                      # [N, D_OUT]
    g = x @ Wg.T + bg                      # [N, D_IN] (== D_OUT)
    sm = _segment_softmax(g, batch, NUM_SEGMENTS)
    gated = h * sm                         # [N, D_OUT]
    out = jax.ops.segment_sum(gated, batch, num_segments=NUM_SEGMENTS)
    return out                             # [NUM_SEGMENTS, D_OUT]

if __name__ == "__main__":
    import jax
    _d = setup_inputs()
    print(jax.jit(kernel)(*tuple(_d.values())))

</pallas_src>

<mosaic_0001>
#map = affine_map<(d0, d1) -> (0, 0, 0)>
module attributes {stable_mosaic.version = 14 : i64} {
  func.func @segsum(%arg0: i32, %arg1: i32, %arg2: memref<2x32000x128xf32, #tpu.memory_space<hbm>>, %arg3: memref<2500x1x128xi32, #tpu.memory_space<hbm>>, %arg4: memref<2x10000x128xf32, #tpu.memory_space<hbm>>, %arg5: memref<2x10000x128xf32, #tpu.memory_space<hbm>>, %arg6: memref<1x128xi32, #tpu.memory_space<vmem>>, %arg7: memref<1x128xi32, #tpu.memory_space<vmem>>, %arg8: memref<1x128xi32, #tpu.memory_space<vmem>>, %arg9: memref<128x128xf32, #tpu.memory_space<vmem>>, %arg10: memref<128x128xf32, #tpu.memory_space<vmem>>, %arg11: memref<128x128xf32, #tpu.memory_space<vmem>>, %arg12: memref<10000x128xf32, #tpu.memory_space<vmem_shared>>, %arg13: memref<!tpu.dma_semaphore, #tpu.memory_space<semaphore_mem>>, %arg14: memref<!tpu.dma_semaphore, #tpu.memory_space<semaphore_mem>>, %arg15: memref<!tpu.dma_semaphore, #tpu.memory_space<semaphore_mem>>, %arg16: memref<!tpu.dma_semaphore, #tpu.memory_space<semaphore_mem>>, %arg17: memref<!tpu.dma_semaphore, #tpu.memory_space<semaphore_mem>>, %arg18: memref<!tpu.dma_semaphore, #tpu.memory_space<semaphore_mem>>) attributes {dimension_semantics = [#tpu.dimension_semantics<core_parallel>, #tpu.dimension_semantics<subcore_parallel>], iteration_bounds = array<i64: 2, 16>, scalar_prefetch = 0 : i64, scratch_operands = 13 : i64, tpu.core_type = #tpu.core_type<sc_vector_subcore>, window_params = [{transform_indices = #map}, {transform_indices = #map}, {transform_indices = #map}, {transform_indices = #map}]} {
    %lt3A = arith.constant 10 : i32
    %lt3A_0 = arith.cmpi slt, %arg1, %lt3A : i32
    %convert_element_type3A = arith.extui %lt3A_0 : i1 to i32
    %cond3A = arith.constant 0 : i32
    %cond3A_1 = arith.cmpi ne, %convert_element_type3A, %cond3A : i32
    scf.if %cond3A_1 {
      %mul3A_89 = arith.constant 1000 : i32
      %mul3A_90 = arith.muli %arg1, %mul3A_89 : i32
      "tpu.region"() ({
        %run_scoped3A = tpu.sem_alloc : memref<!tpu.dma_semaphore, #tpu.memory_space<semaphore_mem>>
        %dma_start3A_91 = arith.constant 0 : i32
        %dma_start3A_92 = tpu.memref_slice %arg12[%mul3A_90, %dma_start3A_91] : memref<10000x128xf32, #tpu.memory_space<vmem_shared>> -> memref<1000x128xf32, #tpu.memory_space<vmem_shared>>
        %dma_start3A_93 = arith.constant 0 : i32
        %dma_start3A_94 = tpu.memref_slice %arg4[%arg0, %mul3A_90, %dma_start3A_93] : memref<2x10000x128xf32, #tpu.memory_space<hbm>> -> memref<1x1000x128xf32, #tpu.memory_space<hbm>>
        %dma_start3A_95 = tpu.memref_squeeze %dma_start3A_94 : memref<1x1000x128xf32, #tpu.memory_space<hbm>> -> memref<1000x128xf32, #tpu.memory_space<hbm>>
        tpu.enqueue_dma source(%dma_start3A_95 : memref<1000x128xf32, #tpu.memory_space<hbm>>) target(%dma_start3A_92 : memref<1000x128xf32, #tpu.memory_space<vmem_shared>>) target_semaphore(%run_scoped3A : memref<!tpu.dma_semaphore, #tpu.memory_space<semaphore_mem>>)
        %dma_wait3A = arith.constant 0 : i32
        %dma_wait3A_96 = tpu.memref_slice %arg12[%mul3A_90, %dma_wait3A] : memref<10000x128xf32, #tpu.memory_space<vmem_shared>> -> memref<1000x128xf32, #tpu.memory_space<vmem_shared>>
        %dma_wait3A_97 = arith.constant 0 : i32
        %dma_wait3A_98 = tpu.memref_slice %arg4[%arg0, %mul3A_90, %dma_wait3A_97] : memref<2x10000x128xf32, #tpu.memory_space<hbm>> -> memref<1x1000x128xf32, #tpu.memory_space<hbm>>
        %dma_wait3A_99 = tpu.memref_squeeze %dma_wait3A_98 : memref<1x1000x128xf32, #tpu.memory_space<hbm>> -> memref<1000x128xf32, #tpu.memory_space<hbm>>
        tpu.wait_dma2 semaphore(%run_scoped3A : memref<!tpu.dma_semaphore, #tpu.memory_space<semaphore_mem>>) src(%dma_wait3A_99 : memref<1000x128xf32, #tpu.memory_space<hbm>>) dst(%dma_wait3A_96 : memref<1000x128xf32, #tpu.memory_space<vmem_shared>>)
        tpu.yield
      }) : () -> ()
    } else {
    }
    %barrier3A = arith.constant 0 : index
    tpu.barrier barrier_id(%barrier3A)
    %mul3A = arith.constant 15 : i32
    %mul3A_2 = arith.muli %arg1, %mul3A : i32
    %lt3A_3 = arith.constant 10 : i32
    %lt3A_4 = arith.cmpi slt, %arg1, %lt3A_3 : i32
    %jit3A = arith.constant 1 : i32
    %jit3A_5 = arith.constant 0 : i32
    %select_n3A = arith.select %lt3A_4, %jit3A, %jit3A_5 : i32
    %add3A = arith.constant 15 : i32
    %add3A_6 = arith.addi %add3A, %select_n3A : i32
    %add3A_7 = arith.constant 0 : i32
    %add3A_8 = arith.addi %mul3A_2, %add3A_7 : i32
    %add3A_9 = arith.constant 240 : i32
    %add3A_10 = arith.addi %add3A_9, %arg1 : i32
    %jit3A_11 = arith.constant true
    %select_n3A_12 = arith.select %jit3A_11, %add3A_8, %add3A_10 : i32
    %mul3A_13 = arith.constant 128 : i32
    %mul3A_14 = arith.muli %select_n3A_12, %mul3A_13 : i32
    %dma_start3A = arith.constant 0 : i32
    %dma_start3A_15 = tpu.memref_slice %arg2[%arg0, %mul3A_14, %dma_start3A] : memref<2x32000x128xf32, #tpu.memory_space<hbm>> -> memref<1x128x128xf32, #tpu.memory_space<hbm>>
    %dma_start3A_16 = tpu.memref_squeeze %dma_start3A_15 : memref<1x128x128xf32, #tpu.memory_space<hbm>> -> memref<128x128xf32, #tpu.memory_space<hbm>>
    %dma_start3A_17 = arith.constant 0 : i32
    %dma_start3A_18 = tpu.memref_slice %arg2[%arg0, %mul3A_14, %dma_start3A_17] : memref<2x32000x128xf32, #tpu.memory_space<hbm>> -> memref<1x128x128xf32, #tpu.memory_space<hbm>>
    %dma_start3A_19 = tpu.memref_squeeze %dma_start3A_18 : memref<1x128x128xf32, #tpu.memory_space<hbm>> -> memref<128x128xf32, #tpu.memory_space<hbm>>
    tpu.enqueue_dma source(%dma_start3A_19 : memref<128x128xf32, #tpu.memory_space<hbm>>) target(%arg9 : memref<128x128xf32, #tpu.memory_space<vmem>>) target_semaphore(%arg16 : memref<!tpu.dma_semaphore, #tpu.memory_space<semaphore_mem>>)
    %add3A_20 = arith.constant 0 : i32
    %add3A_21 = arith.addi %select_n3A_12, %add3A_20 : i32
    %dma_start3A_22 = arith.constant 0 : i32
    %dma_start3A_23 = arith.constant 0 : i32
    %dma_start3A_24 = tpu.memref_slice %arg3[%add3A_21, %dma_start3A_22, %dma_start3A_23] : memref<2500x1x128xi32, #tpu.memory_space<hbm>> -> memref<1x1x128xi32, #tpu.memory_space<hbm>>
    %dma_start3A_25 = tpu.memref_squeeze %dma_start3A_24 : memref<1x1x128xi32, #tpu.memory_space<hbm>> -> memref<1x128xi32, #tpu.memory_space<hbm>>
    %dma_start3A_26 = arith.constant 0 : i32
    %dma_start3A_27 = arith.constant 0 : i32
    %dma_start3A_28 = tpu.memref_slice %arg3[%add3A_21, %dma_start3A_26, %dma_start3A_27] : memref<2500x1x128xi32, #tpu.memory_space<hbm>> -> memref<1x1x128xi32, #tpu.memory_space<hbm>>
    %dma_start3A_29 = tpu.memref_squeeze %dma_start3A_28 : memref<1x1x128xi32, #tpu.memory_space<hbm>> -> memref<1x128xi32, #tpu.memory_space<hbm>>
    tpu.enqueue_dma source(%dma_start3A_29 : memref<1x128xi32, #tpu.memory_space<hbm>>) target(%arg6 : memref<1x128xi32, #tpu.memory_space<vmem>>) target_semaphore(%arg13 : memref<!tpu.dma_semaphore, #tpu.memory_space<semaphore_mem>>)
    %add3A_30 = arith.constant 1 : i32
    %add3A_31 = arith.addi %mul3A_2, %add3A_30 : i32
    %add3A_32 = arith.constant 240 : i32
    %add3A_33 = arith.addi %add3A_32, %arg1 : i32
    %jit3A_34 = arith.constant true
    %select_n3A_35 = arith.select %jit3A_34, %add3A_31, %add3A_33 : i32
    %mul3A_36 = arith.constant 128 : i32
    %mul3A_37 = arith.muli %select_n3A_35, %mul3A_36 : i32
    %dma_start3A_38 = arith.constant 0 : i32
    %dma_start3A_39 = tpu.memref_slice %arg2[%arg0, %mul3A_37, %dma_start3A_38] : memref<2x32000x128xf32, #tpu.memory_space<hbm>> -> memref<1x128x128xf32, #tpu.memory_space<hbm>>
    %dma_start3A_40 = tpu.memref_squeeze %dma_start3A_39 : memref<1x128x128xf32, #tpu.memory_space<hbm>> -> memref<128x128xf32, #tpu.memory_space<hbm>>
    %dma_start3A_41 = arith.constant 0 : i32
    %dma_start3A_42 = tpu.memref_slice %arg2[%arg0, %mul3A_37, %dma_start3A_41] : memref<2x32000x128xf32, #tpu.memory_space<hbm>> -> memref<1x128x128xf32, #tpu.memory_space<hbm>>
    %dma_start3A_43 = tpu.memref_squeeze %dma_start3A_42 : memref<1x128x128xf32, #tpu.memory_space<hbm>> -> memref<128x128xf32, #tpu.memory_space<hbm>>
    tpu.enqueue_dma source(%dma_start3A_43 : memref<128x128xf32, #tpu.memory_space<hbm>>) target(%arg10 : memref<128x128xf32, #tpu.memory_space<vmem>>) target_semaphore(%arg17 : memref<!tpu.dma_semaphore, #tpu.memory_space<semaphore_mem>>)
    %add3A_44 = arith.constant 0 : i32
    %add3A_45 = arith.addi %select_n3A_35, %add3A_44 : i32
    %dma_start3A_46 = arith.constant 0 : i32
    %dma_start3A_47 = arith.constant 0 : i32
    %dma_start3A_48 = tpu.memref_slice %arg3[%add3A_45, %dma_start3A_46, %dma_start3A_47] : memref<2500x1x128xi32, #tpu.memory_space<hbm>> -> memref<1x1x128xi32, #tpu.memory_space<hbm>>
    %dma_start3A_49 = tpu.memref_squeeze %dma_start3A_48 : memref<1x1x128xi32, #tpu.memory_space<hbm>> -> memref<1x128xi32, #tpu.memory_space<hbm>>
    %dma_start3A_50 = arith.constant 0 : i32
    %dma_start3A_51 = arith.constant 0 : i32
    %dma_start3A_52 = tpu.memref_slice %arg3[%add3A_45, %dma_start3A_50, %dma_start3A_51] : memref<2500x1x128xi32, #tpu.memory_space<hbm>> -> memref<1x1x128xi32, #tpu.memory_space<hbm>>
    %dma_start3A_53 = tpu.memref_squeeze %dma_start3A_52 : memref<1x1x128xi32, #tpu.memory_space<hbm>> -> memref<1x128xi32, #tpu.memory_space<hbm>>
    tpu.enqueue_dma source(%dma_start3A_53 : memref<1x128xi32, #tpu.memory_space<hbm>>) target(%arg7 : memref<1x128xi32, #tpu.memory_space<vmem>>) target_semaphore(%arg14 : memref<!tpu.dma_semaphore, #tpu.memory_space<semaphore_mem>>)
    %add3A_54 = arith.constant 2 : i32
    %add3A_55 = arith.addi %mul3A_2, %add3A_54 : i32
    %add3A_56 = arith.constant 240 : i32
    %add3A_57 = arith.addi %add3A_56, %arg1 : i32
    %jit3A_58 = arith.constant true
    %select_n3A_59 = arith.select %jit3A_58, %add3A_55, %add3A_57 : i32
    %mul3A_60 = arith.constant 128 : i32
    %mul3A_61 = arith.muli %select_n3A_59, %mul3A_60 : i32
    %dma_start3A_62 = arith.constant 0 : i32
    %dma_start3A_63 = tpu.memref_slice %arg2[%arg0, %mul3A_61, %dma_start3A_62] : memref<2x32000x128xf32, #tpu.memory_space<hbm>> -> memref<1x128x128xf32, #tpu.memory_space<hbm>>
    %dma_start3A_64 = tpu.memref_squeeze %dma_start3A_63 : memref<1x128x128xf32, #tpu.memory_space<hbm>> -> memref<128x128xf32, #tpu.memory_space<hbm>>
    %dma_start3A_65 = arith.constant 0 : i32
    %dma_start3A_66 = tpu.memref_slice %arg2[%arg0, %mul3A_61, %dma_start3A_65] : memref<2x32000x128xf32, #tpu.memory_space<hbm>> -> memref<1x128x128xf32, #tpu.memory_space<hbm>>
    %dma_start3A_67 = tpu.memref_squeeze %dma_start3A_66 : memref<1x128x128xf32, #tpu.memory_space<hbm>> -> memref<128x128xf32, #tpu.memory_space<hbm>>
    tpu.enqueue_dma source(%dma_start3A_67 : memref<128x128xf32, #tpu.memory_space<hbm>>) target(%arg11 : memref<128x128xf32, #tpu.memory_space<vmem>>) target_semaphore(%arg18 : memref<!tpu.dma_semaphore, #tpu.memory_space<semaphore_mem>>)
    %add3A_68 = arith.constant 0 : i32
    %add3A_69 = arith.addi %select_n3A_59, %add3A_68 : i32
    %dma_start3A_70 = arith.constant 0 : i32
    %dma_start3A_71 = arith.constant 0 : i32
    %dma_start3A_72 = tpu.memref_slice %arg3[%add3A_69, %dma_start3A_70, %dma_start3A_71] : memref<2500x1x128xi32, #tpu.memory_space<hbm>> -> memref<1x1x128xi32, #tpu.memory_space<hbm>>
    %dma_start3A_73 = tpu.memref_squeeze %dma_start3A_72 : memref<1x1x128xi32, #tpu.memory_space<hbm>> -> memref<1x128xi32, #tpu.memory_space<hbm>>
    %dma_start3A_74 = arith.constant 0 : i32
    %dma_start3A_75 = arith.constant 0 : i32
    %dma_start3A_76 = tpu.memref_slice %arg3[%add3A_69, %dma_start3A_74, %dma_start3A_75] : memref<2500x1x128xi32, #tpu.memory_space<hbm>> -> memref<1x1x128xi32, #tpu.memory_space<hbm>>
    %dma_start3A_77 = tpu.memref_squeeze %dma_start3A_76 : memref<1x1x128xi32, #tpu.memory_space<hbm>> -> memref<1x128xi32, #tpu.memory_space<hbm>>
    tpu.enqueue_dma source(%dma_start3A_77 : memref<1x128xi32, #tpu.memory_space<hbm>>) target(%arg8 : memref<1x128xi32, #tpu.memory_space<vmem>>) target_semaphore(%arg15 : memref<!tpu.dma_semaphore, #tpu.memory_space<semaphore_mem>>)
    %scan3A = arith.constant 0 : i32
    %scan3A_78 = arith.constant 0 : i32
    %scan3A_79 = arith.constant 6 : i32
    %scan3A_80 = arith.addi %scan3A_78, %scan3A_79 : i32
    %scan3A_81 = arith.constant 1 : i32
    scf.for %scan3A_89 = %scan3A_78 to %scan3A_80 step %scan3A_81  : i32 {
      %mul3A_90 = arith.constant 3 : i32
      %mul3A_91 = arith.muli %scan3A_89, %mul3A_90 : i32
      %add3A_92 = arith.constant 0 : i32
      %add3A_93 = arith.addi %mul3A_91, %add3A_92 : i32
      %lt3A_94 = arith.cmpi slt, %add3A_93, %add3A_6 : i32
      %convert_element_type3A_95 = arith.extui %lt3A_94 : i1 to i32
      %cond3A_96 = arith.constant 0 : i32
      %cond3A_97 = arith.cmpi ne, %convert_element_type3A_95, %cond3A_96 : i32
      scf.if %cond3A_97 {
        %dma_wait3A = arith.constant 0 : i32
        %dma_wait3A_114 = arith.constant 0 : i32
        %dma_wait3A_115 = tpu.memref_slice %arg2[%arg0, %dma_wait3A, %dma_wait3A_114] : memref<2x32000x128xf32, #tpu.memory_space<hbm>> -> memref<1x128x128xf32, #tpu.memory_space<hbm>>
        %dma_wait3A_116 = tpu.memref_squeeze %dma_wait3A_115 : memref<1x128x128xf32, #tpu.memory_space<hbm>> -> memref<128x128xf32, #tpu.memory_space<hbm>>
        %dma_wait3A_117 = arith.constant 0 : i32
        %dma_wait3A_118 = arith.constant 0 : i32
        %dma_wait3A_119 = tpu.memref_slice %arg2[%arg0, %dma_wait3A_117, %dma_wait3A_118] : memref<2x32000x128xf32, #tpu.memory_space<hbm>> -> memref<1x128x128xf32, #tpu.memory_space<hbm>>
        %dma_wait3A_120 = tpu.memref_squeeze %dma_wait3A_119 : memref<1x128x128xf32, #tpu.memory_space<hbm>> -> memref<128x128xf32, #tpu.memory_space<hbm>>
        tpu.wait_dma2 semaphore(%arg16 : memref<!tpu.dma_semaphore, #tpu.memory_space<semaphore_mem>>) src(%dma_wait3A_120 : memref<128x128xf32, #tpu.memory_space<hbm>>) dst(%arg9 : memref<128x128xf32, #tpu.memory_space<vmem>>)
        %dma_wait3A_121 = arith.constant 0 : i32
        %dma_wait3A_122 = arith.constant 0 : i32
        %dma_wait3A_123 = arith.constant 0 : i32
        %dma_wait3A_124 = tpu.memref_slice %arg3[%dma_wait3A_121, %dma_wait3A_122, %dma_wait3A_123] : memref<2500x1x128xi32, #tpu.memory_space<hbm>> -> memref<1x1x128xi32, #tpu.memory_space<hbm>>
        %dma_wait3A_125 = tpu.memref_squeeze %dma_wait3A_124 : memref<1x1x128xi32, #tpu.memory_space<hbm>> -> memref<1x128xi32, #tpu.memory_space<hbm>>
        %dma_wait3A_126 = arith.constant 0 : i32
        %dma_wait3A_127 = arith.constant 0 : i32
        %dma_wait3A_128 = tpu.memref_slice %arg3[%dma_wait3A_121, %dma_wait3A_126, %dma_wait3A_127] : memref<2500x1x128xi32, #tpu.memory_space<hbm>> -> memref<1x1x128xi32, #tpu.memory_space<hbm>>
        %dma_wait3A_129 = tpu.memref_squeeze %dma_wait3A_128 : memref<1x1x128xi32, #tpu.memory_space<hbm>> -> memref<1x128xi32, #tpu.memory_space<hbm>>
        tpu.wait_dma2 semaphore(%arg13 : memref<!tpu.dma_semaphore, #tpu.memory_space<semaphore_mem>>) src(%dma_wait3A_129 : memref<1x128xi32, #tpu.memory_space<hbm>>) dst(%arg6 : memref<1x128xi32, #tpu.memory_space<vmem>>)
        %run_scoped3A = arith.constant 0 : i32
        "tpu.region"() ({
          %run_scoped3A_136 = tpu.sem_alloc : memref<!tpu.dma_semaphore, #tpu.memory_space<semaphore_mem>>
          %dma_start3A_137 = arith.constant 0 : i32
          %dma_start3A_138 = tpu.memref_slice %arg6[%run_scoped3A, %dma_start3A_137] : memref<1x128xi32, #tpu.memory_space<vmem>> -> memref<1x128xi32, #tpu.memory_space<vmem>>
          %dma_start3A_139 = tpu.memref_squeeze %dma_start3A_138 : memref<1x128xi32, #tpu.memory_space<vmem>> -> memref<128xi32, #tpu.memory_space<vmem>>
          %dma_start3A_140 = arith.constant 0 : i32
          %dma_start3A_141 = arith.constant 0 : i32
          %dma_start3A_142 = tpu.memref_slice %arg12[%dma_start3A_140, %dma_start3A_141] : memref<10000x128xf32, #tpu.memory_space<vmem_shared>> -> memref<10000x128xf32, #tpu.memory_space<vmem_shared>>
          tpu.enqueue_indirect_dma source(%arg9 : memref<128x128xf32, #tpu.memory_space<vmem>>) target(%dma_start3A_142 : memref<10000x128xf32, #tpu.memory_space<vmem_shared>>) offsets(%dma_start3A_139 : memref<128xi32, #tpu.memory_space<vmem>>) semaphore(%run_scoped3A_136 : memref<!tpu.dma_semaphore, #tpu.memory_space<semaphore_mem>>) {add = true}
          %dma_wait3A_143 = arith.constant 0 : i32
          %dma_wait3A_144 = tpu.memref_slice %arg6[%run_scoped3A, %dma_wait3A_143] : memref<1x128xi32, #tpu.memory_space<vmem>> -> memref<1x128xi32, #tpu.memory_space<vmem>>
          %dma_wait3A_145 = tpu.memref_squeeze %dma_wait3A_144 : memref<1x128xi32, #tpu.memory_space<vmem>> -> memref<128xi32, #tpu.memory_space<vmem>>
          %dma_wait3A_146 = arith.constant 0 : i32
          %dma_wait3A_147 = arith.constant 0 : i32
          %dma_wait3A_148 = tpu.memref_slice %arg12[%dma_wait3A_146, %dma_wait3A_147] : memref<10000x128xf32, #tpu.memory_space<vmem_shared>> -> memref<10000x128xf32, #tpu.memory_space<vmem_shared>>
          tpu.wait_indirect_dma semaphore(%run_scoped3A_136 : memref<!tpu.dma_semaphore, #tpu.memory_space<semaphore_mem>>) src(%arg9 : memref<128x128xf32, #tpu.memory_space<vmem>>) dst(%dma_wait3A_148 : memref<10000x128xf32, #tpu.memory_space<vmem_shared>>)
          tpu.yield
        }) : () -> ()
        %add3A_130 = arith.constant 3 : i32
        %add3A_131 = arith.addi %add3A_93, %add3A_130 : i32
        %lt3A_132 = arith.cmpi slt, %add3A_131, %add3A_6 : i32
        %convert_element_type3A_133 = arith.extui %lt3A_132 : i1 to i32
        %cond3A_134 = arith.constant 0 : i32
        %cond3A_135 = arith.cmpi ne, %convert_element_type3A_133, %cond3A_134 : i32
        scf.if %cond3A_135 {
          %add3A_136 = arith.constant 3 : i32
          %add3A_137 = arith.addi %add3A_93, %add3A_136 : i32
          %lt3A_138 = arith.constant 15 : i32
          %lt3A_139 = arith.cmpi slt, %add3A_137, %lt3A_138 : i32
          %add3A_140 = arith.addi %mul3A_2, %add3A_137 : i32
          %add3A_141 = arith.constant 240 : i32
          %add3A_142 = arith.addi %add3A_141, %arg1 : i32
          %select_n3A_143 = arith.select %lt3A_139, %add3A_140, %add3A_142 : i32
          %mul3A_144 = arith.constant 128 : i32
          %mul3A_145 = arith.muli %select_n3A_143, %mul3A_144 : i32
          %dma_start3A_146 = arith.constant 0 : i32
          %dma_start3A_147 = tpu.memref_slice %arg2[%arg0, %mul3A_145, %dma_start3A_146] : memref<2x32000x128xf32, #tpu.memory_space<hbm>> -> memref<1x128x128xf32, #tpu.memory_space<hbm>>
          %dma_start3A_148 = tpu.memref_squeeze %dma_start3A_147 : memref<1x128x128xf32, #tpu.memory_space<hbm>> -> memref<128x128xf32, #tpu.memory_space<hbm>>
          %dma_start3A_149 = arith.constant 0 : i32
          %dma_start3A_150 = tpu.memref_slice %arg2[%arg0, %mul3A_145, %dma_start3A_149] : memref<2x32000x128xf32, #tpu.memory_space<hbm>> -> memref<1x128x128xf32, #tpu.memory_space<hbm>>
          %dma_start3A_151 = tpu.memref_squeeze %dma_start3A_150 : memref<1x128x128xf32, #tpu.memory_space<hbm>> -> memref<128x128xf32, #tpu.memory_space<hbm>>
          tpu.enqueue_dma source(%dma_start3A_151 : memref<128x128xf32, #tpu.memory_space<hbm>>) target(%arg9 : memref<128x128xf32, #tpu.memory_space<vmem>>) target_semaphore(%arg16 : memref<!tpu.dma_semaphore, #tpu.memory_space<semaphore_mem>>)
          %add3A_152 = arith.constant 0 : i32
          %add3A_153 = arith.addi %select_n3A_143, %add3A_152 : i32
          %dma_start3A_154 = arith.constant 0 : i32
          %dma_start3A_155 = arith.constant 0 : i32
          %dma_start3A_156 = tpu.memref_slice %arg3[%add3A_153, %dma_start3A_154, %dma_start3A_155] : memref<2500x1x128xi32, #tpu.memory_space<hbm>> -> memref<1x1x128xi32, #tpu.memory_space<hbm>>
          %dma_start3A_157 = tpu.memref_squeeze %dma_start3A_156 : memref<1x1x128xi32, #tpu.memory_space<hbm>> -> memref<1x128xi32, #tpu.memory_space<hbm>>
          %dma_start3A_158 = arith.constant 0 : i32
          %dma_start3A_159 = arith.constant 0 : i32
          %dma_start3A_160 = tpu.memref_slice %arg3[%add3A_153, %dma_start3A_158, %dma_start3A_159] : memref<2500x1x128xi32, #tpu.memory_space<hbm>> -> memref<1x1x128xi32, #tpu.memory_space<hbm>>
          %dma_start3A_161 = tpu.memref_squeeze %dma_start3A_160 : memref<1x1x128xi32, #tpu.memory_space<hbm>> -> memref<1x128xi32, #tpu.memory_space<hbm>>
          tpu.enqueue_dma source(%dma_start3A_161 : memref<1x128xi32, #tpu.memory_space<hbm>>) target(%arg6 : memref<1x128xi32, #tpu.memory_space<vmem>>) target_semaphore(%arg13 : memref<!tpu.dma_semaphore, #tpu.memory_space<semaphore_mem>>)
        } else {
        }
      } else {
      }
      %mul3A_98 = arith.constant 3 : i32
      %mul3A_99 = arith.muli %scan3A_89, %mul3A_98 : i32
      %add3A_100 = arith.constant 1 : i32
      %add3A_101 = arith.addi %mul3A_99, %add3A_100 : i32
      %lt3A_102 = arith.cmpi slt, %add3A_101, %add3A_6 : i32
      %convert_element_type3A_103 = arith.extui %lt3A_102 : i1 to i32
      %cond3A_104 = arith.constant 0 : i32
      %cond3A_105 = arith.cmpi ne, %convert_element_type3A_103, %cond3A_104 : i32
      scf.if %cond3A_105 {
        %dma_wait3A = arith.constant 0 : i32
        %dma_wait3A_114 = arith.constant 0 : i32
        %dma_wait3A_115 = tpu.memref_slice %arg2[%arg0, %dma_wait3A, %dma_wait3A_114] : memref<2x32000x128xf32, #tpu.memory_space<hbm>> -> memref<1x128x128xf32, #tpu.memory_space<hbm>>
        %dma_wait3A_116 = tpu.memref_squeeze %dma_wait3A_115 : memref<1x128x128xf32, #tpu.memory_space<hbm>> -> memref<128x128xf32, #tpu.memory_space<hbm>>
        %dma_wait3A_117 = arith.constant 0 : i32
        %dma_wait3A_118 = arith.constant 0 : i32
        %dma_wait3A_119 = tpu.memref_slice %arg2[%arg0, %dma_wait3A_117, %dma_wait3A_118] : memref<2x32000x128xf32, #tpu.memory_space<hbm>> -> memref<1x128x128xf32, #tpu.memory_space<hbm>>
        %dma_wait3A_120 = tpu.memref_squeeze %dma_wait3A_119 : memref<1x128x128xf32, #tpu.memory_space<hbm>> -> memref<128x128xf32, #tpu.memory_space<hbm>>
        tpu.wait_dma2 semaphore(%arg17 : memref<!tpu.dma_semaphore, #tpu.memory_space<semaphore_mem>>) src(%dma_wait3A_120 : memref<128x128xf32, #tpu.memory_space<hbm>>) dst(%arg10 : memref<128x128xf32, #tpu.memory_space<vmem>>)
        %dma_wait3A_121 = arith.constant 0 : i32
        %dma_wait3A_122 = arith.constant 0 : i32
        %dma_wait3A_123 = arith.constant 0 : i32
        %dma_wait3A_124 = tpu.memref_slice %arg3[%dma_wait3A_121, %dma_wait3A_122, %dma_wait3A_123] : memref<2500x1x128xi32, #tpu.memory_space<hbm>> -> memref<1x1x128xi32, #tpu.memory_space<hbm>>
        %dma_wait3A_125 = tpu.memref_squeeze %dma_wait3A_124 : memref<1x1x128xi32, #tpu.memory_space<hbm>> -> memref<1x128xi32, #tpu.memory_space<hbm>>
        %dma_wait3A_126 = arith.constant 0 : i32
        %dma_wait3A_127 = arith.constant 0 : i32
        %dma_wait3A_128 = tpu.memref_slice %arg3[%dma_wait3A_121, %dma_wait3A_126, %dma_wait3A_127] : memref<2500x1x128xi32, #tpu.memory_space<hbm>> -> memref<1x1x128xi32, #tpu.memory_space<hbm>>
        %dma_wait3A_129 = tpu.memref_squeeze %dma_wait3A_128 : memref<1x1x128xi32, #tpu.memory_space<hbm>> -> memref<1x128xi32, #tpu.memory_space<hbm>>
        tpu.wait_dma2 semaphore(%arg14 : memref<!tpu.dma_semaphore, #tpu.memory_space<semaphore_mem>>) src(%dma_wait3A_129 : memref<1x128xi32, #tpu.memory_space<hbm>>) dst(%arg7 : memref<1x128xi32, #tpu.memory_space<vmem>>)
        %run_scoped3A = arith.constant 0 : i32
        "tpu.region"() ({
          %run_scoped3A_136 = tpu.sem_alloc : memref<!tpu.dma_semaphore, #tpu.memory_space<semaphore_mem>>
          %dma_start3A_137 = arith.constant 0 : i32
          %dma_start3A_138 = tpu.memref_slice %arg7[%run_scoped3A, %dma_start3A_137] : memref<1x128xi32, #tpu.memory_space<vmem>> -> memref<1x128xi32, #tpu.memory_space<vmem>>
          %dma_start3A_139 = tpu.memref_squeeze %dma_start3A_138 : memref<1x128xi32, #tpu.memory_space<vmem>> -> memref<128xi32, #tpu.memory_space<vmem>>
          %dma_start3A_140 = arith.constant 0 : i32
          %dma_start3A_141 = arith.constant 0 : i32
          %dma_start3A_142 = tpu.memref_slice %arg12[%dma_start3A_140, %dma_start3A_141] : memref<10000x128xf32, #tpu.memory_space<vmem_shared>> -> memref<10000x128xf32, #tpu.memory_space<vmem_shared>>
          tpu.enqueue_indirect_dma source(%arg10 : memref<128x128xf32, #tpu.memory_space<vmem>>) target(%dma_start3A_142 : memref<10000x128xf32, #tpu.memory_space<vmem_shared>>) offsets(%dma_start3A_139 : memref<128xi32, #tpu.memory_space<vmem>>) semaphore(%run_scoped3A_136 : memref<!tpu.dma_semaphore, #tpu.memory_space<semaphore_mem>>) {add = true}
          %dma_wait3A_143 = arith.constant 0 : i32
          %dma_wait3A_144 = tpu.memref_slice %arg7[%run_scoped3A, %dma_wait3A_143] : memref<1x128xi32, #tpu.memory_space<vmem>> -> memref<1x128xi32, #tpu.memory_space<vmem>>
          %dma_wait3A_145 = tpu.memref_squeeze %dma_wait3A_144 : memref<1x128xi32, #tpu.memory_space<vmem>> -> memref<128xi32, #tpu.memory_space<vmem>>
          %dma_wait3A_146 = arith.constant 0 : i32
          %dma_wait3A_147 = arith.constant 0 : i32
          %dma_wait3A_148 = tpu.memref_slice %arg12[%dma_wait3A_146, %dma_wait3A_147] : memref<10000x128xf32, #tpu.memory_space<vmem_shared>> -> memref<10000x128xf32, #tpu.memory_space<vmem_shared>>
          tpu.wait_indirect_dma semaphore(%run_scoped3A_136 : memref<!tpu.dma_semaphore, #tpu.memory_space<semaphore_mem>>) src(%arg10 : memref<128x128xf32, #tpu.memory_space<vmem>>) dst(%dma_wait3A_148 : memref<10000x128xf32, #tpu.memory_space<vmem_shared>>)
          tpu.yield
        }) : () -> ()
        %add3A_130 = arith.constant 3 : i32
        %add3A_131 = arith.addi %add3A_101, %add3A_130 : i32
        %lt3A_132 = arith.cmpi slt, %add3A_131, %add3A_6 : i32
        %convert_element_type3A_133 = arith.extui %lt3A_132 : i1 to i32
        %cond3A_134 = arith.constant 0 : i32
        %cond3A_135 = arith.cmpi ne, %convert_element_type3A_133, %cond3A_134 : i32
        scf.if %cond3A_135 {
          %add3A_136 = arith.constant 3 : i32
          %add3A_137 = arith.addi %add3A_101, %add3A_136 : i32
          %lt3A_138 = arith.constant 15 : i32
          %lt3A_139 = arith.cmpi slt, %add3A_137, %lt3A_138 : i32
          %add3A_140 = arith.addi %mul3A_2, %add3A_137 : i32
          %add3A_141 = arith.constant 240 : i32
          %add3A_142 = arith.addi %add3A_141, %arg1 : i32
          %select_n3A_143 = arith.select %lt3A_139, %add3A_140, %add3A_142 : i32
          %mul3A_144 = arith.constant 128 : i32
          %mul3A_145 = arith.muli %select_n3A_143, %mul3A_144 : i32
          %dma_start3A_146 = arith.constant 0 : i32
          %dma_start3A_147 = tpu.memref_slice %arg2[%arg0, %mul3A_145, %dma_start3A_146] : memref<2x32000x128xf32, #tpu.memory_space<hbm>> -> memref<1x128x128xf32, #tpu.memory_space<hbm>>
          %dma_start3A_148 = tpu.memref_squeeze %dma_start3A_147 : memref<1x128x128xf32, #tpu.memory_space<hbm>> -> memref<128x128xf32, #tpu.memory_space<hbm>>
          %dma_start3A_149 = arith.constant 0 : i32
          %dma_start3A_150 = tpu.memref_slice %arg2[%arg0, %mul3A_145, %dma_start3A_149] : memref<2x32000x128xf32, #tpu.memory_space<hbm>> -> memref<1x128x128xf32, #tpu.memory_space<hbm>>
          %dma_start3A_151 = tpu.memref_squeeze %dma_start3A_150 : memref<1x128x128xf32, #tpu.memory_space<hbm>> -> memref<128x128xf32, #tpu.memory_space<hbm>>
          tpu.enqueue_dma source(%dma_start3A_151 : memref<128x128xf32, #tpu.memory_space<hbm>>) target(%arg10 : memref<128x128xf32, #tpu.memory_space<vmem>>) target_semaphore(%arg17 : memref<!tpu.dma_semaphore, #tpu.memory_space<semaphore_mem>>)
          %add3A_152 = arith.constant 0 : i32
          %add3A_153 = arith.addi %select_n3A_143, %add3A_152 : i32
          %dma_start3A_154 = arith.constant 0 : i32
          %dma_start3A_155 = arith.constant 0 : i32
          %dma_start3A_156 = tpu.memref_slice %arg3[%add3A_153, %dma_start3A_154, %dma_start3A_155] : memref<2500x1x128xi32, #tpu.memory_space<hbm>> -> memref<1x1x128xi32, #tpu.memory_space<hbm>>
          %dma_start3A_157 = tpu.memref_squeeze %dma_start3A_156 : memref<1x1x128xi32, #tpu.memory_space<hbm>> -> memref<1x128xi32, #tpu.memory_space<hbm>>
          %dma_start3A_158 = arith.constant 0 : i32
          %dma_start3A_159 = arith.constant 0 : i32
          %dma_start3A_160 = tpu.memref_slice %arg3[%add3A_153, %dma_start3A_158, %dma_start3A_159] : memref<2500x1x128xi32, #tpu.memory_space<hbm>> -> memref<1x1x128xi32, #tpu.memory_space<hbm>>
          %dma_start3A_161 = tpu.memref_squeeze %dma_start3A_160 : memref<1x1x128xi32, #tpu.memory_space<hbm>> -> memref<1x128xi32, #tpu.memory_space<hbm>>
          tpu.enqueue_dma source(%dma_start3A_161 : memref<1x128xi32, #tpu.memory_space<hbm>>) target(%arg7 : memref<1x128xi32, #tpu.memory_space<vmem>>) target_semaphore(%arg14 : memref<!tpu.dma_semaphore, #tpu.memory_space<semaphore_mem>>)
        } else {
        }
      } else {
      }
      %mul3A_106 = arith.constant 3 : i32
      %mul3A_107 = arith.muli %scan3A_89, %mul3A_106 : i32
      %add3A_108 = arith.constant 2 : i32
      %add3A_109 = arith.addi %mul3A_107, %add3A_108 : i32
      %lt3A_110 = arith.cmpi slt, %add3A_109, %add3A_6 : i32
      %convert_element_type3A_111 = arith.extui %lt3A_110 : i1 to i32
      %cond3A_112 = arith.constant 0 : i32
      %cond3A_113 = arith.cmpi ne, %convert_element_type3A_111, %cond3A_112 : i32
      scf.if %cond3A_113 {
        %dma_wait3A = arith.constant 0 : i32
        %dma_wait3A_114 = arith.constant 0 : i32
        %dma_wait3A_115 = tpu.memref_slice %arg2[%arg0, %dma_wait3A, %dma_wait3A_114] : memref<2x32000x128xf32, #tpu.memory_space<hbm>> -> memref<1x128x128xf32, #tpu.memory_space<hbm>>
        %dma_wait3A_116 = tpu.memref_squeeze %dma_wait3A_115 : memref<1x128x128xf32, #tpu.memory_space<hbm>> -> memref<128x128xf32, #tpu.memory_space<hbm>>
        %dma_wait3A_117 = arith.constant 0 : i32
        %dma_wait3A_118 = arith.constant 0 : i32
        %dma_wait3A_119 = tpu.memref_slice %arg2[%arg0, %dma_wait3A_117, %dma_wait3A_118] : memref<2x32000x128xf32, #tpu.memory_space<hbm>> -> memref<1x128x128xf32, #tpu.memory_space<hbm>>
        %dma_wait3A_120 = tpu.memref_squeeze %dma_wait3A_119 : memref<1x128x128xf32, #tpu.memory_space<hbm>> -> memref<128x128xf32, #tpu.memory_space<hbm>>
        tpu.wait_dma2 semaphore(%arg18 : memref<!tpu.dma_semaphore, #tpu.memory_space<semaphore_mem>>) src(%dma_wait3A_120 : memref<128x128xf32, #tpu.memory_space<hbm>>) dst(%arg11 : memref<128x128xf32, #tpu.memory_space<vmem>>)
        %dma_wait3A_121 = arith.constant 0 : i32
        %dma_wait3A_122 = arith.constant 0 : i32
        %dma_wait3A_123 = arith.constant 0 : i32
        %dma_wait3A_124 = tpu.memref_slice %arg3[%dma_wait3A_121, %dma_wait3A_122, %dma_wait3A_123] : memref<2500x1x128xi32, #tpu.memory_space<hbm>> -> memref<1x1x128xi32, #tpu.memory_space<hbm>>
        %dma_wait3A_125 = tpu.memref_squeeze %dma_wait3A_124 : memref<1x1x128xi32, #tpu.memory_space<hbm>> -> memref<1x128xi32, #tpu.memory_space<hbm>>
        %dma_wait3A_126 = arith.constant 0 : i32
        %dma_wait3A_127 = arith.constant 0 : i32
        %dma_wait3A_128 = tpu.memref_slice %arg3[%dma_wait3A_121, %dma_wait3A_126, %dma_wait3A_127] : memref<2500x1x128xi32, #tpu.memory_space<hbm>> -> memref<1x1x128xi32, #tpu.memory_space<hbm>>
        %dma_wait3A_129 = tpu.memref_squeeze %dma_wait3A_128 : memref<1x1x128xi32, #tpu.memory_space<hbm>> -> memref<1x128xi32, #tpu.memory_space<hbm>>
        tpu.wait_dma2 semaphore(%arg15 : memref<!tpu.dma_semaphore, #tpu.memory_space<semaphore_mem>>) src(%dma_wait3A_129 : memref<1x128xi32, #tpu.memory_space<hbm>>) dst(%arg8 : memref<1x128xi32, #tpu.memory_space<vmem>>)
        %run_scoped3A = arith.constant 0 : i32
        "tpu.region"() ({
          %run_scoped3A_136 = tpu.sem_alloc : memref<!tpu.dma_semaphore, #tpu.memory_space<semaphore_mem>>
          %dma_start3A_137 = arith.constant 0 : i32
          %dma_start3A_138 = tpu.memref_slice %arg8[%run_scoped3A, %dma_start3A_137] : memref<1x128xi32, #tpu.memory_space<vmem>> -> memref<1x128xi32, #tpu.memory_space<vmem>>
          %dma_start3A_139 = tpu.memref_squeeze %dma_start3A_138 : memref<1x128xi32, #tpu.memory_space<vmem>> -> memref<128xi32, #tpu.memory_space<vmem>>
          %dma_start3A_140 = arith.constant 0 : i32
          %dma_start3A_141 = arith.constant 0 : i32
          %dma_start3A_142 = tpu.memref_slice %arg12[%dma_start3A_140, %dma_start3A_141] : memref<10000x128xf32, #tpu.memory_space<vmem_shared>> -> memref<10000x128xf32, #tpu.memory_space<vmem_shared>>
          tpu.enqueue_indirect_dma source(%arg11 : memref<128x128xf32, #tpu.memory_space<vmem>>) target(%dma_start3A_142 : memref<10000x128xf32, #tpu.memory_space<vmem_shared>>) offsets(%dma_start3A_139 : memref<128xi32, #tpu.memory_space<vmem>>) semaphore(%run_scoped3A_136 : memref<!tpu.dma_semaphore, #tpu.memory_space<semaphore_mem>>) {add = true}
          %dma_wait3A_143 = arith.constant 0 : i32
          %dma_wait3A_144 = tpu.memref_slice %arg8[%run_scoped3A, %dma_wait3A_143] : memref<1x128xi32, #tpu.memory_space<vmem>> -> memref<1x128xi32, #tpu.memory_space<vmem>>
          %dma_wait3A_145 = tpu.memref_squeeze %dma_wait3A_144 : memref<1x128xi32, #tpu.memory_space<vmem>> -> memref<128xi32, #tpu.memory_space<vmem>>
          %dma_wait3A_146 = arith.constant 0 : i32
          %dma_wait3A_147 = arith.constant 0 : i32
          %dma_wait3A_148 = tpu.memref_slice %arg12[%dma_wait3A_146, %dma_wait3A_147] : memref<10000x128xf32, #tpu.memory_space<vmem_shared>> -> memref<10000x128xf32, #tpu.memory_space<vmem_shared>>
          tpu.wait_indirect_dma semaphore(%run_scoped3A_136 : memref<!tpu.dma_semaphore, #tpu.memory_space<semaphore_mem>>) src(%arg11 : memref<128x128xf32, #tpu.memory_space<vmem>>) dst(%dma_wait3A_148 : memref<10000x128xf32, #tpu.memory_space<vmem_shared>>)
          tpu.yield
        }) : () -> ()
        %add3A_130 = arith.constant 3 : i32
        %add3A_131 = arith.addi %add3A_109, %add3A_130 : i32
        %lt3A_132 = arith.cmpi slt, %add3A_131, %add3A_6 : i32
        %convert_element_type3A_133 = arith.extui %lt3A_132 : i1 to i32
        %cond3A_134 = arith.constant 0 : i32
        %cond3A_135 = arith.cmpi ne, %convert_element_type3A_133, %cond3A_134 : i32
        scf.if %cond3A_135 {
          %add3A_136 = arith.constant 3 : i32
          %add3A_137 = arith.addi %add3A_109, %add3A_136 : i32
          %lt3A_138 = arith.constant 15 : i32
          %lt3A_139 = arith.cmpi slt, %add3A_137, %lt3A_138 : i32
          %add3A_140 = arith.addi %mul3A_2, %add3A_137 : i32
          %add3A_141 = arith.constant 240 : i32
          %add3A_142 = arith.addi %add3A_141, %arg1 : i32
          %select_n3A_143 = arith.select %lt3A_139, %add3A_140, %add3A_142 : i32
          %mul3A_144 = arith.constant 128 : i32
          %mul3A_145 = arith.muli %select_n3A_143, %mul3A_144 : i32
          %dma_start3A_146 = arith.constant 0 : i32
          %dma_start3A_147 = tpu.memref_slice %arg2[%arg0, %mul3A_145, %dma_start3A_146] : memref<2x32000x128xf32, #tpu.memory_space<hbm>> -> memref<1x128x128xf32, #tpu.memory_space<hbm>>
          %dma_start3A_148 = tpu.memref_squeeze %dma_start3A_147 : memref<1x128x128xf32, #tpu.memory_space<hbm>> -> memref<128x128xf32, #tpu.memory_space<hbm>>
          %dma_start3A_149 = arith.constant 0 : i32
          %dma_start3A_150 = tpu.memref_slice %arg2[%arg0, %mul3A_145, %dma_start3A_149] : memref<2x32000x128xf32, #tpu.memory_space<hbm>> -> memref<1x128x128xf32, #tpu.memory_space<hbm>>
          %dma_start3A_151 = tpu.memref_squeeze %dma_start3A_150 : memref<1x128x128xf32, #tpu.memory_space<hbm>> -> memref<128x128xf32, #tpu.memory_space<hbm>>
          tpu.enqueue_dma source(%dma_start3A_151 : memref<128x128xf32, #tpu.memory_space<hbm>>) target(%arg11 : memref<128x128xf32, #tpu.memory_space<vmem>>) target_semaphore(%arg18 : memref<!tpu.dma_semaphore, #tpu.memory_space<semaphore_mem>>)
          %add3A_152 = arith.constant 0 : i32
          %add3A_153 = arith.addi %select_n3A_143, %add3A_152 : i32
          %dma_start3A_154 = arith.constant 0 : i32
          %dma_start3A_155 = arith.constant 0 : i32
          %dma_start3A_156 = tpu.memref_slice %arg3[%add3A_153, %dma_start3A_154, %dma_start3A_155] : memref<2500x1x128xi32, #tpu.memory_space<hbm>> -> memref<1x1x128xi32, #tpu.memory_space<hbm>>
          %dma_start3A_157 = tpu.memref_squeeze %dma_start3A_156 : memref<1x1x128xi32, #tpu.memory_space<hbm>> -> memref<1x128xi32, #tpu.memory_space<hbm>>
          %dma_start3A_158 = arith.constant 0 : i32
          %dma_start3A_159 = arith.constant 0 : i32
          %dma_start3A_160 = tpu.memref_slice %arg3[%add3A_153, %dma_start3A_158, %dma_start3A_159] : memref<2500x1x128xi32, #tpu.memory_space<hbm>> -> memref<1x1x128xi32, #tpu.memory_space<hbm>>
          %dma_start3A_161 = tpu.memref_squeeze %dma_start3A_160 : memref<1x1x128xi32, #tpu.memory_space<hbm>> -> memref<1x128xi32, #tpu.memory_space<hbm>>
          tpu.enqueue_dma source(%dma_start3A_161 : memref<1x128xi32, #tpu.memory_space<hbm>>) target(%arg8 : memref<1x128xi32, #tpu.memory_space<vmem>>) target_semaphore(%arg15 : memref<!tpu.dma_semaphore, #tpu.memory_space<semaphore_mem>>)
        } else {
        }
      } else {
      }
    }
    %scan3A_82 = arith.constant 6 : i32
    %barrier3A_83 = arith.constant 0 : index
    tpu.barrier barrier_id(%barrier3A_83)
    %lt3A_84 = arith.constant 10 : i32
    %lt3A_85 = arith.cmpi slt, %arg1, %lt3A_84 : i32
    %convert_element_type3A_86 = arith.extui %lt3A_85 : i1 to i32
    %cond3A_87 = arith.constant 0 : i32
    %cond3A_88 = arith.cmpi ne, %convert_element_type3A_86, %cond3A_87 : i32
    scf.if %cond3A_88 {
      %mul3A_89 = arith.constant 1000 : i32
      %mul3A_90 = arith.muli %arg1, %mul3A_89 : i32
      "tpu.region"() ({
        %run_scoped3A = tpu.sem_alloc : memref<!tpu.dma_semaphore, #tpu.memory_space<semaphore_mem>>
        %dma_start3A_91 = arith.constant 0 : i32
        %dma_start3A_92 = tpu.memref_slice %arg5[%arg0, %mul3A_90, %dma_start3A_91] : memref<2x10000x128xf32, #tpu.memory_space<hbm>> -> memref<1x1000x128xf32, #tpu.memory_space<hbm>>
        %dma_start3A_93 = tpu.memref_squeeze %dma_start3A_92 : memref<1x1000x128xf32, #tpu.memory_space<hbm>> -> memref<1000x128xf32, #tpu.memory_space<hbm>>
        %dma_start3A_94 = arith.constant 0 : i32
        %dma_start3A_95 = tpu.memref_slice %arg12[%mul3A_90, %dma_start3A_94] : memref<10000x128xf32, #tpu.memory_space<vmem_shared>> -> memref<1000x128xf32, #tpu.memory_space<vmem_shared>>
        tpu.enqueue_dma source(%dma_start3A_95 : memref<1000x128xf32, #tpu.memory_space<vmem_shared>>) target(%dma_start3A_93 : memref<1000x128xf32, #tpu.memory_space<hbm>>) target_semaphore(%run_scoped3A : memref<!tpu.dma_semaphore, #tpu.memory_space<semaphore_mem>>)
        %dma_wait3A = arith.constant 0 : i32
        %dma_wait3A_96 = tpu.memref_slice %arg5[%arg0, %mul3A_90, %dma_wait3A] : memref<2x10000x128xf32, #tpu.memory_space<hbm>> -> memref<1x1000x128xf32, #tpu.memory_space<hbm>>
        %dma_wait3A_97 = tpu.memref_squeeze %dma_wait3A_96 : memref<1x1000x128xf32, #tpu.memory_space<hbm>> -> memref<1000x128xf32, #tpu.memory_space<hbm>>
        %dma_wait3A_98 = arith.constant 0 : i32
        %dma_wait3A_99 = tpu.memref_slice %arg12[%mul3A_90, %dma_wait3A_98] : memref<10000x128xf32, #tpu.memory_space<vmem_shared>> -> memref<1000x128xf32, #tpu.memory_space<vmem_shared>>
        tpu.wait_dma2 semaphore(%run_scoped3A : memref<!tpu.dma_semaphore, #tpu.memory_space<semaphore_mem>>) src(%dma_wait3A_99 : memref<1000x128xf32, #tpu.memory_space<vmem_shared>>) dst(%dma_wait3A_97 : memref<1000x128xf32, #tpu.memory_space<hbm>>)
        tpu.yield
      }) : () -> ()
    } else {
    }
    return
  }
}

#map = affine_map<(d0, d1) -> (0, 0, 0)>
module attributes {stable_mosaic.version = 14 : i64} {
  func.func @segsum(%arg0: i32, %arg1: i32, %arg2: memref<2x96000x128xf32, #tpu.memory_space<hbm>>, %arg3: memref<2500x1x128xi32, #tpu.memory_space<hbm>>, %arg4: memref<2x10000x128xf32, #tpu.memory_space<hbm>>, %arg5: memref<2x10000x128xf32, #tpu.memory_space<hbm>>, %arg6: memref<1x128xi32, #tpu.memory_space<vmem>>, %arg7: memref<1x128xi32, #tpu.memory_space<vmem>>, %arg8: memref<1x128xi32, #tpu.memory_space<vmem>>, %arg9: memref<128x128xf32, #tpu.memory_space<vmem>>, %arg10: memref<128x128xf32, #tpu.memory_space<vmem>>, %arg11: memref<128x128xf32, #tpu.memory_space<vmem>>, %arg12: memref<10000x128xf32, #tpu.memory_space<vmem_shared>>, %arg13: memref<!tpu.dma_semaphore, #tpu.memory_space<semaphore_mem>>, %arg14: memref<!tpu.dma_semaphore, #tpu.memory_space<semaphore_mem>>, %arg15: memref<!tpu.dma_semaphore, #tpu.memory_space<semaphore_mem>>, %arg16: memref<!tpu.dma_semaphore, #tpu.memory_space<semaphore_mem>>, %arg17: memref<!tpu.dma_semaphore, #tpu.memory_space<semaphore_mem>>, %arg18: memref<!tpu.dma_semaphore, #tpu.memory_space<semaphore_mem>>) attributes {dimension_semantics = [#tpu.dimension_semantics<core_parallel>, #tpu.dimension_semantics<subcore_parallel>], iteration_bounds = array<i64: 2, 16>, scalar_prefetch = 0 : i64, scratch_operands = 13 : i64, tpu.core_type = #tpu.core_type<sc_vector_subcore>, window_params = [{transform_indices = #map}, {transform_indices = #map}, {transform_indices = #map}, {transform_indices = #map}]} {
    %lt3A = arith.constant 10 : i32
    %lt3A_0 = arith.cmpi slt, %arg1, %lt3A : i32
    %convert_element_type3A = arith.extui %lt3A_0 : i1 to i32
    %cond3A = arith.constant 0 : i32
    %cond3A_1 = arith.cmpi ne, %convert_element_type3A, %cond3A : i32
    scf.if %cond3A_1 {
      %mul3A_89 = arith.constant 1000 : i32
      %mul3A_90 = arith.muli %arg1, %mul3A_89 : i32
      "tpu.region"() ({
        %run_scoped3A = tpu.sem_alloc : memref<!tpu.dma_semaphore, #tpu.memory_space<semaphore_mem>>
        %dma_start3A_91 = arith.constant 0 : i32
        %dma_start3A_92 = tpu.memref_slice %arg12[%mul3A_90, %dma_start3A_91] : memref<10000x128xf32, #tpu.memory_space<vmem_shared>> -> memref<1000x128xf32, #tpu.memory_space<vmem_shared>>
        %dma_start3A_93 = arith.constant 0 : i32
        %dma_start3A_94 = tpu.memref_slice %arg4[%arg0, %mul3A_90, %dma_start3A_93] : memref<2x10000x128xf32, #tpu.memory_space<hbm>> -> memref<1x1000x128xf32, #tpu.memory_space<hbm>>
        %dma_start3A_95 = tpu.memref_squeeze %dma_start3A_94 : memref<1x1000x128xf32, #tpu.memory_space<hbm>> -> memref<1000x128xf32, #tpu.memory_space<hbm>>
        tpu.enqueue_dma source(%dma_start3A_95 : memref<1000x128xf32, #tpu.memory_space<hbm>>) target(%dma_start3A_92 : memref<1000x128xf32, #tpu.memory_space<vmem_shared>>) target_semaphore(%run_scoped3A : memref<!tpu.dma_semaphore, #tpu.memory_space<semaphore_mem>>)
        %dma_wait3A = arith.constant 0 : i32
        %dma_wait3A_96 = tpu.memref_slice %arg12[%mul3A_90, %dma_wait3A] : memref<10000x128xf32, #tpu.memory_space<vmem_shared>> -> memref<1000x128xf32, #tpu.memory_space<vmem_shared>>
        %dma_wait3A_97 = arith.constant 0 : i32
        %dma_wait3A_98 = tpu.memref_slice %arg4[%arg0, %mul3A_90, %dma_wait3A_97] : memref<2x10000x128xf32, #tpu.memory_space<hbm>> -> memref<1x1000x128xf32, #tpu.memory_space<hbm>>
        %dma_wait3A_99 = tpu.memref_squeeze %dma_wait3A_98 : memref<1x1000x128xf32, #tpu.memory_space<hbm>> -> memref<1000x128xf32, #tpu.memory_space<hbm>>
        tpu.wait_dma2 semaphore(%run_scoped3A : memref<!tpu.dma_semaphore, #tpu.memory_space<semaphore_mem>>) src(%dma_wait3A_99 : memref<1000x128xf32, #tpu.memory_space<hbm>>) dst(%dma_wait3A_96 : memref<1000x128xf32, #tpu.memory_space<vmem_shared>>)
        tpu.yield
      }) : () -> ()
    } else {
    }
    %barrier3A = arith.constant 0 : index
    tpu.barrier barrier_id(%barrier3A)
    %mul3A = arith.constant 46 : i32
    %mul3A_2 = arith.muli %arg1, %mul3A : i32
    %lt3A_3 = arith.constant 14 : i32
    %lt3A_4 = arith.cmpi slt, %arg1, %lt3A_3 : i32
    %jit3A = arith.constant 1 : i32
    %jit3A_5 = arith.constant 0 : i32
    %select_n3A = arith.select %lt3A_4, %jit3A, %jit3A_5 : i32
    %add3A = arith.constant 46 : i32
    %add3A_6 = arith.addi %add3A, %select_n3A : i32
    %add3A_7 = arith.constant 0 : i32
    %add3A_8 = arith.addi %mul3A_2, %add3A_7 : i32
    %add3A_9 = arith.constant 736 : i32
    %add3A_10 = arith.addi %add3A_9, %arg1 : i32
    %jit3A_11 = arith.constant true
    %select_n3A_12 = arith.select %jit3A_11, %add3A_8, %add3A_10 : i32
    %mul3A_13 = arith.constant 128 : i32
    %mul3A_14 = arith.muli %select_n3A_12, %mul3A_13 : i32
    %dma_start3A = arith.constant 0 : i32
    %dma_start3A_15 = tpu.memref_slice %arg2[%arg0, %mul3A_14, %dma_start3A] : memref<2x96000x128xf32, #tpu.memory_space<hbm>> -> memref<1x128x128xf32, #tpu.memory_space<hbm>>
    %dma_start3A_16 = tpu.memref_squeeze %dma_start3A_15 : memref<1x128x128xf32, #tpu.memory_space<hbm>> -> memref<128x128xf32, #tpu.memory_space<hbm>>
    %dma_start3A_17 = arith.constant 0 : i32
    %dma_start3A_18 = tpu.memref_slice %arg2[%arg0, %mul3A_14, %dma_start3A_17] : memref<2x96000x128xf32, #tpu.memory_space<hbm>> -> memref<1x128x128xf32, #tpu.memory_space<hbm>>
    %dma_start3A_19 = tpu.memref_squeeze %dma_start3A_18 : memref<1x128x128xf32, #tpu.memory_space<hbm>> -> memref<128x128xf32, #tpu.memory_space<hbm>>
    tpu.enqueue_dma source(%dma_start3A_19 : memref<128x128xf32, #tpu.memory_space<hbm>>) target(%arg9 : memref<128x128xf32, #tpu.memory_space<vmem>>) target_semaphore(%arg16 : memref<!tpu.dma_semaphore, #tpu.memory_space<semaphore_mem>>)
    %add3A_20 = arith.constant 1000 : i32
    %add3A_21 = arith.addi %select_n3A_12, %add3A_20 : i32
    %dma_start3A_22 = arith.constant 0 : i32
    %dma_start3A_23 = arith.constant 0 : i32
    %dma_start3A_24 = tpu.memref_slice %arg3[%add3A_21, %dma_start3A_22, %dma_start3A_23] : memref<2500x1x128xi32, #tpu.memory_space<hbm>> -> memref<1x1x128xi32, #tpu.memory_space<hbm>>
    %dma_start3A_25 = tpu.memref_squeeze %dma_start3A_24 : memref<1x1x128xi32, #tpu.memory_space<hbm>> -> memref<1x128xi32, #tpu.memory_space<hbm>>
    %dma_start3A_26 = arith.constant 0 : i32
    %dma_start3A_27 = arith.constant 0 : i32
    %dma_start3A_28 = tpu.memref_slice %arg3[%add3A_21, %dma_start3A_26, %dma_start3A_27] : memref<2500x1x128xi32, #tpu.memory_space<hbm>> -> memref<1x1x128xi32, #tpu.memory_space<hbm>>
    %dma_start3A_29 = tpu.memref_squeeze %dma_start3A_28 : memref<1x1x128xi32, #tpu.memory_space<hbm>> -> memref<1x128xi32, #tpu.memory_space<hbm>>
    tpu.enqueue_dma source(%dma_start3A_29 : memref<1x128xi32, #tpu.memory_space<hbm>>) target(%arg6 : memref<1x128xi32, #tpu.memory_space<vmem>>) target_semaphore(%arg13 : memref<!tpu.dma_semaphore, #tpu.memory_space<semaphore_mem>>)
    %add3A_30 = arith.constant 1 : i32
    %add3A_31 = arith.addi %mul3A_2, %add3A_30 : i32
    %add3A_32 = arith.constant 736 : i32
    %add3A_33 = arith.addi %add3A_32, %arg1 : i32
    %jit3A_34 = arith.constant true
    %select_n3A_35 = arith.select %jit3A_34, %add3A_31, %add3A_33 : i32
    %mul3A_36 = arith.constant 128 : i32
    %mul3A_37 = arith.muli %select_n3A_35, %mul3A_36 : i32
    %dma_start3A_38 = arith.constant 0 : i32
    %dma_start3A_39 = tpu.memref_slice %arg2[%arg0, %mul3A_37, %dma_start3A_38] : memref<2x96000x128xf32, #tpu.memory_space<hbm>> -> memref<1x128x128xf32, #tpu.memory_space<hbm>>
    %dma_start3A_40 = tpu.memref_squeeze %dma_start3A_39 : memref<1x128x128xf32, #tpu.memory_space<hbm>> -> memref<128x128xf32, #tpu.memory_space<hbm>>
    %dma_start3A_41 = arith.constant 0 : i32
    %dma_start3A_42 = tpu.memref_slice %arg2[%arg0, %mul3A_37, %dma_start3A_41] : memref<2x96000x128xf32, #tpu.memory_space<hbm>> -> memref<1x128x128xf32, #tpu.memory_space<hbm>>
    %dma_start3A_43 = tpu.memref_squeeze %dma_start3A_42 : memref<1x128x128xf32, #tpu.memory_space<hbm>> -> memref<128x128xf32, #tpu.memory_space<hbm>>
    tpu.enqueue_dma source(%dma_start3A_43 : memref<128x128xf32, #tpu.memory_space<hbm>>) target(%arg10 : memref<128x128xf32, #tpu.memory_space<vmem>>) target_semaphore(%arg17 : memref<!tpu.dma_semaphore, #tpu.memory_space<semaphore_mem>>)
    %add3A_44 = arith.constant 1000 : i32
    %add3A_45 = arith.addi %select_n3A_35, %add3A_44 : i32
    %dma_start3A_46 = arith.constant 0 : i32
    %dma_start3A_47 = arith.constant 0 : i32
    %dma_start3A_48 = tpu.memref_slice %arg3[%add3A_45, %dma_start3A_46, %dma_start3A_47] : memref<2500x1x128xi32, #tpu.memory_space<hbm>> -> memref<1x1x128xi32, #tpu.memory_space<hbm>>
    %dma_start3A_49 = tpu.memref_squeeze %dma_start3A_48 : memref<1x1x128xi32, #tpu.memory_space<hbm>> -> memref<1x128xi32, #tpu.memory_space<hbm>>
    %dma_start3A_50 = arith.constant 0 : i32
    %dma_start3A_51 = arith.constant 0 : i32
    %dma_start3A_52 = tpu.memref_slice %arg3[%add3A_45, %dma_start3A_50, %dma_start3A_51] : memref<2500x1x128xi32, #tpu.memory_space<hbm>> -> memref<1x1x128xi32, #tpu.memory_space<hbm>>
    %dma_start3A_53 = tpu.memref_squeeze %dma_start3A_52 : memref<1x1x128xi32, #tpu.memory_space<hbm>> -> memref<1x128xi32, #tpu.memory_space<hbm>>
    tpu.enqueue_dma source(%dma_start3A_53 : memref<1x128xi32, #tpu.memory_space<hbm>>) target(%arg7 : memref<1x128xi32, #tpu.memory_space<vmem>>) target_semaphore(%arg14 : memref<!tpu.dma_semaphore, #tpu.memory_space<semaphore_mem>>)
    %add3A_54 = arith.constant 2 : i32
    %add3A_55 = arith.addi %mul3A_2, %add3A_54 : i32
    %add3A_56 = arith.constant 736 : i32
    %add3A_57 = arith.addi %add3A_56, %arg1 : i32
    %jit3A_58 = arith.constant true
    %select_n3A_59 = arith.select %jit3A_58, %add3A_55, %add3A_57 : i32
    %mul3A_60 = arith.constant 128 : i32
    %mul3A_61 = arith.muli %select_n3A_59, %mul3A_60 : i32
    %dma_start3A_62 = arith.constant 0 : i32
    %dma_start3A_63 = tpu.memref_slice %arg2[%arg0, %mul3A_61, %dma_start3A_62] : memref<2x96000x128xf32, #tpu.memory_space<hbm>> -> memref<1x128x128xf32, #tpu.memory_space<hbm>>
    %dma_start3A_64 = tpu.memref_squeeze %dma_start3A_63 : memref<1x128x128xf32, #tpu.memory_space<hbm>> -> memref<128x128xf32, #tpu.memory_space<hbm>>
    %dma_start3A_65 = arith.constant 0 : i32
    %dma_start3A_66 = tpu.memref_slice %arg2[%arg0, %mul3A_61, %dma_start3A_65] : memref<2x96000x128xf32, #tpu.memory_space<hbm>> -> memref<1x128x128xf32, #tpu.memory_space<hbm>>
    %dma_start3A_67 = tpu.memref_squeeze %dma_start3A_66 : memref<1x128x128xf32, #tpu.memory_space<hbm>> -> memref<128x128xf32, #tpu.memory_space<hbm>>
    tpu.enqueue_dma source(%dma_start3A_67 : memref<128x128xf32, #tpu.memory_space<hbm>>) target(%arg11 : memref<128x128xf32, #tpu.memory_space<vmem>>) target_semaphore(%arg18 : memref<!tpu.dma_semaphore, #tpu.memory_space<semaphore_mem>>)
    %add3A_68 = arith.constant 1000 : i32
    %add3A_69 = arith.addi %select_n3A_59, %add3A_68 : i32
    %dma_start3A_70 = arith.constant 0 : i32
    %dma_start3A_71 = arith.constant 0 : i32
    %dma_start3A_72 = tpu.memref_slice %arg3[%add3A_69, %dma_start3A_70, %dma_start3A_71] : memref<2500x1x128xi32, #tpu.memory_space<hbm>> -> memref<1x1x128xi32, #tpu.memory_space<hbm>>
    %dma_start3A_73 = tpu.memref_squeeze %dma_start3A_72 : memref<1x1x128xi32, #tpu.memory_space<hbm>> -> memref<1x128xi32, #tpu.memory_space<hbm>>
    %dma_start3A_74 = arith.constant 0 : i32
    %dma_start3A_75 = arith.constant 0 : i32
    %dma_start3A_76 = tpu.memref_slice %arg3[%add3A_69, %dma_start3A_74, %dma_start3A_75] : memref<2500x1x128xi32, #tpu.memory_space<hbm>> -> memref<1x1x128xi32, #tpu.memory_space<hbm>>
    %dma_start3A_77 = tpu.memref_squeeze %dma_start3A_76 : memref<1x1x128xi32, #tpu.memory_space<hbm>> -> memref<1x128xi32, #tpu.memory_space<hbm>>
    tpu.enqueue_dma source(%dma_start3A_77 : memref<1x128xi32, #tpu.memory_space<hbm>>) target(%arg8 : memref<1x128xi32, #tpu.memory_space<vmem>>) target_semaphore(%arg15 : memref<!tpu.dma_semaphore, #tpu.memory_space<semaphore_mem>>)
    %scan3A = arith.constant 0 : i32
    %scan3A_78 = arith.constant 0 : i32
    %scan3A_79 = arith.constant 16 : i32
    %scan3A_80 = arith.addi %scan3A_78, %scan3A_79 : i32
    %scan3A_81 = arith.constant 1 : i32
    scf.for %scan3A_89 = %scan3A_78 to %scan3A_80 step %scan3A_81  : i32 {
      %mul3A_90 = arith.constant 3 : i32
      %mul3A_91 = arith.muli %scan3A_89, %mul3A_90 : i32
      %add3A_92 = arith.constant 0 : i32
      %add3A_93 = arith.addi %mul3A_91, %add3A_92 : i32
      %lt3A_94 = arith.cmpi slt, %add3A_93, %add3A_6 : i32
      %convert_element_type3A_95 = arith.extui %lt3A_94 : i1 to i32
      %cond3A_96 = arith.constant 0 : i32
      %cond3A_97 = arith.cmpi ne, %convert_element_type3A_95, %cond3A_96 : i32
      scf.if %cond3A_97 {
        %dma_wait3A = arith.constant 0 : i32
        %dma_wait3A_114 = arith.constant 0 : i32
        %dma_wait3A_115 = tpu.memref_slice %arg2[%arg0, %dma_wait3A, %dma_wait3A_114] : memref<2x96000x128xf32, #tpu.memory_space<hbm>> -> memref<1x128x128xf32, #tpu.memory_space<hbm>>
        %dma_wait3A_116 = tpu.memref_squeeze %dma_wait3A_115 : memref<1x128x128xf32, #tpu.memory_space<hbm>> -> memref<128x128xf32, #tpu.memory_space<hbm>>
        %dma_wait3A_117 = arith.constant 0 : i32
        %dma_wait3A_118 = arith.constant 0 : i32
        %dma_wait3A_119 = tpu.memref_slice %arg2[%arg0, %dma_wait3A_117, %dma_wait3A_118] : memref<2x96000x128xf32, #tpu.memory_space<hbm>> -> memref<1x128x128xf32, #tpu.memory_space<hbm>>
        %dma_wait3A_120 = tpu.memref_squeeze %dma_wait3A_119 : memref<1x128x128xf32, #tpu.memory_space<hbm>> -> memref<128x128xf32, #tpu.memory_space<hbm>>
        tpu.wait_dma2 semaphore(%arg16 : memref<!tpu.dma_semaphore, #tpu.memory_space<semaphore_mem>>) src(%dma_wait3A_120 : memref<128x128xf32, #tpu.memory_space<hbm>>) dst(%arg9 : memref<128x128xf32, #tpu.memory_space<vmem>>)
        %dma_wait3A_121 = arith.constant 0 : i32
        %dma_wait3A_122 = arith.constant 0 : i32
        %dma_wait3A_123 = arith.constant 0 : i32
        %dma_wait3A_124 = tpu.memref_slice %arg3[%dma_wait3A_121, %dma_wait3A_122, %dma_wait3A_123] : memref<2500x1x128xi32, #tpu.memory_space<hbm>> -> memref<1x1x128xi32, #tpu.memory_space<hbm>>
        %dma_wait3A_125 = tpu.memref_squeeze %dma_wait3A_124 : memref<1x1x128xi32, #tpu.memory_space<hbm>> -> memref<1x128xi32, #tpu.memory_space<hbm>>
        %dma_wait3A_126 = arith.constant 0 : i32
        %dma_wait3A_127 = arith.constant 0 : i32
        %dma_wait3A_128 = tpu.memref_slice %arg3[%dma_wait3A_121, %dma_wait3A_126, %dma_wait3A_127] : memref<2500x1x128xi32, #tpu.memory_space<hbm>> -> memref<1x1x128xi32, #tpu.memory_space<hbm>>
        %dma_wait3A_129 = tpu.memref_squeeze %dma_wait3A_128 : memref<1x1x128xi32, #tpu.memory_space<hbm>> -> memref<1x128xi32, #tpu.memory_space<hbm>>
        tpu.wait_dma2 semaphore(%arg13 : memref<!tpu.dma_semaphore, #tpu.memory_space<semaphore_mem>>) src(%dma_wait3A_129 : memref<1x128xi32, #tpu.memory_space<hbm>>) dst(%arg6 : memref<1x128xi32, #tpu.memory_space<vmem>>)
        %run_scoped3A = arith.constant 0 : i32
        "tpu.region"() ({
          %run_scoped3A_136 = tpu.sem_alloc : memref<!tpu.dma_semaphore, #tpu.memory_space<semaphore_mem>>
          %dma_start3A_137 = arith.constant 0 : i32
          %dma_start3A_138 = tpu.memref_slice %arg6[%run_scoped3A, %dma_start3A_137] : memref<1x128xi32, #tpu.memory_space<vmem>> -> memref<1x128xi32, #tpu.memory_space<vmem>>
          %dma_start3A_139 = tpu.memref_squeeze %dma_start3A_138 : memref<1x128xi32, #tpu.memory_space<vmem>> -> memref<128xi32, #tpu.memory_space<vmem>>
          %dma_start3A_140 = arith.constant 0 : i32
          %dma_start3A_141 = arith.constant 0 : i32
          %dma_start3A_142 = tpu.memref_slice %arg12[%dma_start3A_140, %dma_start3A_141] : memref<10000x128xf32, #tpu.memory_space<vmem_shared>> -> memref<10000x128xf32, #tpu.memory_space<vmem_shared>>
          tpu.enqueue_indirect_dma source(%arg9 : memref<128x128xf32, #tpu.memory_space<vmem>>) target(%dma_start3A_142 : memref<10000x128xf32, #tpu.memory_space<vmem_shared>>) offsets(%dma_start3A_139 : memref<128xi32, #tpu.memory_space<vmem>>) semaphore(%run_scoped3A_136 : memref<!tpu.dma_semaphore, #tpu.memory_space<semaphore_mem>>) {add = true}
          %dma_wait3A_143 = arith.constant 0 : i32
          %dma_wait3A_144 = tpu.memref_slice %arg6[%run_scoped3A, %dma_wait3A_143] : memref<1x128xi32, #tpu.memory_space<vmem>> -> memref<1x128xi32, #tpu.memory_space<vmem>>
          %dma_wait3A_145 = tpu.memref_squeeze %dma_wait3A_144 : memref<1x128xi32, #tpu.memory_space<vmem>> -> memref<128xi32, #tpu.memory_space<vmem>>
          %dma_wait3A_146 = arith.constant 0 : i32
          %dma_wait3A_147 = arith.constant 0 : i32
          %dma_wait3A_148 = tpu.memref_slice %arg12[%dma_wait3A_146, %dma_wait3A_147] : memref<10000x128xf32, #tpu.memory_space<vmem_shared>> -> memref<10000x128xf32, #tpu.memory_space<vmem_shared>>
          tpu.wait_indirect_dma semaphore(%run_scoped3A_136 : memref<!tpu.dma_semaphore, #tpu.memory_space<semaphore_mem>>) src(%arg9 : memref<128x128xf32, #tpu.memory_space<vmem>>) dst(%dma_wait3A_148 : memref<10000x128xf32, #tpu.memory_space<vmem_shared>>)
          tpu.yield
        }) : () -> ()
        %add3A_130 = arith.constant 3 : i32
        %add3A_131 = arith.addi %add3A_93, %add3A_130 : i32
        %lt3A_132 = arith.cmpi slt, %add3A_131, %add3A_6 : i32
        %convert_element_type3A_133 = arith.extui %lt3A_132 : i1 to i32
        %cond3A_134 = arith.constant 0 : i32
        %cond3A_135 = arith.cmpi ne, %convert_element_type3A_133, %cond3A_134 : i32
        scf.if %cond3A_135 {
          %add3A_136 = arith.constant 3 : i32
          %add3A_137 = arith.addi %add3A_93, %add3A_136 : i32
          %lt3A_138 = arith.constant 46 : i32
          %lt3A_139 = arith.cmpi slt, %add3A_137, %lt3A_138 : i32
          %add3A_140 = arith.addi %mul3A_2, %add3A_137 : i32
          %add3A_141 = arith.constant 736 : i32
          %add3A_142 = arith.addi %add3A_141, %arg1 : i32
          %select_n3A_143 = arith.select %lt3A_139, %add3A_140, %add3A_142 : i32
          %mul3A_144 = arith.constant 128 : i32
          %mul3A_145 = arith.muli %select_n3A_143, %mul3A_144 : i32
          %dma_start3A_146 = arith.constant 0 : i32
          %dma_start3A_147 = tpu.memref_slice %arg2[%arg0, %mul3A_145, %dma_start3A_146] : memref<2x96000x128xf32, #tpu.memory_space<hbm>> -> memref<1x128x128xf32, #tpu.memory_space<hbm>>
          %dma_start3A_148 = tpu.memref_squeeze %dma_start3A_147 : memref<1x128x128xf32, #tpu.memory_space<hbm>> -> memref<128x128xf32, #tpu.memory_space<hbm>>
          %dma_start3A_149 = arith.constant 0 : i32
          %dma_start3A_150 = tpu.memref_slice %arg2[%arg0, %mul3A_145, %dma_start3A_149] : memref<2x96000x128xf32, #tpu.memory_space<hbm>> -> memref<1x128x128xf32, #tpu.memory_space<hbm>>
          %dma_start3A_151 = tpu.memref_squeeze %dma_start3A_150 : memref<1x128x128xf32, #tpu.memory_space<hbm>> -> memref<128x128xf32, #tpu.memory_space<hbm>>
          tpu.enqueue_dma source(%dma_start3A_151 : memref<128x128xf32, #tpu.memory_space<hbm>>) target(%arg9 : memref<128x128xf32, #tpu.memory_space<vmem>>) target_semaphore(%arg16 : memref<!tpu.dma_semaphore, #tpu.memory_space<semaphore_mem>>)
          %add3A_152 = arith.constant 1000 : i32
          %add3A_153 = arith.addi %select_n3A_143, %add3A_152 : i32
          %dma_start3A_154 = arith.constant 0 : i32
          %dma_start3A_155 = arith.constant 0 : i32
          %dma_start3A_156 = tpu.memref_slice %arg3[%add3A_153, %dma_start3A_154, %dma_start3A_155] : memref<2500x1x128xi32, #tpu.memory_space<hbm>> -> memref<1x1x128xi32, #tpu.memory_space<hbm>>
          %dma_start3A_157 = tpu.memref_squeeze %dma_start3A_156 : memref<1x1x128xi32, #tpu.memory_space<hbm>> -> memref<1x128xi32, #tpu.memory_space<hbm>>
          %dma_start3A_158 = arith.constant 0 : i32
          %dma_start3A_159 = arith.constant 0 : i32
          %dma_start3A_160 = tpu.memref_slice %arg3[%add3A_153, %dma_start3A_158, %dma_start3A_159] : memref<2500x1x128xi32, #tpu.memory_space<hbm>> -> memref<1x1x128xi32, #tpu.memory_space<hbm>>
          %dma_start3A_161 = tpu.memref_squeeze %dma_start3A_160 : memref<1x1x128xi32, #tpu.memory_space<hbm>> -> memref<1x128xi32, #tpu.memory_space<hbm>>
          tpu.enqueue_dma source(%dma_start3A_161 : memref<1x128xi32, #tpu.memory_space<hbm>>) target(%arg6 : memref<1x128xi32, #tpu.memory_space<vmem>>) target_semaphore(%arg13 : memref<!tpu.dma_semaphore, #tpu.memory_space<semaphore_mem>>)
        } else {
        }
      } else {
      }
      %mul3A_98 = arith.constant 3 : i32
      %mul3A_99 = arith.muli %scan3A_89, %mul3A_98 : i32
      %add3A_100 = arith.constant 1 : i32
      %add3A_101 = arith.addi %mul3A_99, %add3A_100 : i32
      %lt3A_102 = arith.cmpi slt, %add3A_101, %add3A_6 : i32
      %convert_element_type3A_103 = arith.extui %lt3A_102 : i1 to i32
      %cond3A_104 = arith.constant 0 : i32
      %cond3A_105 = arith.cmpi ne, %convert_element_type3A_103, %cond3A_104 : i32
      scf.if %cond3A_105 {
        %dma_wait3A = arith.constant 0 : i32
        %dma_wait3A_114 = arith.constant 0 : i32
        %dma_wait3A_115 = tpu.memref_slice %arg2[%arg0, %dma_wait3A, %dma_wait3A_114] : memref<2x96000x128xf32, #tpu.memory_space<hbm>> -> memref<1x128x128xf32, #tpu.memory_space<hbm>>
        %dma_wait3A_116 = tpu.memref_squeeze %dma_wait3A_115 : memref<1x128x128xf32, #tpu.memory_space<hbm>> -> memref<128x128xf32, #tpu.memory_space<hbm>>
        %dma_wait3A_117 = arith.constant 0 : i32
        %dma_wait3A_118 = arith.constant 0 : i32
        %dma_wait3A_119 = tpu.memref_slice %arg2[%arg0, %dma_wait3A_117, %dma_wait3A_118] : memref<2x96000x128xf32, #tpu.memory_space<hbm>> -> memref<1x128x128xf32, #tpu.memory_space<hbm>>
        %dma_wait3A_120 = tpu.memref_squeeze %dma_wait3A_119 : memref<1x128x128xf32, #tpu.memory_space<hbm>> -> memref<128x128xf32, #tpu.memory_space<hbm>>
        tpu.wait_dma2 semaphore(%arg17 : memref<!tpu.dma_semaphore, #tpu.memory_space<semaphore_mem>>) src(%dma_wait3A_120 : memref<128x128xf32, #tpu.memory_space<hbm>>) dst(%arg10 : memref<128x128xf32, #tpu.memory_space<vmem>>)
        %dma_wait3A_121 = arith.constant 0 : i32
        %dma_wait3A_122 = arith.constant 0 : i32
        %dma_wait3A_123 = arith.constant 0 : i32
        %dma_wait3A_124 = tpu.memref_slice %arg3[%dma_wait3A_121, %dma_wait3A_122, %dma_wait3A_123] : memref<2500x1x128xi32, #tpu.memory_space<hbm>> -> memref<1x1x128xi32, #tpu.memory_space<hbm>>
        %dma_wait3A_125 = tpu.memref_squeeze %dma_wait3A_124 : memref<1x1x128xi32, #tpu.memory_space<hbm>> -> memref<1x128xi32, #tpu.memory_space<hbm>>
        %dma_wait3A_126 = arith.constant 0 : i32
        %dma_wait3A_127 = arith.constant 0 : i32
        %dma_wait3A_128 = tpu.memref_slice %arg3[%dma_wait3A_121, %dma_wait3A_126, %dma_wait3A_127] : memref<2500x1x128xi32, #tpu.memory_space<hbm>> -> memref<1x1x128xi32, #tpu.memory_space<hbm>>
        %dma_wait3A_129 = tpu.memref_squeeze %dma_wait3A_128 : memref<1x1x128xi32, #tpu.memory_space<hbm>> -> memref<1x128xi32, #tpu.memory_space<hbm>>
        tpu.wait_dma2 semaphore(%arg14 : memref<!tpu.dma_semaphore, #tpu.memory_space<semaphore_mem>>) src(%dma_wait3A_129 : memref<1x128xi32, #tpu.memory_space<hbm>>) dst(%arg7 : memref<1x128xi32, #tpu.memory_space<vmem>>)
        %run_scoped3A = arith.constant 0 : i32
        "tpu.region"() ({
          %run_scoped3A_136 = tpu.sem_alloc : memref<!tpu.dma_semaphore, #tpu.memory_space<semaphore_mem>>
          %dma_start3A_137 = arith.constant 0 : i32
          %dma_start3A_138 = tpu.memref_slice %arg7[%run_scoped3A, %dma_start3A_137] : memref<1x128xi32, #tpu.memory_space<vmem>> -> memref<1x128xi32, #tpu.memory_space<vmem>>
          %dma_start3A_139 = tpu.memref_squeeze %dma_start3A_138 : memref<1x128xi32, #tpu.memory_space<vmem>> -> memref<128xi32, #tpu.memory_space<vmem>>
          %dma_start3A_140 = arith.constant 0 : i32
          %dma_start3A_141 = arith.constant 0 : i32
          %dma_start3A_142 = tpu.memref_slice %arg12[%dma_start3A_140, %dma_start3A_141] : memref<10000x128xf32, #tpu.memory_space<vmem_shared>> -> memref<10000x128xf32, #tpu.memory_space<vmem_shared>>
          tpu.enqueue_indirect_dma source(%arg10 : memref<128x128xf32, #tpu.memory_space<vmem>>) target(%dma_start3A_142 : memref<10000x128xf32, #tpu.memory_space<vmem_shared>>) offsets(%dma_start3A_139 : memref<128xi32, #tpu.memory_space<vmem>>) semaphore(%run_scoped3A_136 : memref<!tpu.dma_semaphore, #tpu.memory_space<semaphore_mem>>) {add = true}
          %dma_wait3A_143 = arith.constant 0 : i32
          %dma_wait3A_144 = tpu.memref_slice %arg7[%run_scoped3A, %dma_wait3A_143] : memref<1x128xi32, #tpu.memory_space<vmem>> -> memref<1x128xi32, #tpu.memory_space<vmem>>
          %dma_wait3A_145 = tpu.memref_squeeze %dma_wait3A_144 : memref<1x128xi32, #tpu.memory_space<vmem>> -> memref<128xi32, #tpu.memory_space<vmem>>
          %dma_wait3A_146 = arith.constant 0 : i32
          %dma_wait3A_147 = arith.constant 0 : i32
          %dma_wait3A_148 = tpu.memref_slice %arg12[%dma_wait3A_146, %dma_wait3A_147] : memref<10000x128xf32, #tpu.memory_space<vmem_shared>> -> memref<10000x128xf32, #tpu.memory_space<vmem_shared>>
          tpu.wait_indirect_dma semaphore(%run_scoped3A_136 : memref<!tpu.dma_semaphore, #tpu.memory_space<semaphore_mem>>) src(%arg10 : memref<128x128xf32, #tpu.memory_space<vmem>>) dst(%dma_wait3A_148 : memref<10000x128xf32, #tpu.memory_space<vmem_shared>>)
          tpu.yield
        }) : () -> ()
        %add3A_130 = arith.constant 3 : i32
        %add3A_131 = arith.addi %add3A_101, %add3A_130 : i32
        %lt3A_132 = arith.cmpi slt, %add3A_131, %add3A_6 : i32
        %convert_element_type3A_133 = arith.extui %lt3A_132 : i1 to i32
        %cond3A_134 = arith.constant 0 : i32
        %cond3A_135 = arith.cmpi ne, %convert_element_type3A_133, %cond3A_134 : i32
        scf.if %cond3A_135 {
          %add3A_136 = arith.constant 3 : i32
          %add3A_137 = arith.addi %add3A_101, %add3A_136 : i32
          %lt3A_138 = arith.constant 46 : i32
          %lt3A_139 = arith.cmpi slt, %add3A_137, %lt3A_138 : i32
          %add3A_140 = arith.addi %mul3A_2, %add3A_137 : i32
          %add3A_141 = arith.constant 736 : i32
          %add3A_142 = arith.addi %add3A_141, %arg1 : i32
          %select_n3A_143 = arith.select %lt3A_139, %add3A_140, %add3A_142 : i32
          %mul3A_144 = arith.constant 128 : i32
          %mul3A_145 = arith.muli %select_n3A_143, %mul3A_144 : i32
          %dma_start3A_146 = arith.constant 0 : i32
          %dma_start3A_147 = tpu.memref_slice %arg2[%arg0, %mul3A_145, %dma_start3A_146] : memref<2x96000x128xf32, #tpu.memory_space<hbm>> -> memref<1x128x128xf32, #tpu.memory_space<hbm>>
          %dma_start3A_148 = tpu.memref_squeeze %dma_start3A_147 : memref<1x128x128xf32, #tpu.memory_space<hbm>> -> memref<128x128xf32, #tpu.memory_space<hbm>>
          %dma_start3A_149 = arith.constant 0 : i32
          %dma_start3A_150 = tpu.memref_slice %arg2[%arg0, %mul3A_145, %dma_start3A_149] : memref<2x96000x128xf32, #tpu.memory_space<hbm>> -> memref<1x128x128xf32, #tpu.memory_space<hbm>>
          %dma_start3A_151 = tpu.memref_squeeze %dma_start3A_150 : memref<1x128x128xf32, #tpu.memory_space<hbm>> -> memref<128x128xf32, #tpu.memory_space<hbm>>
          tpu.enqueue_dma source(%dma_start3A_151 : memref<128x128xf32, #tpu.memory_space<hbm>>) target(%arg10 : memref<128x128xf32, #tpu.memory_space<vmem>>) target_semaphore(%arg17 : memref<!tpu.dma_semaphore, #tpu.memory_space<semaphore_mem>>)
          %add3A_152 = arith.constant 1000 : i32
          %add3A_153 = arith.addi %select_n3A_143, %add3A_152 : i32
          %dma_start3A_154 = arith.constant 0 : i32
          %dma_start3A_155 = arith.constant 0 : i32
          %dma_start3A_156 = tpu.memref_slice %arg3[%add3A_153, %dma_start3A_154, %dma_start3A_155] : memref<2500x1x128xi32, #tpu.memory_space<hbm>> -> memref<1x1x128xi32, #tpu.memory_space<hbm>>
          %dma_start3A_157 = tpu.memref_squeeze %dma_start3A_156 : memref<1x1x128xi32, #tpu.memory_space<hbm>> -> memref<1x128xi32, #tpu.memory_space<hbm>>
          %dma_start3A_158 = arith.constant 0 : i32
          %dma_start3A_159 = arith.constant 0 : i32
          %dma_start3A_160 = tpu.memref_slice %arg3[%add3A_153, %dma_start3A_158, %dma_start3A_159] : memref<2500x1x128xi32, #tpu.memory_space<hbm>> -> memref<1x1x128xi32, #tpu.memory_space<hbm>>
          %dma_start3A_161 = tpu.memref_squeeze %dma_start3A_160 : memref<1x1x128xi32, #tpu.memory_space<hbm>> -> memref<1x128xi32, #tpu.memory_space<hbm>>
          tpu.enqueue_dma source(%dma_start3A_161 : memref<1x128xi32, #tpu.memory_space<hbm>>) target(%arg7 : memref<1x128xi32, #tpu.memory_space<vmem>>) target_semaphore(%arg14 : memref<!tpu.dma_semaphore, #tpu.memory_space<semaphore_mem>>)
        } else {
        }
      } else {
      }
      %mul3A_106 = arith.constant 3 : i32
      %mul3A_107 = arith.muli %scan3A_89, %mul3A_106 : i32
      %add3A_108 = arith.constant 2 : i32
      %add3A_109 = arith.addi %mul3A_107, %add3A_108 : i32
      %lt3A_110 = arith.cmpi slt, %add3A_109, %add3A_6 : i32
      %convert_element_type3A_111 = arith.extui %lt3A_110 : i1 to i32
      %cond3A_112 = arith.constant 0 : i32
      %cond3A_113 = arith.cmpi ne, %convert_element_type3A_111, %cond3A_112 : i32
      scf.if %cond3A_113 {
        %dma_wait3A = arith.constant 0 : i32
        %dma_wait3A_114 = arith.constant 0 : i32
        %dma_wait3A_115 = tpu.memref_slice %arg2[%arg0, %dma_wait3A, %dma_wait3A_114] : memref<2x96000x128xf32, #tpu.memory_space<hbm>> -> memref<1x128x128xf32, #tpu.memory_space<hbm>>
        %dma_wait3A_116 = tpu.memref_squeeze %dma_wait3A_115 : memref<1x128x128xf32, #tpu.memory_space<hbm>> -> memref<128x128xf32, #tpu.memory_space<hbm>>
        %dma_wait3A_117 = arith.constant 0 : i32
        %dma_wait3A_118 = arith.constant 0 : i32
        %dma_wait3A_119 = tpu.memref_slice %arg2[%arg0, %dma_wait3A_117, %dma_wait3A_118] : memref<2x96000x128xf32, #tpu.memory_space<hbm>> -> memref<1x128x128xf32, #tpu.memory_space<hbm>>
        %dma_wait3A_120 = tpu.memref_squeeze %dma_wait3A_119 : memref<1x128x128xf32, #tpu.memory_space<hbm>> -> memref<128x128xf32, #tpu.memory_space<hbm>>
        tpu.wait_dma2 semaphore(%arg18 : memref<!tpu.dma_semaphore, #tpu.memory_space<semaphore_mem>>) src(%dma_wait3A_120 : memref<128x128xf32, #tpu.memory_space<hbm>>) dst(%arg11 : memref<128x128xf32, #tpu.memory_space<vmem>>)
        %dma_wait3A_121 = arith.constant 0 : i32
        %dma_wait3A_122 = arith.constant 0 : i32
        %dma_wait3A_123 = arith.constant 0 : i32
        %dma_wait3A_124 = tpu.memref_slice %arg3[%dma_wait3A_121, %dma_wait3A_122, %dma_wait3A_123] : memref<2500x1x128xi32, #tpu.memory_space<hbm>> -> memref<1x1x128xi32, #tpu.memory_space<hbm>>
        %dma_wait3A_125 = tpu.memref_squeeze %dma_wait3A_124 : memref<1x1x128xi32, #tpu.memory_space<hbm>> -> memref<1x128xi32, #tpu.memory_space<hbm>>
        %dma_wait3A_126 = arith.constant 0 : i32
        %dma_wait3A_127 = arith.constant 0 : i32
        %dma_wait3A_128 = tpu.memref_slice %arg3[%dma_wait3A_121, %dma_wait3A_126, %dma_wait3A_127] : memref<2500x1x128xi32, #tpu.memory_space<hbm>> -> memref<1x1x128xi32, #tpu.memory_space<hbm>>
        %dma_wait3A_129 = tpu.memref_squeeze %dma_wait3A_128 : memref<1x1x128xi32, #tpu.memory_space<hbm>> -> memref<1x128xi32, #tpu.memory_space<hbm>>
        tpu.wait_dma2 semaphore(%arg15 : memref<!tpu.dma_semaphore, #tpu.memory_space<semaphore_mem>>) src(%dma_wait3A_129 : memref<1x128xi32, #tpu.memory_space<hbm>>) dst(%arg8 : memref<1x128xi32, #tpu.memory_space<vmem>>)
        %run_scoped3A = arith.constant 0 : i32
        "tpu.region"() ({
          %run_scoped3A_136 = tpu.sem_alloc : memref<!tpu.dma_semaphore, #tpu.memory_space<semaphore_mem>>
          %dma_start3A_137 = arith.constant 0 : i32
          %dma_start3A_138 = tpu.memref_slice %arg8[%run_scoped3A, %dma_start3A_137] : memref<1x128xi32, #tpu.memory_space<vmem>> -> memref<1x128xi32, #tpu.memory_space<vmem>>
          %dma_start3A_139 = tpu.memref_squeeze %dma_start3A_138 : memref<1x128xi32, #tpu.memory_space<vmem>> -> memref<128xi32, #tpu.memory_space<vmem>>
          %dma_start3A_140 = arith.constant 0 : i32
          %dma_start3A_141 = arith.constant 0 : i32
          %dma_start3A_142 = tpu.memref_slice %arg12[%dma_start3A_140, %dma_start3A_141] : memref<10000x128xf32, #tpu.memory_space<vmem_shared>> -> memref<10000x128xf32, #tpu.memory_space<vmem_shared>>
          tpu.enqueue_indirect_dma source(%arg11 : memref<128x128xf32, #tpu.memory_space<vmem>>) target(%dma_start3A_142 : memref<10000x128xf32, #tpu.memory_space<vmem_shared>>) offsets(%dma_start3A_139 : memref<128xi32, #tpu.memory_space<vmem>>) semaphore(%run_scoped3A_136 : memref<!tpu.dma_semaphore, #tpu.memory_space<semaphore_mem>>) {add = true}
          %dma_wait3A_143 = arith.constant 0 : i32
          %dma_wait3A_144 = tpu.memref_slice %arg8[%run_scoped3A, %dma_wait3A_143] : memref<1x128xi32, #tpu.memory_space<vmem>> -> memref<1x128xi32, #tpu.memory_space<vmem>>
          %dma_wait3A_145 = tpu.memref_squeeze %dma_wait3A_144 : memref<1x128xi32, #tpu.memory_space<vmem>> -> memref<128xi32, #tpu.memory_space<vmem>>
          %dma_wait3A_146 = arith.constant 0 : i32
          %dma_wait3A_147 = arith.constant 0 : i32
          %dma_wait3A_148 = tpu.memref_slice %arg12[%dma_wait3A_146, %dma_wait3A_147] : memref<10000x128xf32, #tpu.memory_space<vmem_shared>> -> memref<10000x128xf32, #tpu.memory_space<vmem_shared>>
          tpu.wait_indirect_dma semaphore(%run_scoped3A_136 : memref<!tpu.dma_semaphore, #tpu.memory_space<semaphore_mem>>) src(%arg11 : memref<128x128xf32, #tpu.memory_space<vmem>>) dst(%dma_wait3A_148 : memref<10000x128xf32, #tpu.memory_space<vmem_shared>>)
          tpu.yield
        }) : () -> ()
        %add3A_130 = arith.constant 3 : i32
        %add3A_131 = arith.addi %add3A_109, %add3A_130 : i32
        %lt3A_132 = arith.cmpi slt, %add3A_131, %add3A_6 : i32
        %convert_element_type3A_133 = arith.extui %lt3A_132 : i1 to i32
        %cond3A_134 = arith.constant 0 : i32
        %cond3A_135 = arith.cmpi ne, %convert_element_type3A_133, %cond3A_134 : i32
        scf.if %cond3A_135 {
          %add3A_136 = arith.constant 3 : i32
          %add3A_137 = arith.addi %add3A_109, %add3A_136 : i32
          %lt3A_138 = arith.constant 46 : i32
          %lt3A_139 = arith.cmpi slt, %add3A_137, %lt3A_138 : i32
          %add3A_140 = arith.addi %mul3A_2, %add3A_137 : i32
          %add3A_141 = arith.constant 736 : i32
          %add3A_142 = arith.addi %add3A_141, %arg1 : i32
          %select_n3A_143 = arith.select %lt3A_139, %add3A_140, %add3A_142 : i32
          %mul3A_144 = arith.constant 128 : i32
          %mul3A_145 = arith.muli %select_n3A_143, %mul3A_144 : i32
          %dma_start3A_146 = arith.constant 0 : i32
          %dma_start3A_147 = tpu.memref_slice %arg2[%arg0, %mul3A_145, %dma_start3A_146] : memref<2x96000x128xf32, #tpu.memory_space<hbm>> -> memref<1x128x128xf32, #tpu.memory_space<hbm>>
          %dma_start3A_148 = tpu.memref_squeeze %dma_start3A_147 : memref<1x128x128xf32, #tpu.memory_space<hbm>> -> memref<128x128xf32, #tpu.memory_space<hbm>>
          %dma_start3A_149 = arith.constant 0 : i32
          %dma_start3A_150 = tpu.memref_slice %arg2[%arg0, %mul3A_145, %dma_start3A_149] : memref<2x96000x128xf32, #tpu.memory_space<hbm>> -> memref<1x128x128xf32, #tpu.memory_space<hbm>>
          %dma_start3A_151 = tpu.memref_squeeze %dma_start3A_150 : memref<1x128x128xf32, #tpu.memory_space<hbm>> -> memref<128x128xf32, #tpu.memory_space<hbm>>
          tpu.enqueue_dma source(%dma_start3A_151 : memref<128x128xf32, #tpu.memory_space<hbm>>) target(%arg11 : memref<128x128xf32, #tpu.memory_space<vmem>>) target_semaphore(%arg18 : memref<!tpu.dma_semaphore, #tpu.memory_space<semaphore_mem>>)
          %add3A_152 = arith.constant 1000 : i32
          %add3A_153 = arith.addi %select_n3A_143, %add3A_152 : i32
          %dma_start3A_154 = arith.constant 0 : i32
          %dma_start3A_155 = arith.constant 0 : i32
          %dma_start3A_156 = tpu.memref_slice %arg3[%add3A_153, %dma_start3A_154, %dma_start3A_155] : memref<2500x1x128xi32, #tpu.memory_space<hbm>> -> memref<1x1x128xi32, #tpu.memory_space<hbm>>
          %dma_start3A_157 = tpu.memref_squeeze %dma_start3A_156 : memref<1x1x128xi32, #tpu.memory_space<hbm>> -> memref<1x128xi32, #tpu.memory_space<hbm>>
          %dma_start3A_158 = arith.constant 0 : i32
          %dma_start3A_159 = arith.constant 0 : i32
          %dma_start3A_160 = tpu.memref_slice %arg3[%add3A_153, %dma_start3A_158, %dma_start3A_159] : memref<2500x1x128xi32, #tpu.memory_space<hbm>> -> memref<1x1x128xi32, #tpu.memory_space<hbm>>
          %dma_start3A_161 = tpu.memref_squeeze %dma_start3A_160 : memref<1x1x128xi32, #tpu.memory_space<hbm>> -> memref<1x128xi32, #tpu.memory_space<hbm>>
          tpu.enqueue_dma source(%dma_start3A_161 : memref<1x128xi32, #tpu.memory_space<hbm>>) target(%arg8 : memref<1x128xi32, #tpu.memory_space<vmem>>) target_semaphore(%arg15 : memref<!tpu.dma_semaphore, #tpu.memory_space<semaphore_mem>>)
        } else {
        }
      } else {
      }
    }
    %scan3A_82 = arith.constant 16 : i32
    %barrier3A_83 = arith.constant 0 : index
    tpu.barrier barrier_id(%barrier3A_83)
    %lt3A_84 = arith.constant 10 : i32
    %lt3A_85 = arith.cmpi slt, %arg1, %lt3A_84 : i32
    %convert_element_type3A_86 = arith.extui %lt3A_85 : i1 to i32
    %cond3A_87 = arith.constant 0 : i32
    %cond3A_88 = arith.cmpi ne, %convert_element_type3A_86, %cond3A_87 : i32
    scf.if %cond3A_88 {
      %mul3A_89 = arith.constant 1000 : i32
      %mul3A_90 = arith.muli %arg1, %mul3A_89 : i32
      "tpu.region"() ({
        %run_scoped3A = tpu.sem_alloc : memref<!tpu.dma_semaphore, #tpu.memory_space<semaphore_mem>>
        %dma_start3A_91 = arith.constant 0 : i32
        %dma_start3A_92 = tpu.memref_slice %arg5[%arg0, %mul3A_90, %dma_start3A_91] : memref<2x10000x128xf32, #tpu.memory_space<hbm>> -> memref<1x1000x128xf32, #tpu.memory_space<hbm>>
        %dma_start3A_93 = tpu.memref_squeeze %dma_start3A_92 : memref<1x1000x128xf32, #tpu.memory_space<hbm>> -> memref<1000x128xf32, #tpu.memory_space<hbm>>
        %dma_start3A_94 = arith.constant 0 : i32
        %dma_start3A_95 = tpu.memref_slice %arg12[%mul3A_90, %dma_start3A_94] : memref<10000x128xf32, #tpu.memory_space<vmem_shared>> -> memref<1000x128xf32, #tpu.memory_space<vmem_shared>>
        tpu.enqueue_dma source(%dma_start3A_95 : memref<1000x128xf32, #tpu.memory_space<vmem_shared>>) target(%dma_start3A_93 : memref<1000x128xf32, #tpu.memory_space<hbm>>) target_semaphore(%run_scoped3A : memref<!tpu.dma_semaphore, #tpu.memory_space<semaphore_mem>>)
        %dma_wait3A = arith.constant 0 : i32
        %dma_wait3A_96 = tpu.memref_slice %arg5[%arg0, %mul3A_90, %dma_wait3A] : memref<2x10000x128xf32, #tpu.memory_space<hbm>> -> memref<1x1000x128xf32, #tpu.memory_space<hbm>>
        %dma_wait3A_97 = tpu.memref_squeeze %dma_wait3A_96 : memref<1x1000x128xf32, #tpu.memory_space<hbm>> -> memref<1000x128xf32, #tpu.memory_space<hbm>>
        %dma_wait3A_98 = arith.constant 0 : i32
        %dma_wait3A_99 = tpu.memref_slice %arg12[%mul3A_90, %dma_wait3A_98] : memref<10000x128xf32, #tpu.memory_space<vmem_shared>> -> memref<1000x128xf32, #tpu.memory_space<vmem_shared>>
        tpu.wait_dma2 semaphore(%run_scoped3A : memref<!tpu.dma_semaphore, #tpu.memory_space<semaphore_mem>>) src(%dma_wait3A_99 : memref<1000x128xf32, #tpu.memory_space<vmem_shared>>) dst(%dma_wait3A_97 : memref<1000x128xf32, #tpu.memory_space<hbm>>)
        tpu.yield
      }) : () -> ()
    } else {
    }
    return
  }
}

#map = affine_map<(d0, d1) -> (0, 0, 0)>
module attributes {stable_mosaic.version = 14 : i64} {
  func.func @segsum(%arg0: i32, %arg1: i32, %arg2: memref<2x96000x128xf32, #tpu.memory_space<hbm>>, %arg3: memref<2500x1x128xi32, #tpu.memory_space<hbm>>, %arg4: memref<2x10000x128xf32, #tpu.memory_space<hbm>>, %arg5: memref<2x10000x128xf32, #tpu.memory_space<hbm>>, %arg6: memref<1x128xi32, #tpu.memory_space<vmem>>, %arg7: memref<1x128xi32, #tpu.memory_space<vmem>>, %arg8: memref<1x128xi32, #tpu.memory_space<vmem>>, %arg9: memref<128x128xf32, #tpu.memory_space<vmem>>, %arg10: memref<128x128xf32, #tpu.memory_space<vmem>>, %arg11: memref<128x128xf32, #tpu.memory_space<vmem>>, %arg12: memref<10000x128xf32, #tpu.memory_space<vmem_shared>>, %arg13: memref<!tpu.dma_semaphore, #tpu.memory_space<semaphore_mem>>, %arg14: memref<!tpu.dma_semaphore, #tpu.memory_space<semaphore_mem>>, %arg15: memref<!tpu.dma_semaphore, #tpu.memory_space<semaphore_mem>>, %arg16: memref<!tpu.dma_semaphore, #tpu.memory_space<semaphore_mem>>, %arg17: memref<!tpu.dma_semaphore, #tpu.memory_space<semaphore_mem>>, %arg18: memref<!tpu.dma_semaphore, #tpu.memory_space<semaphore_mem>>) attributes {dimension_semantics = [#tpu.dimension_semantics<core_parallel>, #tpu.dimension_semantics<subcore_parallel>], iteration_bounds = array<i64: 2, 16>, scalar_prefetch = 0 : i64, scratch_operands = 13 : i64, tpu.core_type = #tpu.core_type<sc_vector_subcore>, window_params = [{transform_indices = #map}, {transform_indices = #map}, {transform_indices = #map}, {transform_indices = #map}]} {
    %lt3A = arith.constant 10 : i32
    %lt3A_0 = arith.cmpi slt, %arg1, %lt3A : i32
    %convert_element_type3A = arith.extui %lt3A_0 : i1 to i32
    %cond3A = arith.constant 0 : i32
    %cond3A_1 = arith.cmpi ne, %convert_element_type3A, %cond3A : i32
    scf.if %cond3A_1 {
      %mul3A_89 = arith.constant 1000 : i32
      %mul3A_90 = arith.muli %arg1, %mul3A_89 : i32
      "tpu.region"() ({
        %run_scoped3A = tpu.sem_alloc : memref<!tpu.dma_semaphore, #tpu.memory_space<semaphore_mem>>
        %dma_start3A_91 = arith.constant 0 : i32
        %dma_start3A_92 = tpu.memref_slice %arg12[%mul3A_90, %dma_start3A_91] : memref<10000x128xf32, #tpu.memory_space<vmem_shared>> -> memref<1000x128xf32, #tpu.memory_space<vmem_shared>>
        %dma_start3A_93 = arith.constant 0 : i32
        %dma_start3A_94 = tpu.memref_slice %arg4[%arg0, %mul3A_90, %dma_start3A_93] : memref<2x10000x128xf32, #tpu.memory_space<hbm>> -> memref<1x1000x128xf32, #tpu.memory_space<hbm>>
        %dma_start3A_95 = tpu.memref_squeeze %dma_start3A_94 : memref<1x1000x128xf32, #tpu.memory_space<hbm>> -> memref<1000x128xf32, #tpu.memory_space<hbm>>
        tpu.enqueue_dma source(%dma_start3A_95 : memref<1000x128xf32, #tpu.memory_space<hbm>>) target(%dma_start3A_92 : memref<1000x128xf32, #tpu.memory_space<vmem_shared>>) target_semaphore(%run_scoped3A : memref<!tpu.dma_semaphore, #tpu.memory_space<semaphore_mem>>)
        %dma_wait3A = arith.constant 0 : i32
        %dma_wait3A_96 = tpu.memref_slice %arg12[%mul3A_90, %dma_wait3A] : memref<10000x128xf32, #tpu.memory_space<vmem_shared>> -> memref<1000x128xf32, #tpu.memory_space<vmem_shared>>
        %dma_wait3A_97 = arith.constant 0 : i32
        %dma_wait3A_98 = tpu.memref_slice %arg4[%arg0, %mul3A_90, %dma_wait3A_97] : memref<2x10000x128xf32, #tpu.memory_space<hbm>> -> memref<1x1000x128xf32, #tpu.memory_space<hbm>>
        %dma_wait3A_99 = tpu.memref_squeeze %dma_wait3A_98 : memref<1x1000x128xf32, #tpu.memory_space<hbm>> -> memref<1000x128xf32, #tpu.memory_space<hbm>>
        tpu.wait_dma2 semaphore(%run_scoped3A : memref<!tpu.dma_semaphore, #tpu.memory_space<semaphore_mem>>) src(%dma_wait3A_99 : memref<1000x128xf32, #tpu.memory_space<hbm>>) dst(%dma_wait3A_96 : memref<1000x128xf32, #tpu.memory_space<vmem_shared>>)
        tpu.yield
      }) : () -> ()
    } else {
    }
    %barrier3A = arith.constant 0 : index
    tpu.barrier barrier_id(%barrier3A)
    %mul3A = arith.constant 46 : i32
    %mul3A_2 = arith.muli %arg1, %mul3A : i32
    %lt3A_3 = arith.constant 14 : i32
    %lt3A_4 = arith.cmpi slt, %arg1, %lt3A_3 : i32
    %jit3A = arith.constant 1 : i32
    %jit3A_5 = arith.constant 0 : i32
    %select_n3A = arith.select %lt3A_4, %jit3A, %jit3A_5 : i32
    %add3A = arith.constant 46 : i32
    %add3A_6 = arith.addi %add3A, %select_n3A : i32
    %add3A_7 = arith.constant 0 : i32
    %add3A_8 = arith.addi %mul3A_2, %add3A_7 : i32
    %add3A_9 = arith.constant 736 : i32
    %add3A_10 = arith.addi %add3A_9, %arg1 : i32
    %jit3A_11 = arith.constant true
    %select_n3A_12 = arith.select %jit3A_11, %add3A_8, %add3A_10 : i32
    %mul3A_13 = arith.constant 128 : i32
    %mul3A_14 = arith.muli %select_n3A_12, %mul3A_13 : i32
    %dma_start3A = arith.constant 0 : i32
    %dma_start3A_15 = tpu.memref_slice %arg2[%arg0, %mul3A_14, %dma_start3A] : memref<2x96000x128xf32, #tpu.memory_space<hbm>> -> memref<1x128x128xf32, #tpu.memory_space<hbm>>
    %dma_start3A_16 = tpu.memref_squeeze %dma_start3A_15 : memref<1x128x128xf32, #tpu.memory_space<hbm>> -> memref<128x128xf32, #tpu.memory_space<hbm>>
    %dma_start3A_17 = arith.constant 0 : i32
    %dma_start3A_18 = tpu.memref_slice %arg2[%arg0, %mul3A_14, %dma_start3A_17] : memref<2x96000x128xf32, #tpu.memory_space<hbm>> -> memref<1x128x128xf32, #tpu.memory_space<hbm>>
    %dma_start3A_19 = tpu.memref_squeeze %dma_start3A_18 : memref<1x128x128xf32, #tpu.memory_space<hbm>> -> memref<128x128xf32, #tpu.memory_space<hbm>>
    tpu.enqueue_dma source(%dma_start3A_19 : memref<128x128xf32, #tpu.memory_space<hbm>>) target(%arg9 : memref<128x128xf32, #tpu.memory_space<vmem>>) target_semaphore(%arg16 : memref<!tpu.dma_semaphore, #tpu.memory_space<semaphore_mem>>)
    %add3A_20 = arith.constant 250 : i32
    %add3A_21 = arith.addi %select_n3A_12, %add3A_20 : i32
    %dma_start3A_22 = arith.constant 0 : i32
    %dma_start3A_23 = arith.constant 0 : i32
    %dma_start3A_24 = tpu.memref_slice %arg3[%add3A_21, %dma_start3A_22, %dma_start3A_23] : memref<2500x1x128xi32, #tpu.memory_space<hbm>> -> memref<1x1x128xi32, #tpu.memory_space<hbm>>
    %dma_start3A_25 = tpu.memref_squeeze %dma_start3A_24 : memref<1x1x128xi32, #tpu.memory_space<hbm>> -> memref<1x128xi32, #tpu.memory_space<hbm>>
    %dma_start3A_26 = arith.constant 0 : i32
    %dma_start3A_27 = arith.constant 0 : i32
    %dma_start3A_28 = tpu.memref_slice %arg3[%add3A_21, %dma_start3A_26, %dma_start3A_27] : memref<2500x1x128xi32, #tpu.memory_space<hbm>> -> memref<1x1x128xi32, #tpu.memory_space<hbm>>
    %dma_start3A_29 = tpu.memref_squeeze %dma_start3A_28 : memref<1x1x128xi32, #tpu.memory_space<hbm>> -> memref<1x128xi32, #tpu.memory_space<hbm>>
    tpu.enqueue_dma source(%dma_start3A_29 : memref<1x128xi32, #tpu.memory_space<hbm>>) target(%arg6 : memref<1x128xi32, #tpu.memory_space<vmem>>) target_semaphore(%arg13 : memref<!tpu.dma_semaphore, #tpu.memory_space<semaphore_mem>>)
    %add3A_30 = arith.constant 1 : i32
    %add3A_31 = arith.addi %mul3A_2, %add3A_30 : i32
    %add3A_32 = arith.constant 736 : i32
    %add3A_33 = arith.addi %add3A_32, %arg1 : i32
    %jit3A_34 = arith.constant true
    %select_n3A_35 = arith.select %jit3A_34, %add3A_31, %add3A_33 : i32
    %mul3A_36 = arith.constant 128 : i32
    %mul3A_37 = arith.muli %select_n3A_35, %mul3A_36 : i32
    %dma_start3A_38 = arith.constant 0 : i32
    %dma_start3A_39 = tpu.memref_slice %arg2[%arg0, %mul3A_37, %dma_start3A_38] : memref<2x96000x128xf32, #tpu.memory_space<hbm>> -> memref<1x128x128xf32, #tpu.memory_space<hbm>>
    %dma_start3A_40 = tpu.memref_squeeze %dma_start3A_39 : memref<1x128x128xf32, #tpu.memory_space<hbm>> -> memref<128x128xf32, #tpu.memory_space<hbm>>
    %dma_start3A_41 = arith.constant 0 : i32
    %dma_start3A_42 = tpu.memref_slice %arg2[%arg0, %mul3A_37, %dma_start3A_41] : memref<2x96000x128xf32, #tpu.memory_space<hbm>> -> memref<1x128x128xf32, #tpu.memory_space<hbm>>
    %dma_start3A_43 = tpu.memref_squeeze %dma_start3A_42 : memref<1x128x128xf32, #tpu.memory_space<hbm>> -> memref<128x128xf32, #tpu.memory_space<hbm>>
    tpu.enqueue_dma source(%dma_start3A_43 : memref<128x128xf32, #tpu.memory_space<hbm>>) target(%arg10 : memref<128x128xf32, #tpu.memory_space<vmem>>) target_semaphore(%arg17 : memref<!tpu.dma_semaphore, #tpu.memory_space<semaphore_mem>>)
    %add3A_44 = arith.constant 250 : i32
    %add3A_45 = arith.addi %select_n3A_35, %add3A_44 : i32
    %dma_start3A_46 = arith.constant 0 : i32
    %dma_start3A_47 = arith.constant 0 : i32
    %dma_start3A_48 = tpu.memref_slice %arg3[%add3A_45, %dma_start3A_46, %dma_start3A_47] : memref<2500x1x128xi32, #tpu.memory_space<hbm>> -> memref<1x1x128xi32, #tpu.memory_space<hbm>>
    %dma_start3A_49 = tpu.memref_squeeze %dma_start3A_48 : memref<1x1x128xi32, #tpu.memory_space<hbm>> -> memref<1x128xi32, #tpu.memory_space<hbm>>
    %dma_start3A_50 = arith.constant 0 : i32
    %dma_start3A_51 = arith.constant 0 : i32
    %dma_start3A_52 = tpu.memref_slice %arg3[%add3A_45, %dma_start3A_50, %dma_start3A_51] : memref<2500x1x128xi32, #tpu.memory_space<hbm>> -> memref<1x1x128xi32, #tpu.memory_space<hbm>>
    %dma_start3A_53 = tpu.memref_squeeze %dma_start3A_52 : memref<1x1x128xi32, #tpu.memory_space<hbm>> -> memref<1x128xi32, #tpu.memory_space<hbm>>
    tpu.enqueue_dma source(%dma_start3A_53 : memref<1x128xi32, #tpu.memory_space<hbm>>) target(%arg7 : memref<1x128xi32, #tpu.memory_space<vmem>>) target_semaphore(%arg14 : memref<!tpu.dma_semaphore, #tpu.memory_space<semaphore_mem>>)
    %add3A_54 = arith.constant 2 : i32
    %add3A_55 = arith.addi %mul3A_2, %add3A_54 : i32
    %add3A_56 = arith.constant 736 : i32
    %add3A_57 = arith.addi %add3A_56, %arg1 : i32
    %jit3A_58 = arith.constant true
    %select_n3A_59 = arith.select %jit3A_58, %add3A_55, %add3A_57 : i32
    %mul3A_60 = arith.constant 128 : i32
    %mul3A_61 = arith.muli %select_n3A_59, %mul3A_60 : i32
    %dma_start3A_62 = arith.constant 0 : i32
    %dma_start3A_63 = tpu.memref_slice %arg2[%arg0, %mul3A_61, %dma_start3A_62] : memref<2x96000x128xf32, #tpu.memory_space<hbm>> -> memref<1x128x128xf32, #tpu.memory_space<hbm>>
    %dma_start3A_64 = tpu.memref_squeeze %dma_start3A_63 : memref<1x128x128xf32, #tpu.memory_space<hbm>> -> memref<128x128xf32, #tpu.memory_space<hbm>>
    %dma_start3A_65 = arith.constant 0 : i32
    %dma_start3A_66 = tpu.memref_slice %arg2[%arg0, %mul3A_61, %dma_start3A_65] : memref<2x96000x128xf32, #tpu.memory_space<hbm>> -> memref<1x128x128xf32, #tpu.memory_space<hbm>>
    %dma_start3A_67 = tpu.memref_squeeze %dma_start3A_66 : memref<1x128x128xf32, #tpu.memory_space<hbm>> -> memref<128x128xf32, #tpu.memory_space<hbm>>
    tpu.enqueue_dma source(%dma_start3A_67 : memref<128x128xf32, #tpu.memory_space<hbm>>) target(%arg11 : memref<128x128xf32, #tpu.memory_space<vmem>>) target_semaphore(%arg18 : memref<!tpu.dma_semaphore, #tpu.memory_space<semaphore_mem>>)
    %add3A_68 = arith.constant 250 : i32
    %add3A_69 = arith.addi %select_n3A_59, %add3A_68 : i32
    %dma_start3A_70 = arith.constant 0 : i32
    %dma_start3A_71 = arith.constant 0 : i32
    %dma_start3A_72 = tpu.memref_slice %arg3[%add3A_69, %dma_start3A_70, %dma_start3A_71] : memref<2500x1x128xi32, #tpu.memory_space<hbm>> -> memref<1x1x128xi32, #tpu.memory_space<hbm>>
    %dma_start3A_73 = tpu.memref_squeeze %dma_start3A_72 : memref<1x1x128xi32, #tpu.memory_space<hbm>> -> memref<1x128xi32, #tpu.memory_space<hbm>>
    %dma_start3A_74 = arith.constant 0 : i32
    %dma_start3A_75 = arith.constant 0 : i32
    %dma_start3A_76 = tpu.memref_slice %arg3[%add3A_69, %dma_start3A_74, %dma_start3A_75] : memref<2500x1x128xi32, #tpu.memory_space<hbm>> -> memref<1x1x128xi32, #tpu.memory_space<hbm>>
    %dma_start3A_77 = tpu.memref_squeeze %dma_start3A_76 : memref<1x1x128xi32, #tpu.memory_space<hbm>> -> memref<1x128xi32, #tpu.memory_space<hbm>>
    tpu.enqueue_dma source(%dma_start3A_77 : memref<1x128xi32, #tpu.memory_space<hbm>>) target(%arg8 : memref<1x128xi32, #tpu.memory_space<vmem>>) target_semaphore(%arg15 : memref<!tpu.dma_semaphore, #tpu.memory_space<semaphore_mem>>)
    %scan3A = arith.constant 0 : i32
    %scan3A_78 = arith.constant 0 : i32
    %scan3A_79 = arith.constant 16 : i32
    %scan3A_80 = arith.addi %scan3A_78, %scan3A_79 : i32
    %scan3A_81 = arith.constant 1 : i32
    scf.for %scan3A_89 = %scan3A_78 to %scan3A_80 step %scan3A_81  : i32 {
      %mul3A_90 = arith.constant 3 : i32
      %mul3A_91 = arith.muli %scan3A_89, %mul3A_90 : i32
      %add3A_92 = arith.constant 0 : i32
      %add3A_93 = arith.addi %mul3A_91, %add3A_92 : i32
      %lt3A_94 = arith.cmpi slt, %add3A_93, %add3A_6 : i32
      %convert_element_type3A_95 = arith.extui %lt3A_94 : i1 to i32
      %cond3A_96 = arith.constant 0 : i32
      %cond3A_97 = arith.cmpi ne, %convert_element_type3A_95, %cond3A_96 : i32
      scf.if %cond3A_97 {
        %dma_wait3A = arith.constant 0 : i32
        %dma_wait3A_114 = arith.constant 0 : i32
        %dma_wait3A_115 = tpu.memref_slice %arg2[%arg0, %dma_wait3A, %dma_wait3A_114] : memref<2x96000x128xf32, #tpu.memory_space<hbm>> -> memref<1x128x128xf32, #tpu.memory_space<hbm>>
        %dma_wait3A_116 = tpu.memref_squeeze %dma_wait3A_115 : memref<1x128x128xf32, #tpu.memory_space<hbm>> -> memref<128x128xf32, #tpu.memory_space<hbm>>
        %dma_wait3A_117 = arith.constant 0 : i32
        %dma_wait3A_118 = arith.constant 0 : i32
        %dma_wait3A_119 = tpu.memref_slice %arg2[%arg0, %dma_wait3A_117, %dma_wait3A_118] : memref<2x96000x128xf32, #tpu.memory_space<hbm>> -> memref<1x128x128xf32, #tpu.memory_space<hbm>>
        %dma_wait3A_120 = tpu.memref_squeeze %dma_wait3A_119 : memref<1x128x128xf32, #tpu.memory_space<hbm>> -> memref<128x128xf32, #tpu.memory_space<hbm>>
        tpu.wait_dma2 semaphore(%arg16 : memref<!tpu.dma_semaphore, #tpu.memory_space<semaphore_mem>>) src(%dma_wait3A_120 : memref<128x128xf32, #tpu.memory_space<hbm>>) dst(%arg9 : memref<128x128xf32, #tpu.memory_space<vmem>>)
        %dma_wait3A_121 = arith.constant 0 : i32
        %dma_wait3A_122 = arith.constant 0 : i32
        %dma_wait3A_123 = arith.constant 0 : i32
        %dma_wait3A_124 = tpu.memref_slice %arg3[%dma_wait3A_121, %dma_wait3A_122, %dma_wait3A_123] : memref<2500x1x128xi32, #tpu.memory_space<hbm>> -> memref<1x1x128xi32, #tpu.memory_space<hbm>>
        %dma_wait3A_125 = tpu.memref_squeeze %dma_wait3A_124 : memref<1x1x128xi32, #tpu.memory_space<hbm>> -> memref<1x128xi32, #tpu.memory_space<hbm>>
        %dma_wait3A_126 = arith.constant 0 : i32
        %dma_wait3A_127 = arith.constant 0 : i32
        %dma_wait3A_128 = tpu.memref_slice %arg3[%dma_wait3A_121, %dma_wait3A_126, %dma_wait3A_127] : memref<2500x1x128xi32, #tpu.memory_space<hbm>> -> memref<1x1x128xi32, #tpu.memory_space<hbm>>
        %dma_wait3A_129 = tpu.memref_squeeze %dma_wait3A_128 : memref<1x1x128xi32, #tpu.memory_space<hbm>> -> memref<1x128xi32, #tpu.memory_space<hbm>>
        tpu.wait_dma2 semaphore(%arg13 : memref<!tpu.dma_semaphore, #tpu.memory_space<semaphore_mem>>) src(%dma_wait3A_129 : memref<1x128xi32, #tpu.memory_space<hbm>>) dst(%arg6 : memref<1x128xi32, #tpu.memory_space<vmem>>)
        %run_scoped3A = arith.constant 0 : i32
        "tpu.region"() ({
          %run_scoped3A_136 = tpu.sem_alloc : memref<!tpu.dma_semaphore, #tpu.memory_space<semaphore_mem>>
          %dma_start3A_137 = arith.constant 0 : i32
          %dma_start3A_138 = tpu.memref_slice %arg6[%run_scoped3A, %dma_start3A_137] : memref<1x128xi32, #tpu.memory_space<vmem>> -> memref<1x128xi32, #tpu.memory_space<vmem>>
          %dma_start3A_139 = tpu.memref_squeeze %dma_start3A_138 : memref<1x128xi32, #tpu.memory_space<vmem>> -> memref<128xi32, #tpu.memory_space<vmem>>
          %dma_start3A_140 = arith.constant 0 : i32
          %dma_start3A_141 = arith.constant 0 : i32
          %dma_start3A_142 = tpu.memref_slice %arg12[%dma_start3A_140, %dma_start3A_141] : memref<10000x128xf32, #tpu.memory_space<vmem_shared>> -> memref<10000x128xf32, #tpu.memory_space<vmem_shared>>
          tpu.enqueue_indirect_dma source(%arg9 : memref<128x128xf32, #tpu.memory_space<vmem>>) target(%dma_start3A_142 : memref<10000x128xf32, #tpu.memory_space<vmem_shared>>) offsets(%dma_start3A_139 : memref<128xi32, #tpu.memory_space<vmem>>) semaphore(%run_scoped3A_136 : memref<!tpu.dma_semaphore, #tpu.memory_space<semaphore_mem>>) {add = true}
          %dma_wait3A_143 = arith.constant 0 : i32
          %dma_wait3A_144 = tpu.memref_slice %arg6[%run_scoped3A, %dma_wait3A_143] : memref<1x128xi32, #tpu.memory_space<vmem>> -> memref<1x128xi32, #tpu.memory_space<vmem>>
          %dma_wait3A_145 = tpu.memref_squeeze %dma_wait3A_144 : memref<1x128xi32, #tpu.memory_space<vmem>> -> memref<128xi32, #tpu.memory_space<vmem>>
          %dma_wait3A_146 = arith.constant 0 : i32
          %dma_wait3A_147 = arith.constant 0 : i32
          %dma_wait3A_148 = tpu.memref_slice %arg12[%dma_wait3A_146, %dma_wait3A_147] : memref<10000x128xf32, #tpu.memory_space<vmem_shared>> -> memref<10000x128xf32, #tpu.memory_space<vmem_shared>>
          tpu.wait_indirect_dma semaphore(%run_scoped3A_136 : memref<!tpu.dma_semaphore, #tpu.memory_space<semaphore_mem>>) src(%arg9 : memref<128x128xf32, #tpu.memory_space<vmem>>) dst(%dma_wait3A_148 : memref<10000x128xf32, #tpu.memory_space<vmem_shared>>)
          tpu.yield
        }) : () -> ()
        %add3A_130 = arith.constant 3 : i32
        %add3A_131 = arith.addi %add3A_93, %add3A_130 : i32
        %lt3A_132 = arith.cmpi slt, %add3A_131, %add3A_6 : i32
        %convert_element_type3A_133 = arith.extui %lt3A_132 : i1 to i32
        %cond3A_134 = arith.constant 0 : i32
        %cond3A_135 = arith.cmpi ne, %convert_element_type3A_133, %cond3A_134 : i32
        scf.if %cond3A_135 {
          %add3A_136 = arith.constant 3 : i32
          %add3A_137 = arith.addi %add3A_93, %add3A_136 : i32
          %lt3A_138 = arith.constant 46 : i32
          %lt3A_139 = arith.cmpi slt, %add3A_137, %lt3A_138 : i32
          %add3A_140 = arith.addi %mul3A_2, %add3A_137 : i32
          %add3A_141 = arith.constant 736 : i32
          %add3A_142 = arith.addi %add3A_141, %arg1 : i32
          %select_n3A_143 = arith.select %lt3A_139, %add3A_140, %add3A_142 : i32
          %mul3A_144 = arith.constant 128 : i32
          %mul3A_145 = arith.muli %select_n3A_143, %mul3A_144 : i32
          %dma_start3A_146 = arith.constant 0 : i32
          %dma_start3A_147 = tpu.memref_slice %arg2[%arg0, %mul3A_145, %dma_start3A_146] : memref<2x96000x128xf32, #tpu.memory_space<hbm>> -> memref<1x128x128xf32, #tpu.memory_space<hbm>>
          %dma_start3A_148 = tpu.memref_squeeze %dma_start3A_147 : memref<1x128x128xf32, #tpu.memory_space<hbm>> -> memref<128x128xf32, #tpu.memory_space<hbm>>
          %dma_start3A_149 = arith.constant 0 : i32
          %dma_start3A_150 = tpu.memref_slice %arg2[%arg0, %mul3A_145, %dma_start3A_149] : memref<2x96000x128xf32, #tpu.memory_space<hbm>> -> memref<1x128x128xf32, #tpu.memory_space<hbm>>
          %dma_start3A_151 = tpu.memref_squeeze %dma_start3A_150 : memref<1x128x128xf32, #tpu.memory_space<hbm>> -> memref<128x128xf32, #tpu.memory_space<hbm>>
          tpu.enqueue_dma source(%dma_start3A_151 : memref<128x128xf32, #tpu.memory_space<hbm>>) target(%arg9 : memref<128x128xf32, #tpu.memory_space<vmem>>) target_semaphore(%arg16 : memref<!tpu.dma_semaphore, #tpu.memory_space<semaphore_mem>>)
          %add3A_152 = arith.constant 250 : i32
          %add3A_153 = arith.addi %select_n3A_143, %add3A_152 : i32
          %dma_start3A_154 = arith.constant 0 : i32
          %dma_start3A_155 = arith.constant 0 : i32
          %dma_start3A_156 = tpu.memref_slice %arg3[%add3A_153, %dma_start3A_154, %dma_start3A_155] : memref<2500x1x128xi32, #tpu.memory_space<hbm>> -> memref<1x1x128xi32, #tpu.memory_space<hbm>>
          %dma_start3A_157 = tpu.memref_squeeze %dma_start3A_156 : memref<1x1x128xi32, #tpu.memory_space<hbm>> -> memref<1x128xi32, #tpu.memory_space<hbm>>
          %dma_start3A_158 = arith.constant 0 : i32
          %dma_start3A_159 = arith.constant 0 : i32
          %dma_start3A_160 = tpu.memref_slice %arg3[%add3A_153, %dma_start3A_158, %dma_start3A_159] : memref<2500x1x128xi32, #tpu.memory_space<hbm>> -> memref<1x1x128xi32, #tpu.memory_space<hbm>>
          %dma_start3A_161 = tpu.memref_squeeze %dma_start3A_160 : memref<1x1x128xi32, #tpu.memory_space<hbm>> -> memref<1x128xi32, #tpu.memory_space<hbm>>
          tpu.enqueue_dma source(%dma_start3A_161 : memref<1x128xi32, #tpu.memory_space<hbm>>) target(%arg6 : memref<1x128xi32, #tpu.memory_space<vmem>>) target_semaphore(%arg13 : memref<!tpu.dma_semaphore, #tpu.memory_space<semaphore_mem>>)
        } else {
        }
      } else {
      }
      %mul3A_98 = arith.constant 3 : i32
      %mul3A_99 = arith.muli %scan3A_89, %mul3A_98 : i32
      %add3A_100 = arith.constant 1 : i32
      %add3A_101 = arith.addi %mul3A_99, %add3A_100 : i32
      %lt3A_102 = arith.cmpi slt, %add3A_101, %add3A_6 : i32
      %convert_element_type3A_103 = arith.extui %lt3A_102 : i1 to i32
      %cond3A_104 = arith.constant 0 : i32
      %cond3A_105 = arith.cmpi ne, %convert_element_type3A_103, %cond3A_104 : i32
      scf.if %cond3A_105 {
        %dma_wait3A = arith.constant 0 : i32
        %dma_wait3A_114 = arith.constant 0 : i32
        %dma_wait3A_115 = tpu.memref_slice %arg2[%arg0, %dma_wait3A, %dma_wait3A_114] : memref<2x96000x128xf32, #tpu.memory_space<hbm>> -> memref<1x128x128xf32, #tpu.memory_space<hbm>>
        %dma_wait3A_116 = tpu.memref_squeeze %dma_wait3A_115 : memref<1x128x128xf32, #tpu.memory_space<hbm>> -> memref<128x128xf32, #tpu.memory_space<hbm>>
        %dma_wait3A_117 = arith.constant 0 : i32
        %dma_wait3A_118 = arith.constant 0 : i32
        %dma_wait3A_119 = tpu.memref_slice %arg2[%arg0, %dma_wait3A_117, %dma_wait3A_118] : memref<2x96000x128xf32, #tpu.memory_space<hbm>> -> memref<1x128x128xf32, #tpu.memory_space<hbm>>
        %dma_wait3A_120 = tpu.memref_squeeze %dma_wait3A_119 : memref<1x128x128xf32, #tpu.memory_space<hbm>> -> memref<128x128xf32, #tpu.memory_space<hbm>>
        tpu.wait_dma2 semaphore(%arg17 : memref<!tpu.dma_semaphore, #tpu.memory_space<semaphore_mem>>) src(%dma_wait3A_120 : memref<128x128xf32, #tpu.memory_space<hbm>>) dst(%arg10 : memref<128x128xf32, #tpu.memory_space<vmem>>)
        %dma_wait3A_121 = arith.constant 0 : i32
        %dma_wait3A_122 = arith.constant 0 : i32
        %dma_wait3A_123 = arith.constant 0 : i32
        %dma_wait3A_124 = tpu.memref_slice %arg3[%dma_wait3A_121, %dma_wait3A_122, %dma_wait3A_123] : memref<2500x1x128xi32, #tpu.memory_space<hbm>> -> memref<1x1x128xi32, #tpu.memory_space<hbm>>
        %dma_wait3A_125 = tpu.memref_squeeze %dma_wait3A_124 : memref<1x1x128xi32, #tpu.memory_space<hbm>> -> memref<1x128xi32, #tpu.memory_space<hbm>>
        %dma_wait3A_126 = arith.constant 0 : i32
        %dma_wait3A_127 = arith.constant 0 : i32
        %dma_wait3A_128 = tpu.memref_slice %arg3[%dma_wait3A_121, %dma_wait3A_126, %dma_wait3A_127] : memref<2500x1x128xi32, #tpu.memory_space<hbm>> -> memref<1x1x128xi32, #tpu.memory_space<hbm>>
        %dma_wait3A_129 = tpu.memref_squeeze %dma_wait3A_128 : memref<1x1x128xi32, #tpu.memory_space<hbm>> -> memref<1x128xi32, #tpu.memory_space<hbm>>
        tpu.wait_dma2 semaphore(%arg14 : memref<!tpu.dma_semaphore, #tpu.memory_space<semaphore_mem>>) src(%dma_wait3A_129 : memref<1x128xi32, #tpu.memory_space<hbm>>) dst(%arg7 : memref<1x128xi32, #tpu.memory_space<vmem>>)
        %run_scoped3A = arith.constant 0 : i32
        "tpu.region"() ({
          %run_scoped3A_136 = tpu.sem_alloc : memref<!tpu.dma_semaphore, #tpu.memory_space<semaphore_mem>>
          %dma_start3A_137 = arith.constant 0 : i32
          %dma_start3A_138 = tpu.memref_slice %arg7[%run_scoped3A, %dma_start3A_137] : memref<1x128xi32, #tpu.memory_space<vmem>> -> memref<1x128xi32, #tpu.memory_space<vmem>>
          %dma_start3A_139 = tpu.memref_squeeze %dma_start3A_138 : memref<1x128xi32, #tpu.memory_space<vmem>> -> memref<128xi32, #tpu.memory_space<vmem>>
          %dma_start3A_140 = arith.constant 0 : i32
          %dma_start3A_141 = arith.constant 0 : i32
          %dma_start3A_142 = tpu.memref_slice %arg12[%dma_start3A_140, %dma_start3A_141] : memref<10000x128xf32, #tpu.memory_space<vmem_shared>> -> memref<10000x128xf32, #tpu.memory_space<vmem_shared>>
          tpu.enqueue_indirect_dma source(%arg10 : memref<128x128xf32, #tpu.memory_space<vmem>>) target(%dma_start3A_142 : memref<10000x128xf32, #tpu.memory_space<vmem_shared>>) offsets(%dma_start3A_139 : memref<128xi32, #tpu.memory_space<vmem>>) semaphore(%run_scoped3A_136 : memref<!tpu.dma_semaphore, #tpu.memory_space<semaphore_mem>>) {add = true}
          %dma_wait3A_143 = arith.constant 0 : i32
          %dma_wait3A_144 = tpu.memref_slice %arg7[%run_scoped3A, %dma_wait3A_143] : memref<1x128xi32, #tpu.memory_space<vmem>> -> memref<1x128xi32, #tpu.memory_space<vmem>>
          %dma_wait3A_145 = tpu.memref_squeeze %dma_wait3A_144 : memref<1x128xi32, #tpu.memory_space<vmem>> -> memref<128xi32, #tpu.memory_space<vmem>>
          %dma_wait3A_146 = arith.constant 0 : i32
          %dma_wait3A_147 = arith.constant 0 : i32
          %dma_wait3A_148 = tpu.memref_slice %arg12[%dma_wait3A_146, %dma_wait3A_147] : memref<10000x128xf32, #tpu.memory_space<vmem_shared>> -> memref<10000x128xf32, #tpu.memory_space<vmem_shared>>
          tpu.wait_indirect_dma semaphore(%run_scoped3A_136 : memref<!tpu.dma_semaphore, #tpu.memory_space<semaphore_mem>>) src(%arg10 : memref<128x128xf32, #tpu.memory_space<vmem>>) dst(%dma_wait3A_148 : memref<10000x128xf32, #tpu.memory_space<vmem_shared>>)
          tpu.yield
        }) : () -> ()
        %add3A_130 = arith.constant 3 : i32
        %add3A_131 = arith.addi %add3A_101, %add3A_130 : i32
        %lt3A_132 = arith.cmpi slt, %add3A_131, %add3A_6 : i32
        %convert_element_type3A_133 = arith.extui %lt3A_132 : i1 to i32
        %cond3A_134 = arith.constant 0 : i32
        %cond3A_135 = arith.cmpi ne, %convert_element_type3A_133, %cond3A_134 : i32
        scf.if %cond3A_135 {
          %add3A_136 = arith.constant 3 : i32
          %add3A_137 = arith.addi %add3A_101, %add3A_136 : i32
          %lt3A_138 = arith.constant 46 : i32
          %lt3A_139 = arith.cmpi slt, %add3A_137, %lt3A_138 : i32
          %add3A_140 = arith.addi %mul3A_2, %add3A_137 : i32
          %add3A_141 = arith.constant 736 : i32
          %add3A_142 = arith.addi %add3A_141, %arg1 : i32
          %select_n3A_143 = arith.select %lt3A_139, %add3A_140, %add3A_142 : i32
          %mul3A_144 = arith.constant 128 : i32
          %mul3A_145 = arith.muli %select_n3A_143, %mul3A_144 : i32
          %dma_start3A_146 = arith.constant 0 : i32
          %dma_start3A_147 = tpu.memref_slice %arg2[%arg0, %mul3A_145, %dma_start3A_146] : memref<2x96000x128xf32, #tpu.memory_space<hbm>> -> memref<1x128x128xf32, #tpu.memory_space<hbm>>
          %dma_start3A_148 = tpu.memref_squeeze %dma_start3A_147 : memref<1x128x128xf32, #tpu.memory_space<hbm>> -> memref<128x128xf32, #tpu.memory_space<hbm>>
          %dma_start3A_149 = arith.constant 0 : i32
          %dma_start3A_150 = tpu.memref_slice %arg2[%arg0, %mul3A_145, %dma_start3A_149] : memref<2x96000x128xf32, #tpu.memory_space<hbm>> -> memref<1x128x128xf32, #tpu.memory_space<hbm>>
          %dma_start3A_151 = tpu.memref_squeeze %dma_start3A_150 : memref<1x128x128xf32, #tpu.memory_space<hbm>> -> memref<128x128xf32, #tpu.memory_space<hbm>>
          tpu.enqueue_dma source(%dma_start3A_151 : memref<128x128xf32, #tpu.memory_space<hbm>>) target(%arg10 : memref<128x128xf32, #tpu.memory_space<vmem>>) target_semaphore(%arg17 : memref<!tpu.dma_semaphore, #tpu.memory_space<semaphore_mem>>)
          %add3A_152 = arith.constant 250 : i32
          %add3A_153 = arith.addi %select_n3A_143, %add3A_152 : i32
          %dma_start3A_154 = arith.constant 0 : i32
          %dma_start3A_155 = arith.constant 0 : i32
          %dma_start3A_156 = tpu.memref_slice %arg3[%add3A_153, %dma_start3A_154, %dma_start3A_155] : memref<2500x1x128xi32, #tpu.memory_space<hbm>> -> memref<1x1x128xi32, #tpu.memory_space<hbm>>
          %dma_start3A_157 = tpu.memref_squeeze %dma_start3A_156 : memref<1x1x128xi32, #tpu.memory_space<hbm>> -> memref<1x128xi32, #tpu.memory_space<hbm>>
          %dma_start3A_158 = arith.constant 0 : i32
          %dma_start3A_159 = arith.constant 0 : i32
          %dma_start3A_160 = tpu.memref_slice %arg3[%add3A_153, %dma_start3A_158, %dma_start3A_159] : memref<2500x1x128xi32, #tpu.memory_space<hbm>> -> memref<1x1x128xi32, #tpu.memory_space<hbm>>
          %dma_start3A_161 = tpu.memref_squeeze %dma_start3A_160 : memref<1x1x128xi32, #tpu.memory_space<hbm>> -> memref<1x128xi32, #tpu.memory_space<hbm>>
          tpu.enqueue_dma source(%dma_start3A_161 : memref<1x128xi32, #tpu.memory_space<hbm>>) target(%arg7 : memref<1x128xi32, #tpu.memory_space<vmem>>) target_semaphore(%arg14 : memref<!tpu.dma_semaphore, #tpu.memory_space<semaphore_mem>>)
        } else {
        }
      } else {
      }
      %mul3A_106 = arith.constant 3 : i32
      %mul3A_107 = arith.muli %scan3A_89, %mul3A_106 : i32
      %add3A_108 = arith.constant 2 : i32
      %add3A_109 = arith.addi %mul3A_107, %add3A_108 : i32
      %lt3A_110 = arith.cmpi slt, %add3A_109, %add3A_6 : i32
      %convert_element_type3A_111 = arith.extui %lt3A_110 : i1 to i32
      %cond3A_112 = arith.constant 0 : i32
      %cond3A_113 = arith.cmpi ne, %convert_element_type3A_111, %cond3A_112 : i32
      scf.if %cond3A_113 {
        %dma_wait3A = arith.constant 0 : i32
        %dma_wait3A_114 = arith.constant 0 : i32
        %dma_wait3A_115 = tpu.memref_slice %arg2[%arg0, %dma_wait3A, %dma_wait3A_114] : memref<2x96000x128xf32, #tpu.memory_space<hbm>> -> memref<1x128x128xf32, #tpu.memory_space<hbm>>
        %dma_wait3A_116 = tpu.memref_squeeze %dma_wait3A_115 : memref<1x128x128xf32, #tpu.memory_space<hbm>> -> memref<128x128xf32, #tpu.memory_space<hbm>>
        %dma_wait3A_117 = arith.constant 0 : i32
        %dma_wait3A_118 = arith.constant 0 : i32
        %dma_wait3A_119 = tpu.memref_slice %arg2[%arg0, %dma_wait3A_117, %dma_wait3A_118] : memref<2x96000x128xf32, #tpu.memory_space<hbm>> -> memref<1x128x128xf32, #tpu.memory_space<hbm>>
        %dma_wait3A_120 = tpu.memref_squeeze %dma_wait3A_119 : memref<1x128x128xf32, #tpu.memory_space<hbm>> -> memref<128x128xf32, #tpu.memory_space<hbm>>
        tpu.wait_dma2 semaphore(%arg18 : memref<!tpu.dma_semaphore, #tpu.memory_space<semaphore_mem>>) src(%dma_wait3A_120 : memref<128x128xf32, #tpu.memory_space<hbm>>) dst(%arg11 : memref<128x128xf32, #tpu.memory_space<vmem>>)
        %dma_wait3A_121 = arith.constant 0 : i32
        %dma_wait3A_122 = arith.constant 0 : i32
        %dma_wait3A_123 = arith.constant 0 : i32
        %dma_wait3A_124 = tpu.memref_slice %arg3[%dma_wait3A_121, %dma_wait3A_122, %dma_wait3A_123] : memref<2500x1x128xi32, #tpu.memory_space<hbm>> -> memref<1x1x128xi32, #tpu.memory_space<hbm>>
        %dma_wait3A_125 = tpu.memref_squeeze %dma_wait3A_124 : memref<1x1x128xi32, #tpu.memory_space<hbm>> -> memref<1x128xi32, #tpu.memory_space<hbm>>
        %dma_wait3A_126 = arith.constant 0 : i32
        %dma_wait3A_127 = arith.constant 0 : i32
        %dma_wait3A_128 = tpu.memref_slice %arg3[%dma_wait3A_121, %dma_wait3A_126, %dma_wait3A_127] : memref<2500x1x128xi32, #tpu.memory_space<hbm>> -> memref<1x1x128xi32, #tpu.memory_space<hbm>>
        %dma_wait3A_129 = tpu.memref_squeeze %dma_wait3A_128 : memref<1x1x128xi32, #tpu.memory_space<hbm>> -> memref<1x128xi32, #tpu.memory_space<hbm>>
        tpu.wait_dma2 semaphore(%arg15 : memref<!tpu.dma_semaphore, #tpu.memory_space<semaphore_mem>>) src(%dma_wait3A_129 : memref<1x128xi32, #tpu.memory_space<hbm>>) dst(%arg8 : memref<1x128xi32, #tpu.memory_space<vmem>>)
        %run_scoped3A = arith.constant 0 : i32
        "tpu.region"() ({
          %run_scoped3A_136 = tpu.sem_alloc : memref<!tpu.dma_semaphore, #tpu.memory_space<semaphore_mem>>
          %dma_start3A_137 = arith.constant 0 : i32
          %dma_start3A_138 = tpu.memref_slice %arg8[%run_scoped3A, %dma_start3A_137] : memref<1x128xi32, #tpu.memory_space<vmem>> -> memref<1x128xi32, #tpu.memory_space<vmem>>
          %dma_start3A_139 = tpu.memref_squeeze %dma_start3A_138 : memref<1x128xi32, #tpu.memory_space<vmem>> -> memref<128xi32, #tpu.memory_space<vmem>>
          %dma_start3A_140 = arith.constant 0 : i32
          %dma_start3A_141 = arith.constant 0 : i32
          %dma_start3A_142 = tpu.memref_slice %arg12[%dma_start3A_140, %dma_start3A_141] : memref<10000x128xf32, #tpu.memory_space<vmem_shared>> -> memref<10000x128xf32, #tpu.memory_space<vmem_shared>>
          tpu.enqueue_indirect_dma source(%arg11 : memref<128x128xf32, #tpu.memory_space<vmem>>) target(%dma_start3A_142 : memref<10000x128xf32, #tpu.memory_space<vmem_shared>>) offsets(%dma_start3A_139 : memref<128xi32, #tpu.memory_space<vmem>>) semaphore(%run_scoped3A_136 : memref<!tpu.dma_semaphore, #tpu.memory_space<semaphore_mem>>) {add = true}
          %dma_wait3A_143 = arith.constant 0 : i32
          %dma_wait3A_144 = tpu.memref_slice %arg8[%run_scoped3A, %dma_wait3A_143] : memref<1x128xi32, #tpu.memory_space<vmem>> -> memref<1x128xi32, #tpu.memory_space<vmem>>
          %dma_wait3A_145 = tpu.memref_squeeze %dma_wait3A_144 : memref<1x128xi32, #tpu.memory_space<vmem>> -> memref<128xi32, #tpu.memory_space<vmem>>
          %dma_wait3A_146 = arith.constant 0 : i32
          %dma_wait3A_147 = arith.constant 0 : i32
          %dma_wait3A_148 = tpu.memref_slice %arg12[%dma_wait3A_146, %dma_wait3A_147] : memref<10000x128xf32, #tpu.memory_space<vmem_shared>> -> memref<10000x128xf32, #tpu.memory_space<vmem_shared>>
          tpu.wait_indirect_dma semaphore(%run_scoped3A_136 : memref<!tpu.dma_semaphore, #tpu.memory_space<semaphore_mem>>) src(%arg11 : memref<128x128xf32, #tpu.memory_space<vmem>>) dst(%dma_wait3A_148 : memref<10000x128xf32, #tpu.memory_space<vmem_shared>>)
          tpu.yield
        }) : () -> ()
        %add3A_130 = arith.constant 3 : i32
        %add3A_131 = arith.addi %add3A_109, %add3A_130 : i32
        %lt3A_132 = arith.cmpi slt, %add3A_131, %add3A_6 : i32
        %convert_element_type3A_133 = arith.extui %lt3A_132 : i1 to i32
        %cond3A_134 = arith.constant 0 : i32
        %cond3A_135 = arith.cmpi ne, %convert_element_type3A_133, %cond3A_134 : i32
        scf.if %cond3A_135 {
          %add3A_136 = arith.constant 3 : i32
          %add3A_137 = arith.addi %add3A_109, %add3A_136 : i32
          %lt3A_138 = arith.constant 46 : i32
          %lt3A_139 = arith.cmpi slt, %add3A_137, %lt3A_138 : i32
          %add3A_140 = arith.addi %mul3A_2, %add3A_137 : i32
          %add3A_141 = arith.constant 736 : i32
          %add3A_142 = arith.addi %add3A_141, %arg1 : i32
          %select_n3A_143 = arith.select %lt3A_139, %add3A_140, %add3A_142 : i32
          %mul3A_144 = arith.constant 128 : i32
          %mul3A_145 = arith.muli %select_n3A_143, %mul3A_144 : i32
          %dma_start3A_146 = arith.constant 0 : i32
          %dma_start3A_147 = tpu.memref_slice %arg2[%arg0, %mul3A_145, %dma_start3A_146] : memref<2x96000x128xf32, #tpu.memory_space<hbm>> -> memref<1x128x128xf32, #tpu.memory_space<hbm>>
          %dma_start3A_148 = tpu.memref_squeeze %dma_start3A_147 : memref<1x128x128xf32, #tpu.memory_space<hbm>> -> memref<128x128xf32, #tpu.memory_space<hbm>>
          %dma_start3A_149 = arith.constant 0 : i32
          %dma_start3A_150 = tpu.memref_slice %arg2[%arg0, %mul3A_145, %dma_start3A_149] : memref<2x96000x128xf32, #tpu.memory_space<hbm>> -> memref<1x128x128xf32, #tpu.memory_space<hbm>>
          %dma_start3A_151 = tpu.memref_squeeze %dma_start3A_150 : memref<1x128x128xf32, #tpu.memory_space<hbm>> -> memref<128x128xf32, #tpu.memory_space<hbm>>
          tpu.enqueue_dma source(%dma_start3A_151 : memref<128x128xf32, #tpu.memory_space<hbm>>) target(%arg11 : memref<128x128xf32, #tpu.memory_space<vmem>>) target_semaphore(%arg18 : memref<!tpu.dma_semaphore, #tpu.memory_space<semaphore_mem>>)
          %add3A_152 = arith.constant 250 : i32
          %add3A_153 = arith.addi %select_n3A_143, %add3A_152 : i32
          %dma_start3A_154 = arith.constant 0 : i32
          %dma_start3A_155 = arith.constant 0 : i32
          %dma_start3A_156 = tpu.memref_slice %arg3[%add3A_153, %dma_start3A_154, %dma_start3A_155] : memref<2500x1x128xi32, #tpu.memory_space<hbm>> -> memref<1x1x128xi32, #tpu.memory_space<hbm>>
          %dma_start3A_157 = tpu.memref_squeeze %dma_start3A_156 : memref<1x1x128xi32, #tpu.memory_space<hbm>> -> memref<1x128xi32, #tpu.memory_space<hbm>>
          %dma_start3A_158 = arith.constant 0 : i32
          %dma_start3A_159 = arith.constant 0 : i32
          %dma_start3A_160 = tpu.memref_slice %arg3[%add3A_153, %dma_start3A_158, %dma_start3A_159] : memref<2500x1x128xi32, #tpu.memory_space<hbm>> -> memref<1x1x128xi32, #tpu.memory_space<hbm>>
          %dma_start3A_161 = tpu.memref_squeeze %dma_start3A_160 : memref<1x1x128xi32, #tpu.memory_space<hbm>> -> memref<1x128xi32, #tpu.memory_space<hbm>>
          tpu.enqueue_dma source(%dma_start3A_161 : memref<1x128xi32, #tpu.memory_space<hbm>>) target(%arg8 : memref<1x128xi32, #tpu.memory_space<vmem>>) target_semaphore(%arg15 : memref<!tpu.dma_semaphore, #tpu.memory_space<semaphore_mem>>)
        } else {
        }
      } else {
      }
    }
    %scan3A_82 = arith.constant 16 : i32
    %barrier3A_83 = arith.constant 0 : index
    tpu.barrier barrier_id(%barrier3A_83)
    %lt3A_84 = arith.constant 10 : i32
    %lt3A_85 = arith.cmpi slt, %arg1, %lt3A_84 : i32
    %convert_element_type3A_86 = arith.extui %lt3A_85 : i1 to i32
    %cond3A_87 = arith.constant 0 : i32
    %cond3A_88 = arith.cmpi ne, %convert_element_type3A_86, %cond3A_87 : i32
    scf.if %cond3A_88 {
      %mul3A_89 = arith.constant 1000 : i32
      %mul3A_90 = arith.muli %arg1, %mul3A_89 : i32
      "tpu.region"() ({
        %run_scoped3A = tpu.sem_alloc : memref<!tpu.dma_semaphore, #tpu.memory_space<semaphore_mem>>
        %dma_start3A_91 = arith.constant 0 : i32
        %dma_start3A_92 = tpu.memref_slice %arg5[%arg0, %mul3A_90, %dma_start3A_91] : memref<2x10000x128xf32, #tpu.memory_space<hbm>> -> memref<1x1000x128xf32, #tpu.memory_space<hbm>>
        %dma_start3A_93 = tpu.memref_squeeze %dma_start3A_92 : memref<1x1000x128xf32, #tpu.memory_space<hbm>> -> memref<1000x128xf32, #tpu.memory_space<hbm>>
        %dma_start3A_94 = arith.constant 0 : i32
        %dma_start3A_95 = tpu.memref_slice %arg12[%mul3A_90, %dma_start3A_94] : memref<10000x128xf32, #tpu.memory_space<vmem_shared>> -> memref<1000x128xf32, #tpu.memory_space<vmem_shared>>
        tpu.enqueue_dma source(%dma_start3A_95 : memref<1000x128xf32, #tpu.memory_space<vmem_shared>>) target(%dma_start3A_93 : memref<1000x128xf32, #tpu.memory_space<hbm>>) target_semaphore(%run_scoped3A : memref<!tpu.dma_semaphore, #tpu.memory_space<semaphore_mem>>)
        %dma_wait3A = arith.constant 0 : i32
        %dma_wait3A_96 = tpu.memref_slice %arg5[%arg0, %mul3A_90, %dma_wait3A] : memref<2x10000x128xf32, #tpu.memory_space<hbm>> -> memref<1x1000x128xf32, #tpu.memory_space<hbm>>
        %dma_wait3A_97 = tpu.memref_squeeze %dma_wait3A_96 : memref<1x1000x128xf32, #tpu.memory_space<hbm>> -> memref<1000x128xf32, #tpu.memory_space<hbm>>
        %dma_wait3A_98 = arith.constant 0 : i32
        %dma_wait3A_99 = tpu.memref_slice %arg12[%mul3A_90, %dma_wait3A_98] : memref<10000x128xf32, #tpu.memory_space<vmem_shared>> -> memref<1000x128xf32, #tpu.memory_space<vmem_shared>>
        tpu.wait_dma2 semaphore(%run_scoped3A : memref<!tpu.dma_semaphore, #tpu.memory_space<semaphore_mem>>) src(%dma_wait3A_99 : memref<1000x128xf32, #tpu.memory_space<vmem_shared>>) dst(%dma_wait3A_97 : memref<1000x128xf32, #tpu.memory_space<hbm>>)
        tpu.yield
      }) : () -> ()
    } else {
    }
    return
  }
}

#map = affine_map<(d0, d1) -> (0, 0, 0)>
module attributes {stable_mosaic.version = 14 : i64} {
  func.func @segsum(%arg0: i32, %arg1: i32, %arg2: memref<2x96000x128xf32, #tpu.memory_space<hbm>>, %arg3: memref<2500x1x128xi32, #tpu.memory_space<hbm>>, %arg4: memref<2x10000x128xf32, #tpu.memory_space<hbm>>, %arg5: memref<2x10000x128xf32, #tpu.memory_space<hbm>>, %arg6: memref<1x128xi32, #tpu.memory_space<vmem>>, %arg7: memref<1x128xi32, #tpu.memory_space<vmem>>, %arg8: memref<1x128xi32, #tpu.memory_space<vmem>>, %arg9: memref<128x128xf32, #tpu.memory_space<vmem>>, %arg10: memref<128x128xf32, #tpu.memory_space<vmem>>, %arg11: memref<128x128xf32, #tpu.memory_space<vmem>>, %arg12: memref<10000x128xf32, #tpu.memory_space<vmem_shared>>, %arg13: memref<!tpu.dma_semaphore, #tpu.memory_space<semaphore_mem>>, %arg14: memref<!tpu.dma_semaphore, #tpu.memory_space<semaphore_mem>>, %arg15: memref<!tpu.dma_semaphore, #tpu.memory_space<semaphore_mem>>, %arg16: memref<!tpu.dma_semaphore, #tpu.memory_space<semaphore_mem>>, %arg17: memref<!tpu.dma_semaphore, #tpu.memory_space<semaphore_mem>>, %arg18: memref<!tpu.dma_semaphore, #tpu.memory_space<semaphore_mem>>) attributes {dimension_semantics = [#tpu.dimension_semantics<core_parallel>, #tpu.dimension_semantics<subcore_parallel>], iteration_bounds = array<i64: 2, 16>, scalar_prefetch = 0 : i64, scratch_operands = 13 : i64, tpu.core_type = #tpu.core_type<sc_vector_subcore>, window_params = [{transform_indices = #map}, {transform_indices = #map}, {transform_indices = #map}, {transform_indices = #map}]} {
    %lt3A = arith.constant 10 : i32
    %lt3A_0 = arith.cmpi slt, %arg1, %lt3A : i32
    %convert_element_type3A = arith.extui %lt3A_0 : i1 to i32
    %cond3A = arith.constant 0 : i32
    %cond3A_1 = arith.cmpi ne, %convert_element_type3A, %cond3A : i32
    scf.if %cond3A_1 {
      %mul3A_89 = arith.constant 1000 : i32
      %mul3A_90 = arith.muli %arg1, %mul3A_89 : i32
      "tpu.region"() ({
        %run_scoped3A = tpu.sem_alloc : memref<!tpu.dma_semaphore, #tpu.memory_space<semaphore_mem>>
        %dma_start3A_91 = arith.constant 0 : i32
        %dma_start3A_92 = tpu.memref_slice %arg12[%mul3A_90, %dma_start3A_91] : memref<10000x128xf32, #tpu.memory_space<vmem_shared>> -> memref<1000x128xf32, #tpu.memory_space<vmem_shared>>
        %dma_start3A_93 = arith.constant 0 : i32
        %dma_start3A_94 = tpu.memref_slice %arg4[%arg0, %mul3A_90, %dma_start3A_93] : memref<2x10000x128xf32, #tpu.memory_space<hbm>> -> memref<1x1000x128xf32, #tpu.memory_space<hbm>>
        %dma_start3A_95 = tpu.memref_squeeze %dma_start3A_94 : memref<1x1000x128xf32, #tpu.memory_space<hbm>> -> memref<1000x128xf32, #tpu.memory_space<hbm>>
        tpu.enqueue_dma source(%dma_start3A_95 : memref<1000x128xf32, #tpu.memory_space<hbm>>) target(%dma_start3A_92 : memref<1000x128xf32, #tpu.memory_space<vmem_shared>>) target_semaphore(%run_scoped3A : memref<!tpu.dma_semaphore, #tpu.memory_space<semaphore_mem>>)
        %dma_wait3A = arith.constant 0 : i32
        %dma_wait3A_96 = tpu.memref_slice %arg12[%mul3A_90, %dma_wait3A] : memref<10000x128xf32, #tpu.memory_space<vmem_shared>> -> memref<1000x128xf32, #tpu.memory_space<vmem_shared>>
        %dma_wait3A_97 = arith.constant 0 : i32
        %dma_wait3A_98 = tpu.memref_slice %arg4[%arg0, %mul3A_90, %dma_wait3A_97] : memref<2x10000x128xf32, #tpu.memory_space<hbm>> -> memref<1x1000x128xf32, #tpu.memory_space<hbm>>
        %dma_wait3A_99 = tpu.memref_squeeze %dma_wait3A_98 : memref<1x1000x128xf32, #tpu.memory_space<hbm>> -> memref<1000x128xf32, #tpu.memory_space<hbm>>
        tpu.wait_dma2 semaphore(%run_scoped3A : memref<!tpu.dma_semaphore, #tpu.memory_space<semaphore_mem>>) src(%dma_wait3A_99 : memref<1000x128xf32, #tpu.memory_space<hbm>>) dst(%dma_wait3A_96 : memref<1000x128xf32, #tpu.memory_space<vmem_shared>>)
        tpu.yield
      }) : () -> ()
    } else {
    }
    %barrier3A = arith.constant 0 : index
    tpu.barrier barrier_id(%barrier3A)
    %mul3A = arith.constant 46 : i32
    %mul3A_2 = arith.muli %arg1, %mul3A : i32
    %lt3A_3 = arith.constant 14 : i32
    %lt3A_4 = arith.cmpi slt, %arg1, %lt3A_3 : i32
    %jit3A = arith.constant 1 : i32
    %jit3A_5 = arith.constant 0 : i32
    %select_n3A = arith.select %lt3A_4, %jit3A, %jit3A_5 : i32
    %add3A = arith.constant 46 : i32
    %add3A_6 = arith.addi %add3A, %select_n3A : i32
    %add3A_7 = arith.constant 0 : i32
    %add3A_8 = arith.addi %mul3A_2, %add3A_7 : i32
    %add3A_9 = arith.constant 736 : i32
    %add3A_10 = arith.addi %add3A_9, %arg1 : i32
    %jit3A_11 = arith.constant true
    %select_n3A_12 = arith.select %jit3A_11, %add3A_8, %add3A_10 : i32
    %mul3A_13 = arith.constant 128 : i32
    %mul3A_14 = arith.muli %select_n3A_12, %mul3A_13 : i32
    %dma_start3A = arith.constant 0 : i32
    %dma_start3A_15 = tpu.memref_slice %arg2[%arg0, %mul3A_14, %dma_start3A] : memref<2x96000x128xf32, #tpu.memory_space<hbm>> -> memref<1x128x128xf32, #tpu.memory_space<hbm>>
    %dma_start3A_16 = tpu.memref_squeeze %dma_start3A_15 : memref<1x128x128xf32, #tpu.memory_space<hbm>> -> memref<128x128xf32, #tpu.memory_space<hbm>>
    %dma_start3A_17 = arith.constant 0 : i32
    %dma_start3A_18 = tpu.memref_slice %arg2[%arg0, %mul3A_14, %dma_start3A_17] : memref<2x96000x128xf32, #tpu.memory_space<hbm>> -> memref<1x128x128xf32, #tpu.memory_space<hbm>>
    %dma_start3A_19 = tpu.memref_squeeze %dma_start3A_18 : memref<1x128x128xf32, #tpu.memory_space<hbm>> -> memref<128x128xf32, #tpu.memory_space<hbm>>
    tpu.enqueue_dma source(%dma_start3A_19 : memref<128x128xf32, #tpu.memory_space<hbm>>) target(%arg9 : memref<128x128xf32, #tpu.memory_space<vmem>>) target_semaphore(%arg16 : memref<!tpu.dma_semaphore, #tpu.memory_space<semaphore_mem>>)
    %add3A_20 = arith.constant 1750 : i32
    %add3A_21 = arith.addi %select_n3A_12, %add3A_20 : i32
    %dma_start3A_22 = arith.constant 0 : i32
    %dma_start3A_23 = arith.constant 0 : i32
    %dma_start3A_24 = tpu.memref_slice %arg3[%add3A_21, %dma_start3A_22, %dma_start3A_23] : memref<2500x1x128xi32, #tpu.memory_space<hbm>> -> memref<1x1x128xi32, #tpu.memory_space<hbm>>
    %dma_start3A_25 = tpu.memref_squeeze %dma_start3A_24 : memref<1x1x128xi32, #tpu.memory_space<hbm>> -> memref<1x128xi32, #tpu.memory_space<hbm>>
    %dma_start3A_26 = arith.constant 0 : i32
    %dma_start3A_27 = arith.constant 0 : i32
    %dma_start3A_28 = tpu.memref_slice %arg3[%add3A_21, %dma_start3A_26, %dma_start3A_27] : memref<2500x1x128xi32, #tpu.memory_space<hbm>> -> memref<1x1x128xi32, #tpu.memory_space<hbm>>
    %dma_start3A_29 = tpu.memref_squeeze %dma_start3A_28 : memref<1x1x128xi32, #tpu.memory_space<hbm>> -> memref<1x128xi32, #tpu.memory_space<hbm>>
    tpu.enqueue_dma source(%dma_start3A_29 : memref<1x128xi32, #tpu.memory_space<hbm>>) target(%arg6 : memref<1x128xi32, #tpu.memory_space<vmem>>) target_semaphore(%arg13 : memref<!tpu.dma_semaphore, #tpu.memory_space<semaphore_mem>>)
    %add3A_30 = arith.constant 1 : i32
    %add3A_31 = arith.addi %mul3A_2, %add3A_30 : i32
    %add3A_32 = arith.constant 736 : i32
    %add3A_33 = arith.addi %add3A_32, %arg1 : i32
    %jit3A_34 = arith.constant true
    %select_n3A_35 = arith.select %jit3A_34, %add3A_31, %add3A_33 : i32
    %mul3A_36 = arith.constant 128 : i32
    %mul3A_37 = arith.muli %select_n3A_35, %mul3A_36 : i32
    %dma_start3A_38 = arith.constant 0 : i32
    %dma_start3A_39 = tpu.memref_slice %arg2[%arg0, %mul3A_37, %dma_start3A_38] : memref<2x96000x128xf32, #tpu.memory_space<hbm>> -> memref<1x128x128xf32, #tpu.memory_space<hbm>>
    %dma_start3A_40 = tpu.memref_squeeze %dma_start3A_39 : memref<1x128x128xf32, #tpu.memory_space<hbm>> -> memref<128x128xf32, #tpu.memory_space<hbm>>
    %dma_start3A_41 = arith.constant 0 : i32
    %dma_start3A_42 = tpu.memref_slice %arg2[%arg0, %mul3A_37, %dma_start3A_41] : memref<2x96000x128xf32, #tpu.memory_space<hbm>> -> memref<1x128x128xf32, #tpu.memory_space<hbm>>
    %dma_start3A_43 = tpu.memref_squeeze %dma_start3A_42 : memref<1x128x128xf32, #tpu.memory_space<hbm>> -> memref<128x128xf32, #tpu.memory_space<hbm>>
    tpu.enqueue_dma source(%dma_start3A_43 : memref<128x128xf32, #tpu.memory_space<hbm>>) target(%arg10 : memref<128x128xf32, #tpu.memory_space<vmem>>) target_semaphore(%arg17 : memref<!tpu.dma_semaphore, #tpu.memory_space<semaphore_mem>>)
    %add3A_44 = arith.constant 1750 : i32
    %add3A_45 = arith.addi %select_n3A_35, %add3A_44 : i32
    %dma_start3A_46 = arith.constant 0 : i32
    %dma_start3A_47 = arith.constant 0 : i32
    %dma_start3A_48 = tpu.memref_slice %arg3[%add3A_45, %dma_start3A_46, %dma_start3A_47] : memref<2500x1x128xi32, #tpu.memory_space<hbm>> -> memref<1x1x128xi32, #tpu.memory_space<hbm>>
    %dma_start3A_49 = tpu.memref_squeeze %dma_start3A_48 : memref<1x1x128xi32, #tpu.memory_space<hbm>> -> memref<1x128xi32, #tpu.memory_space<hbm>>
    %dma_start3A_50 = arith.constant 0 : i32
    %dma_start3A_51 = arith.constant 0 : i32
    %dma_start3A_52 = tpu.memref_slice %arg3[%add3A_45, %dma_start3A_50, %dma_start3A_51] : memref<2500x1x128xi32, #tpu.memory_space<hbm>> -> memref<1x1x128xi32, #tpu.memory_space<hbm>>
    %dma_start3A_53 = tpu.memref_squeeze %dma_start3A_52 : memref<1x1x128xi32, #tpu.memory_space<hbm>> -> memref<1x128xi32, #tpu.memory_space<hbm>>
    tpu.enqueue_dma source(%dma_start3A_53 : memref<1x128xi32, #tpu.memory_space<hbm>>) target(%arg7 : memref<1x128xi32, #tpu.memory_space<vmem>>) target_semaphore(%arg14 : memref<!tpu.dma_semaphore, #tpu.memory_space<semaphore_mem>>)
    %add3A_54 = arith.constant 2 : i32
    %add3A_55 = arith.addi %mul3A_2, %add3A_54 : i32
    %add3A_56 = arith.constant 736 : i32
    %add3A_57 = arith.addi %add3A_56, %arg1 : i32
    %jit3A_58 = arith.constant true
    %select_n3A_59 = arith.select %jit3A_58, %add3A_55, %add3A_57 : i32
    %mul3A_60 = arith.constant 128 : i32
    %mul3A_61 = arith.muli %select_n3A_59, %mul3A_60 : i32
    %dma_start3A_62 = arith.constant 0 : i32
    %dma_start3A_63 = tpu.memref_slice %arg2[%arg0, %mul3A_61, %dma_start3A_62] : memref<2x96000x128xf32, #tpu.memory_space<hbm>> -> memref<1x128x128xf32, #tpu.memory_space<hbm>>
    %dma_start3A_64 = tpu.memref_squeeze %dma_start3A_63 : memref<1x128x128xf32, #tpu.memory_space<hbm>> -> memref<128x128xf32, #tpu.memory_space<hbm>>
    %dma_start3A_65 = arith.constant 0 : i32
    %dma_start3A_66 = tpu.memref_slice %arg2[%arg0, %mul3A_61, %dma_start3A_65] : memref<2x96000x128xf32, #tpu.memory_space<hbm>> -> memref<1x128x128xf32, #tpu.memory_space<hbm>>
    %dma_start3A_67 = tpu.memref_squeeze %dma_start3A_66 : memref<1x128x128xf32, #tpu.memory_space<hbm>> -> memref<128x128xf32, #tpu.memory_space<hbm>>
    tpu.enqueue_dma source(%dma_start3A_67 : memref<128x128xf32, #tpu.memory_space<hbm>>) target(%arg11 : memref<128x128xf32, #tpu.memory_space<vmem>>) target_semaphore(%arg18 : memref<!tpu.dma_semaphore, #tpu.memory_space<semaphore_mem>>)
    %add3A_68 = arith.constant 1750 : i32
    %add3A_69 = arith.addi %select_n3A_59, %add3A_68 : i32
    %dma_start3A_70 = arith.constant 0 : i32
    %dma_start3A_71 = arith.constant 0 : i32
    %dma_start3A_72 = tpu.memref_slice %arg3[%add3A_69, %dma_start3A_70, %dma_start3A_71] : memref<2500x1x128xi32, #tpu.memory_space<hbm>> -> memref<1x1x128xi32, #tpu.memory_space<hbm>>
    %dma_start3A_73 = tpu.memref_squeeze %dma_start3A_72 : memref<1x1x128xi32, #tpu.memory_space<hbm>> -> memref<1x128xi32, #tpu.memory_space<hbm>>
    %dma_start3A_74 = arith.constant 0 : i32
    %dma_start3A_75 = arith.constant 0 : i32
    %dma_start3A_76 = tpu.memref_slice %arg3[%add3A_69, %dma_start3A_74, %dma_start3A_75] : memref<2500x1x128xi32, #tpu.memory_space<hbm>> -> memref<1x1x128xi32, #tpu.memory_space<hbm>>
    %dma_start3A_77 = tpu.memref_squeeze %dma_start3A_76 : memref<1x1x128xi32, #tpu.memory_space<hbm>> -> memref<1x128xi32, #tpu.memory_space<hbm>>
    tpu.enqueue_dma source(%dma_start3A_77 : memref<1x128xi32, #tpu.memory_space<hbm>>) target(%arg8 : memref<1x128xi32, #tpu.memory_space<vmem>>) target_semaphore(%arg15 : memref<!tpu.dma_semaphore, #tpu.memory_space<semaphore_mem>>)
    %scan3A = arith.constant 0 : i32
    %scan3A_78 = arith.constant 0 : i32
    %scan3A_79 = arith.constant 16 : i32
    %scan3A_80 = arith.addi %scan3A_78, %scan3A_79 : i32
    %scan3A_81 = arith.constant 1 : i32
    scf.for %scan3A_89 = %scan3A_78 to %scan3A_80 step %scan3A_81  : i32 {
      %mul3A_90 = arith.constant 3 : i32
      %mul3A_91 = arith.muli %scan3A_89, %mul3A_90 : i32
      %add3A_92 = arith.constant 0 : i32
      %add3A_93 = arith.addi %mul3A_91, %add3A_92 : i32
      %lt3A_94 = arith.cmpi slt, %add3A_93, %add3A_6 : i32
      %convert_element_type3A_95 = arith.extui %lt3A_94 : i1 to i32
      %cond3A_96 = arith.constant 0 : i32
      %cond3A_97 = arith.cmpi ne, %convert_element_type3A_95, %cond3A_96 : i32
      scf.if %cond3A_97 {
        %dma_wait3A = arith.constant 0 : i32
        %dma_wait3A_114 = arith.constant 0 : i32
        %dma_wait3A_115 = tpu.memref_slice %arg2[%arg0, %dma_wait3A, %dma_wait3A_114] : memref<2x96000x128xf32, #tpu.memory_space<hbm>> -> memref<1x128x128xf32, #tpu.memory_space<hbm>>
        %dma_wait3A_116 = tpu.memref_squeeze %dma_wait3A_115 : memref<1x128x128xf32, #tpu.memory_space<hbm>> -> memref<128x128xf32, #tpu.memory_space<hbm>>
        %dma_wait3A_117 = arith.constant 0 : i32
        %dma_wait3A_118 = arith.constant 0 : i32
        %dma_wait3A_119 = tpu.memref_slice %arg2[%arg0, %dma_wait3A_117, %dma_wait3A_118] : memref<2x96000x128xf32, #tpu.memory_space<hbm>> -> memref<1x128x128xf32, #tpu.memory_space<hbm>>
        %dma_wait3A_120 = tpu.memref_squeeze %dma_wait3A_119 : memref<1x128x128xf32, #tpu.memory_space<hbm>> -> memref<128x128xf32, #tpu.memory_space<hbm>>
        tpu.wait_dma2 semaphore(%arg16 : memref<!tpu.dma_semaphore, #tpu.memory_space<semaphore_mem>>) src(%dma_wait3A_120 : memref<128x128xf32, #tpu.memory_space<hbm>>) dst(%arg9 : memref<128x128xf32, #tpu.memory_space<vmem>>)
        %dma_wait3A_121 = arith.constant 0 : i32
        %dma_wait3A_122 = arith.constant 0 : i32
        %dma_wait3A_123 = arith.constant 0 : i32
        %dma_wait3A_124 = tpu.memref_slice %arg3[%dma_wait3A_121, %dma_wait3A_122, %dma_wait3A_123] : memref<2500x1x128xi32, #tpu.memory_space<hbm>> -> memref<1x1x128xi32, #tpu.memory_space<hbm>>
        %dma_wait3A_125 = tpu.memref_squeeze %dma_wait3A_124 : memref<1x1x128xi32, #tpu.memory_space<hbm>> -> memref<1x128xi32, #tpu.memory_space<hbm>>
        %dma_wait3A_126 = arith.constant 0 : i32
        %dma_wait3A_127 = arith.constant 0 : i32
        %dma_wait3A_128 = tpu.memref_slice %arg3[%dma_wait3A_121, %dma_wait3A_126, %dma_wait3A_127] : memref<2500x1x128xi32, #tpu.memory_space<hbm>> -> memref<1x1x128xi32, #tpu.memory_space<hbm>>
        %dma_wait3A_129 = tpu.memref_squeeze %dma_wait3A_128 : memref<1x1x128xi32, #tpu.memory_space<hbm>> -> memref<1x128xi32, #tpu.memory_space<hbm>>
        tpu.wait_dma2 semaphore(%arg13 : memref<!tpu.dma_semaphore, #tpu.memory_space<semaphore_mem>>) src(%dma_wait3A_129 : memref<1x128xi32, #tpu.memory_space<hbm>>) dst(%arg6 : memref<1x128xi32, #tpu.memory_space<vmem>>)
        %run_scoped3A = arith.constant 0 : i32
        "tpu.region"() ({
          %run_scoped3A_136 = tpu.sem_alloc : memref<!tpu.dma_semaphore, #tpu.memory_space<semaphore_mem>>
          %dma_start3A_137 = arith.constant 0 : i32
          %dma_start3A_138 = tpu.memref_slice %arg6[%run_scoped3A, %dma_start3A_137] : memref<1x128xi32, #tpu.memory_space<vmem>> -> memref<1x128xi32, #tpu.memory_space<vmem>>
          %dma_start3A_139 = tpu.memref_squeeze %dma_start3A_138 : memref<1x128xi32, #tpu.memory_space<vmem>> -> memref<128xi32, #tpu.memory_space<vmem>>
          %dma_start3A_140 = arith.constant 0 : i32
          %dma_start3A_141 = arith.constant 0 : i32
          %dma_start3A_142 = tpu.memref_slice %arg12[%dma_start3A_140, %dma_start3A_141] : memref<10000x128xf32, #tpu.memory_space<vmem_shared>> -> memref<10000x128xf32, #tpu.memory_space<vmem_shared>>
          tpu.enqueue_indirect_dma source(%arg9 : memref<128x128xf32, #tpu.memory_space<vmem>>) target(%dma_start3A_142 : memref<10000x128xf32, #tpu.memory_space<vmem_shared>>) offsets(%dma_start3A_139 : memref<128xi32, #tpu.memory_space<vmem>>) semaphore(%run_scoped3A_136 : memref<!tpu.dma_semaphore, #tpu.memory_space<semaphore_mem>>) {add = true}
          %dma_wait3A_143 = arith.constant 0 : i32
          %dma_wait3A_144 = tpu.memref_slice %arg6[%run_scoped3A, %dma_wait3A_143] : memref<1x128xi32, #tpu.memory_space<vmem>> -> memref<1x128xi32, #tpu.memory_space<vmem>>
          %dma_wait3A_145 = tpu.memref_squeeze %dma_wait3A_144 : memref<1x128xi32, #tpu.memory_space<vmem>> -> memref<128xi32, #tpu.memory_space<vmem>>
          %dma_wait3A_146 = arith.constant 0 : i32
          %dma_wait3A_147 = arith.constant 0 : i32
          %dma_wait3A_148 = tpu.memref_slice %arg12[%dma_wait3A_146, %dma_wait3A_147] : memref<10000x128xf32, #tpu.memory_space<vmem_shared>> -> memref<10000x128xf32, #tpu.memory_space<vmem_shared>>
          tpu.wait_indirect_dma semaphore(%run_scoped3A_136 : memref<!tpu.dma_semaphore, #tpu.memory_space<semaphore_mem>>) src(%arg9 : memref<128x128xf32, #tpu.memory_space<vmem>>) dst(%dma_wait3A_148 : memref<10000x128xf32, #tpu.memory_space<vmem_shared>>)
          tpu.yield
        }) : () -> ()
        %add3A_130 = arith.constant 3 : i32
        %add3A_131 = arith.addi %add3A_93, %add3A_130 : i32
        %lt3A_132 = arith.cmpi slt, %add3A_131, %add3A_6 : i32
        %convert_element_type3A_133 = arith.extui %lt3A_132 : i1 to i32
        %cond3A_134 = arith.constant 0 : i32
        %cond3A_135 = arith.cmpi ne, %convert_element_type3A_133, %cond3A_134 : i32
        scf.if %cond3A_135 {
          %add3A_136 = arith.constant 3 : i32
          %add3A_137 = arith.addi %add3A_93, %add3A_136 : i32
          %lt3A_138 = arith.constant 46 : i32
          %lt3A_139 = arith.cmpi slt, %add3A_137, %lt3A_138 : i32
          %add3A_140 = arith.addi %mul3A_2, %add3A_137 : i32
          %add3A_141 = arith.constant 736 : i32
          %add3A_142 = arith.addi %add3A_141, %arg1 : i32
          %select_n3A_143 = arith.select %lt3A_139, %add3A_140, %add3A_142 : i32
          %mul3A_144 = arith.constant 128 : i32
          %mul3A_145 = arith.muli %select_n3A_143, %mul3A_144 : i32
          %dma_start3A_146 = arith.constant 0 : i32
          %dma_start3A_147 = tpu.memref_slice %arg2[%arg0, %mul3A_145, %dma_start3A_146] : memref<2x96000x128xf32, #tpu.memory_space<hbm>> -> memref<1x128x128xf32, #tpu.memory_space<hbm>>
          %dma_start3A_148 = tpu.memref_squeeze %dma_start3A_147 : memref<1x128x128xf32, #tpu.memory_space<hbm>> -> memref<128x128xf32, #tpu.memory_space<hbm>>
          %dma_start3A_149 = arith.constant 0 : i32
          %dma_start3A_150 = tpu.memref_slice %arg2[%arg0, %mul3A_145, %dma_start3A_149] : memref<2x96000x128xf32, #tpu.memory_space<hbm>> -> memref<1x128x128xf32, #tpu.memory_space<hbm>>
          %dma_start3A_151 = tpu.memref_squeeze %dma_start3A_150 : memref<1x128x128xf32, #tpu.memory_space<hbm>> -> memref<128x128xf32, #tpu.memory_space<hbm>>
          tpu.enqueue_dma source(%dma_start3A_151 : memref<128x128xf32, #tpu.memory_space<hbm>>) target(%arg9 : memref<128x128xf32, #tpu.memory_space<vmem>>) target_semaphore(%arg16 : memref<!tpu.dma_semaphore, #tpu.memory_space<semaphore_mem>>)
          %add3A_152 = arith.constant 1750 : i32
          %add3A_153 = arith.addi %select_n3A_143, %add3A_152 : i32
          %dma_start3A_154 = arith.constant 0 : i32
          %dma_start3A_155 = arith.constant 0 : i32
          %dma_start3A_156 = tpu.memref_slice %arg3[%add3A_153, %dma_start3A_154, %dma_start3A_155] : memref<2500x1x128xi32, #tpu.memory_space<hbm>> -> memref<1x1x128xi32, #tpu.memory_space<hbm>>
          %dma_start3A_157 = tpu.memref_squeeze %dma_start3A_156 : memref<1x1x128xi32, #tpu.memory_space<hbm>> -> memref<1x128xi32, #tpu.memory_space<hbm>>
          %dma_start3A_158 = arith.constant 0 : i32
          %dma_start3A_159 = arith.constant 0 : i32
          %dma_start3A_160 = tpu.memref_slice %arg3[%add3A_153, %dma_start3A_158, %dma_start3A_159] : memref<2500x1x128xi32, #tpu.memory_space<hbm>> -> memref<1x1x128xi32, #tpu.memory_space<hbm>>
          %dma_start3A_161 = tpu.memref_squeeze %dma_start3A_160 : memref<1x1x128xi32, #tpu.memory_space<hbm>> -> memref<1x128xi32, #tpu.memory_space<hbm>>
          tpu.enqueue_dma source(%dma_start3A_161 : memref<1x128xi32, #tpu.memory_space<hbm>>) target(%arg6 : memref<1x128xi32, #tpu.memory_space<vmem>>) target_semaphore(%arg13 : memref<!tpu.dma_semaphore, #tpu.memory_space<semaphore_mem>>)
        } else {
        }
      } else {
      }
      %mul3A_98 = arith.constant 3 : i32
      %mul3A_99 = arith.muli %scan3A_89, %mul3A_98 : i32
      %add3A_100 = arith.constant 1 : i32
      %add3A_101 = arith.addi %mul3A_99, %add3A_100 : i32
      %lt3A_102 = arith.cmpi slt, %add3A_101, %add3A_6 : i32
      %convert_element_type3A_103 = arith.extui %lt3A_102 : i1 to i32
      %cond3A_104 = arith.constant 0 : i32
      %cond3A_105 = arith.cmpi ne, %convert_element_type3A_103, %cond3A_104 : i32
      scf.if %cond3A_105 {
        %dma_wait3A = arith.constant 0 : i32
        %dma_wait3A_114 = arith.constant 0 : i32
        %dma_wait3A_115 = tpu.memref_slice %arg2[%arg0, %dma_wait3A, %dma_wait3A_114] : memref<2x96000x128xf32, #tpu.memory_space<hbm>> -> memref<1x128x128xf32, #tpu.memory_space<hbm>>
        %dma_wait3A_116 = tpu.memref_squeeze %dma_wait3A_115 : memref<1x128x128xf32, #tpu.memory_space<hbm>> -> memref<128x128xf32, #tpu.memory_space<hbm>>
        %dma_wait3A_117 = arith.constant 0 : i32
        %dma_wait3A_118 = arith.constant 0 : i32
        %dma_wait3A_119 = tpu.memref_slice %arg2[%arg0, %dma_wait3A_117, %dma_wait3A_118] : memref<2x96000x128xf32, #tpu.memory_space<hbm>> -> memref<1x128x128xf32, #tpu.memory_space<hbm>>
        %dma_wait3A_120 = tpu.memref_squeeze %dma_wait3A_119 : memref<1x128x128xf32, #tpu.memory_space<hbm>> -> memref<128x128xf32, #tpu.memory_space<hbm>>
        tpu.wait_dma2 semaphore(%arg17 : memref<!tpu.dma_semaphore, #tpu.memory_space<semaphore_mem>>) src(%dma_wait3A_120 : memref<128x128xf32, #tpu.memory_space<hbm>>) dst(%arg10 : memref<128x128xf32, #tpu.memory_space<vmem>>)
        %dma_wait3A_121 = arith.constant 0 : i32
        %dma_wait3A_122 = arith.constant 0 : i32
        %dma_wait3A_123 = arith.constant 0 : i32
        %dma_wait3A_124 = tpu.memref_slice %arg3[%dma_wait3A_121, %dma_wait3A_122, %dma_wait3A_123] : memref<2500x1x128xi32, #tpu.memory_space<hbm>> -> memref<1x1x128xi32, #tpu.memory_space<hbm>>
        %dma_wait3A_125 = tpu.memref_squeeze %dma_wait3A_124 : memref<1x1x128xi32, #tpu.memory_space<hbm>> -> memref<1x128xi32, #tpu.memory_space<hbm>>
        %dma_wait3A_126 = arith.constant 0 : i32
        %dma_wait3A_127 = arith.constant 0 : i32
        %dma_wait3A_128 = tpu.memref_slice %arg3[%dma_wait3A_121, %dma_wait3A_126, %dma_wait3A_127] : memref<2500x1x128xi32, #tpu.memory_space<hbm>> -> memref<1x1x128xi32, #tpu.memory_space<hbm>>
        %dma_wait3A_129 = tpu.memref_squeeze %dma_wait3A_128 : memref<1x1x128xi32, #tpu.memory_space<hbm>> -> memref<1x128xi32, #tpu.memory_space<hbm>>
        tpu.wait_dma2 semaphore(%arg14 : memref<!tpu.dma_semaphore, #tpu.memory_space<semaphore_mem>>) src(%dma_wait3A_129 : memref<1x128xi32, #tpu.memory_space<hbm>>) dst(%arg7 : memref<1x128xi32, #tpu.memory_space<vmem>>)
        %run_scoped3A = arith.constant 0 : i32
        "tpu.region"() ({
          %run_scoped3A_136 = tpu.sem_alloc : memref<!tpu.dma_semaphore, #tpu.memory_space<semaphore_mem>>
          %dma_start3A_137 = arith.constant 0 : i32
          %dma_start3A_138 = tpu.memref_slice %arg7[%run_scoped3A, %dma_start3A_137] : memref<1x128xi32, #tpu.memory_space<vmem>> -> memref<1x128xi32, #tpu.memory_space<vmem>>
          %dma_start3A_139 = tpu.memref_squeeze %dma_start3A_138 : memref<1x128xi32, #tpu.memory_space<vmem>> -> memref<128xi32, #tpu.memory_space<vmem>>
          %dma_start3A_140 = arith.constant 0 : i32
          %dma_start3A_141 = arith.constant 0 : i32
          %dma_start3A_142 = tpu.memref_slice %arg12[%dma_start3A_140, %dma_start3A_141] : memref<10000x128xf32, #tpu.memory_space<vmem_shared>> -> memref<10000x128xf32, #tpu.memory_space<vmem_shared>>
          tpu.enqueue_indirect_dma source(%arg10 : memref<128x128xf32, #tpu.memory_space<vmem>>) target(%dma_start3A_142 : memref<10000x128xf32, #tpu.memory_space<vmem_shared>>) offsets(%dma_start3A_139 : memref<128xi32, #tpu.memory_space<vmem>>) semaphore(%run_scoped3A_136 : memref<!tpu.dma_semaphore, #tpu.memory_space<semaphore_mem>>) {add = true}
          %dma_wait3A_143 = arith.constant 0 : i32
          %dma_wait3A_144 = tpu.memref_slice %arg7[%run_scoped3A, %dma_wait3A_143] : memref<1x128xi32, #tpu.memory_space<vmem>> -> memref<1x128xi32, #tpu.memory_space<vmem>>
          %dma_wait3A_145 = tpu.memref_squeeze %dma_wait3A_144 : memref<1x128xi32, #tpu.memory_space<vmem>> -> memref<128xi32, #tpu.memory_space<vmem>>
          %dma_wait3A_146 = arith.constant 0 : i32
          %dma_wait3A_147 = arith.constant 0 : i32
          %dma_wait3A_148 = tpu.memref_slice %arg12[%dma_wait3A_146, %dma_wait3A_147] : memref<10000x128xf32, #tpu.memory_space<vmem_shared>> -> memref<10000x128xf32, #tpu.memory_space<vmem_shared>>
          tpu.wait_indirect_dma semaphore(%run_scoped3A_136 : memref<!tpu.dma_semaphore, #tpu.memory_space<semaphore_mem>>) src(%arg10 : memref<128x128xf32, #tpu.memory_space<vmem>>) dst(%dma_wait3A_148 : memref<10000x128xf32, #tpu.memory_space<vmem_shared>>)
          tpu.yield
        }) : () -> ()
        %add3A_130 = arith.constant 3 : i32
        %add3A_131 = arith.addi %add3A_101, %add3A_130 : i32
        %lt3A_132 = arith.cmpi slt, %add3A_131, %add3A_6 : i32
        %convert_element_type3A_133 = arith.extui %lt3A_132 : i1 to i32
        %cond3A_134 = arith.constant 0 : i32
        %cond3A_135 = arith.cmpi ne, %convert_element_type3A_133, %cond3A_134 : i32
        scf.if %cond3A_135 {
          %add3A_136 = arith.constant 3 : i32
          %add3A_137 = arith.addi %add3A_101, %add3A_136 : i32
          %lt3A_138 = arith.constant 46 : i32
          %lt3A_139 = arith.cmpi slt, %add3A_137, %lt3A_138 : i32
          %add3A_140 = arith.addi %mul3A_2, %add3A_137 : i32
          %add3A_141 = arith.constant 736 : i32
          %add3A_142 = arith.addi %add3A_141, %arg1 : i32
          %select_n3A_143 = arith.select %lt3A_139, %add3A_140, %add3A_142 : i32
          %mul3A_144 = arith.constant 128 : i32
          %mul3A_145 = arith.muli %select_n3A_143, %mul3A_144 : i32
          %dma_start3A_146 = arith.constant 0 : i32
          %dma_start3A_147 = tpu.memref_slice %arg2[%arg0, %mul3A_145, %dma_start3A_146] : memref<2x96000x128xf32, #tpu.memory_space<hbm>> -> memref<1x128x128xf32, #tpu.memory_space<hbm>>
          %dma_start3A_148 = tpu.memref_squeeze %dma_start3A_147 : memref<1x128x128xf32, #tpu.memory_space<hbm>> -> memref<128x128xf32, #tpu.memory_space<hbm>>
          %dma_start3A_149 = arith.constant 0 : i32
          %dma_start3A_150 = tpu.memref_slice %arg2[%arg0, %mul3A_145, %dma_start3A_149] : memref<2x96000x128xf32, #tpu.memory_space<hbm>> -> memref<1x128x128xf32, #tpu.memory_space<hbm>>
          %dma_start3A_151 = tpu.memref_squeeze %dma_start3A_150 : memref<1x128x128xf32, #tpu.memory_space<hbm>> -> memref<128x128xf32, #tpu.memory_space<hbm>>
          tpu.enqueue_dma source(%dma_start3A_151 : memref<128x128xf32, #tpu.memory_space<hbm>>) target(%arg10 : memref<128x128xf32, #tpu.memory_space<vmem>>) target_semaphore(%arg17 : memref<!tpu.dma_semaphore, #tpu.memory_space<semaphore_mem>>)
          %add3A_152 = arith.constant 1750 : i32
          %add3A_153 = arith.addi %select_n3A_143, %add3A_152 : i32
          %dma_start3A_154 = arith.constant 0 : i32
          %dma_start3A_155 = arith.constant 0 : i32
          %dma_start3A_156 = tpu.memref_slice %arg3[%add3A_153, %dma_start3A_154, %dma_start3A_155] : memref<2500x1x128xi32, #tpu.memory_space<hbm>> -> memref<1x1x128xi32, #tpu.memory_space<hbm>>
          %dma_start3A_157 = tpu.memref_squeeze %dma_start3A_156 : memref<1x1x128xi32, #tpu.memory_space<hbm>> -> memref<1x128xi32, #tpu.memory_space<hbm>>
          %dma_start3A_158 = arith.constant 0 : i32
          %dma_start3A_159 = arith.constant 0 : i32
          %dma_start3A_160 = tpu.memref_slice %arg3[%add3A_153, %dma_start3A_158, %dma_start3A_159] : memref<2500x1x128xi32, #tpu.memory_space<hbm>> -> memref<1x1x128xi32, #tpu.memory_space<hbm>>
          %dma_start3A_161 = tpu.memref_squeeze %dma_start3A_160 : memref<1x1x128xi32, #tpu.memory_space<hbm>> -> memref<1x128xi32, #tpu.memory_space<hbm>>
          tpu.enqueue_dma source(%dma_start3A_161 : memref<1x128xi32, #tpu.memory_space<hbm>>) target(%arg7 : memref<1x128xi32, #tpu.memory_space<vmem>>) target_semaphore(%arg14 : memref<!tpu.dma_semaphore, #tpu.memory_space<semaphore_mem>>)
        } else {
        }
      } else {
      }
      %mul3A_106 = arith.constant 3 : i32
      %mul3A_107 = arith.muli %scan3A_89, %mul3A_106 : i32
      %add3A_108 = arith.constant 2 : i32
      %add3A_109 = arith.addi %mul3A_107, %add3A_108 : i32
      %lt3A_110 = arith.cmpi slt, %add3A_109, %add3A_6 : i32
      %convert_element_type3A_111 = arith.extui %lt3A_110 : i1 to i32
      %cond3A_112 = arith.constant 0 : i32
      %cond3A_113 = arith.cmpi ne, %convert_element_type3A_111, %cond3A_112 : i32
      scf.if %cond3A_113 {
        %dma_wait3A = arith.constant 0 : i32
        %dma_wait3A_114 = arith.constant 0 : i32
        %dma_wait3A_115 = tpu.memref_slice %arg2[%arg0, %dma_wait3A, %dma_wait3A_114] : memref<2x96000x128xf32, #tpu.memory_space<hbm>> -> memref<1x128x128xf32, #tpu.memory_space<hbm>>
        %dma_wait3A_116 = tpu.memref_squeeze %dma_wait3A_115 : memref<1x128x128xf32, #tpu.memory_space<hbm>> -> memref<128x128xf32, #tpu.memory_space<hbm>>
        %dma_wait3A_117 = arith.constant 0 : i32
        %dma_wait3A_118 = arith.constant 0 : i32
        %dma_wait3A_119 = tpu.memref_slice %arg2[%arg0, %dma_wait3A_117, %dma_wait3A_118] : memref<2x96000x128xf32, #tpu.memory_space<hbm>> -> memref<1x128x128xf32, #tpu.memory_space<hbm>>
        %dma_wait3A_120 = tpu.memref_squeeze %dma_wait3A_119 : memref<1x128x128xf32, #tpu.memory_space<hbm>> -> memref<128x128xf32, #tpu.memory_space<hbm>>
        tpu.wait_dma2 semaphore(%arg18 : memref<!tpu.dma_semaphore, #tpu.memory_space<semaphore_mem>>) src(%dma_wait3A_120 : memref<128x128xf32, #tpu.memory_space<hbm>>) dst(%arg11 : memref<128x128xf32, #tpu.memory_space<vmem>>)
        %dma_wait3A_121 = arith.constant 0 : i32
        %dma_wait3A_122 = arith.constant 0 : i32
        %dma_wait3A_123 = arith.constant 0 : i32
        %dma_wait3A_124 = tpu.memref_slice %arg3[%dma_wait3A_121, %dma_wait3A_122, %dma_wait3A_123] : memref<2500x1x128xi32, #tpu.memory_space<hbm>> -> memref<1x1x128xi32, #tpu.memory_space<hbm>>
        %dma_wait3A_125 = tpu.memref_squeeze %dma_wait3A_124 : memref<1x1x128xi32, #tpu.memory_space<hbm>> -> memref<1x128xi32, #tpu.memory_space<hbm>>
        %dma_wait3A_126 = arith.constant 0 : i32
        %dma_wait3A_127 = arith.constant 0 : i32
        %dma_wait3A_128 = tpu.memref_slice %arg3[%dma_wait3A_121, %dma_wait3A_126, %dma_wait3A_127] : memref<2500x1x128xi32, #tpu.memory_space<hbm>> -> memref<1x1x128xi32, #tpu.memory_space<hbm>>
        %dma_wait3A_129 = tpu.memref_squeeze %dma_wait3A_128 : memref<1x1x128xi32, #tpu.memory_space<hbm>> -> memref<1x128xi32, #tpu.memory_space<hbm>>
        tpu.wait_dma2 semaphore(%arg15 : memref<!tpu.dma_semaphore, #tpu.memory_space<semaphore_mem>>) src(%dma_wait3A_129 : memref<1x128xi32, #tpu.memory_space<hbm>>) dst(%arg8 : memref<1x128xi32, #tpu.memory_space<vmem>>)
        %run_scoped3A = arith.constant 0 : i32
        "tpu.region"() ({
          %run_scoped3A_136 = tpu.sem_alloc : memref<!tpu.dma_semaphore, #tpu.memory_space<semaphore_mem>>
          %dma_start3A_137 = arith.constant 0 : i32
          %dma_start3A_138 = tpu.memref_slice %arg8[%run_scoped3A, %dma_start3A_137] : memref<1x128xi32, #tpu.memory_space<vmem>> -> memref<1x128xi32, #tpu.memory_space<vmem>>
          %dma_start3A_139 = tpu.memref_squeeze %dma_start3A_138 : memref<1x128xi32, #tpu.memory_space<vmem>> -> memref<128xi32, #tpu.memory_space<vmem>>
          %dma_start3A_140 = arith.constant 0 : i32
          %dma_start3A_141 = arith.constant 0 : i32
          %dma_start3A_142 = tpu.memref_slice %arg12[%dma_start3A_140, %dma_start3A_141] : memref<10000x128xf32, #tpu.memory_space<vmem_shared>> -> memref<10000x128xf32, #tpu.memory_space<vmem_shared>>
          tpu.enqueue_indirect_dma source(%arg11 : memref<128x128xf32, #tpu.memory_space<vmem>>) target(%dma_start3A_142 : memref<10000x128xf32, #tpu.memory_space<vmem_shared>>) offsets(%dma_start3A_139 : memref<128xi32, #tpu.memory_space<vmem>>) semaphore(%run_scoped3A_136 : memref<!tpu.dma_semaphore, #tpu.memory_space<semaphore_mem>>) {add = true}
          %dma_wait3A_143 = arith.constant 0 : i32
          %dma_wait3A_144 = tpu.memref_slice %arg8[%run_scoped3A, %dma_wait3A_143] : memref<1x128xi32, #tpu.memory_space<vmem>> -> memref<1x128xi32, #tpu.memory_space<vmem>>
          %dma_wait3A_145 = tpu.memref_squeeze %dma_wait3A_144 : memref<1x128xi32, #tpu.memory_space<vmem>> -> memref<128xi32, #tpu.memory_space<vmem>>
          %dma_wait3A_146 = arith.constant 0 : i32
          %dma_wait3A_147 = arith.constant 0 : i32
          %dma_wait3A_148 = tpu.memref_slice %arg12[%dma_wait3A_146, %dma_wait3A_147] : memref<10000x128xf32, #tpu.memory_space<vmem_shared>> -> memref<10000x128xf32, #tpu.memory_space<vmem_shared>>
          tpu.wait_indirect_dma semaphore(%run_scoped3A_136 : memref<!tpu.dma_semaphore, #tpu.memory_space<semaphore_mem>>) src(%arg11 : memref<128x128xf32, #tpu.memory_space<vmem>>) dst(%dma_wait3A_148 : memref<10000x128xf32, #tpu.memory_space<vmem_shared>>)
          tpu.yield
        }) : () -> ()
        %add3A_130 = arith.constant 3 : i32
        %add3A_131 = arith.addi %add3A_109, %add3A_130 : i32
        %lt3A_132 = arith.cmpi slt, %add3A_131, %add3A_6 : i32
        %convert_element_type3A_133 = arith.extui %lt3A_132 : i1 to i32
        %cond3A_134 = arith.constant 0 : i32
        %cond3A_135 = arith.cmpi ne, %convert_element_type3A_133, %cond3A_134 : i32
        scf.if %cond3A_135 {
          %add3A_136 = arith.constant 3 : i32
          %add3A_137 = arith.addi %add3A_109, %add3A_136 : i32
          %lt3A_138 = arith.constant 46 : i32
          %lt3A_139 = arith.cmpi slt, %add3A_137, %lt3A_138 : i32
          %add3A_140 = arith.addi %mul3A_2, %add3A_137 : i32
          %add3A_141 = arith.constant 736 : i32
          %add3A_142 = arith.addi %add3A_141, %arg1 : i32
          %select_n3A_143 = arith.select %lt3A_139, %add3A_140, %add3A_142 : i32
          %mul3A_144 = arith.constant 128 : i32
          %mul3A_145 = arith.muli %select_n3A_143, %mul3A_144 : i32
          %dma_start3A_146 = arith.constant 0 : i32
          %dma_start3A_147 = tpu.memref_slice %arg2[%arg0, %mul3A_145, %dma_start3A_146] : memref<2x96000x128xf32, #tpu.memory_space<hbm>> -> memref<1x128x128xf32, #tpu.memory_space<hbm>>
          %dma_start3A_148 = tpu.memref_squeeze %dma_start3A_147 : memref<1x128x128xf32, #tpu.memory_space<hbm>> -> memref<128x128xf32, #tpu.memory_space<hbm>>
          %dma_start3A_149 = arith.constant 0 : i32
          %dma_start3A_150 = tpu.memref_slice %arg2[%arg0, %mul3A_145, %dma_start3A_149] : memref<2x96000x128xf32, #tpu.memory_space<hbm>> -> memref<1x128x128xf32, #tpu.memory_space<hbm>>
          %dma_start3A_151 = tpu.memref_squeeze %dma_start3A_150 : memref<1x128x128xf32, #tpu.memory_space<hbm>> -> memref<128x128xf32, #tpu.memory_space<hbm>>
          tpu.enqueue_dma source(%dma_start3A_151 : memref<128x128xf32, #tpu.memory_space<hbm>>) target(%arg11 : memref<128x128xf32, #tpu.memory_space<vmem>>) target_semaphore(%arg18 : memref<!tpu.dma_semaphore, #tpu.memory_space<semaphore_mem>>)
          %add3A_152 = arith.constant 1750 : i32
          %add3A_153 = arith.addi %select_n3A_143, %add3A_152 : i32
          %dma_start3A_154 = arith.constant 0 : i32
          %dma_start3A_155 = arith.constant 0 : i32
          %dma_start3A_156 = tpu.memref_slice %arg3[%add3A_153, %dma_start3A_154, %dma_start3A_155] : memref<2500x1x128xi32, #tpu.memory_space<hbm>> -> memref<1x1x128xi32, #tpu.memory_space<hbm>>
          %dma_start3A_157 = tpu.memref_squeeze %dma_start3A_156 : memref<1x1x128xi32, #tpu.memory_space<hbm>> -> memref<1x128xi32, #tpu.memory_space<hbm>>
          %dma_start3A_158 = arith.constant 0 : i32
          %dma_start3A_159 = arith.constant 0 : i32
          %dma_start3A_160 = tpu.memref_slice %arg3[%add3A_153, %dma_start3A_158, %dma_start3A_159] : memref<2500x1x128xi32, #tpu.memory_space<hbm>> -> memref<1x1x128xi32, #tpu.memory_space<hbm>>
          %dma_start3A_161 = tpu.memref_squeeze %dma_start3A_160 : memref<1x1x128xi32, #tpu.memory_space<hbm>> -> memref<1x128xi32, #tpu.memory_space<hbm>>
          tpu.enqueue_dma source(%dma_start3A_161 : memref<1x128xi32, #tpu.memory_space<hbm>>) target(%arg8 : memref<1x128xi32, #tpu.memory_space<vmem>>) target_semaphore(%arg15 : memref<!tpu.dma_semaphore, #tpu.memory_space<semaphore_mem>>)
        } else {
        }
      } else {
      }
    }
    %scan3A_82 = arith.constant 16 : i32
    %barrier3A_83 = arith.constant 0 : index
    tpu.barrier barrier_id(%barrier3A_83)
    %lt3A_84 = arith.constant 10 : i32
    %lt3A_85 = arith.cmpi slt, %arg1, %lt3A_84 : i32
    %convert_element_type3A_86 = arith.extui %lt3A_85 : i1 to i32
    %cond3A_87 = arith.constant 0 : i32
    %cond3A_88 = arith.cmpi ne, %convert_element_type3A_86, %cond3A_87 : i32
    scf.if %cond3A_88 {
      %mul3A_89 = arith.constant 1000 : i32
      %mul3A_90 = arith.muli %arg1, %mul3A_89 : i32
      "tpu.region"() ({
        %run_scoped3A = tpu.sem_alloc : memref<!tpu.dma_semaphore, #tpu.memory_space<semaphore_mem>>
        %dma_start3A_91 = arith.constant 0 : i32
        %dma_start3A_92 = tpu.memref_slice %arg5[%arg0, %mul3A_90, %dma_start3A_91] : memref<2x10000x128xf32, #tpu.memory_space<hbm>> -> memref<1x1000x128xf32, #tpu.memory_space<hbm>>
        %dma_start3A_93 = tpu.memref_squeeze %dma_start3A_92 : memref<1x1000x128xf32, #tpu.memory_space<hbm>> -> memref<1000x128xf32, #tpu.memory_space<hbm>>
        %dma_start3A_94 = arith.constant 0 : i32
        %dma_start3A_95 = tpu.memref_slice %arg12[%mul3A_90, %dma_start3A_94] : memref<10000x128xf32, #tpu.memory_space<vmem_shared>> -> memref<1000x128xf32, #tpu.memory_space<vmem_shared>>
        tpu.enqueue_dma source(%dma_start3A_95 : memref<1000x128xf32, #tpu.memory_space<vmem_shared>>) target(%dma_start3A_93 : memref<1000x128xf32, #tpu.memory_space<hbm>>) target_semaphore(%run_scoped3A : memref<!tpu.dma_semaphore, #tpu.memory_space<semaphore_mem>>)
        %dma_wait3A = arith.constant 0 : i32
        %dma_wait3A_96 = tpu.memref_slice %arg5[%arg0, %mul3A_90, %dma_wait3A] : memref<2x10000x128xf32, #tpu.memory_space<hbm>> -> memref<1x1000x128xf32, #tpu.memory_space<hbm>>
        %dma_wait3A_97 = tpu.memref_squeeze %dma_wait3A_96 : memref<1x1000x128xf32, #tpu.memory_space<hbm>> -> memref<1000x128xf32, #tpu.memory_space<hbm>>
        %dma_wait3A_98 = arith.constant 0 : i32
        %dma_wait3A_99 = tpu.memref_slice %arg12[%mul3A_90, %dma_wait3A_98] : memref<10000x128xf32, #tpu.memory_space<vmem_shared>> -> memref<1000x128xf32, #tpu.memory_space<vmem_shared>>
        tpu.wait_dma2 semaphore(%run_scoped3A : memref<!tpu.dma_semaphore, #tpu.memory_space<semaphore_mem>>) src(%dma_wait3A_99 : memref<1000x128xf32, #tpu.memory_space<vmem_shared>>) dst(%dma_wait3A_97 : memref<1000x128xf32, #tpu.memory_space<hbm>>)
        tpu.yield
      }) : () -> ()
    } else {
    }
    return
  }
}

module attributes {stable_mosaic.version = 14 : i64} {
  func.func @_fwd_body(%arg0: i32, %arg1: memref<2000x128xf32, #tpu.memory_space<vmem>>, %arg2: memref<128x128xf32, #tpu.memory_space<vmem>>, %arg3: memref<1x128xf32, #tpu.memory_space<vmem>>, %arg4: memref<128x128xf32, #tpu.memory_space<vmem>>, %arg5: memref<1x128xf32, #tpu.memory_space<vmem>>, %arg6: memref<2x2000x128xf32, #tpu.memory_space<vmem>>) attributes {dimension_semantics = [#tpu.dimension_semantics<arbitrary>], iteration_bounds = array<i64: 16>, scalar_prefetch = 0 : i64, scratch_operands = 0 : i64, tpu.core_type = #tpu.core_type<tc>, window_params = [{transform_indices = @transform_0, window_bounds = array<i64: 2000, 128>}, {pipeline_mode = #tpu.pipeline_mode<synchronous>, transform_indices = @transform_1, window_bounds = array<i64: 128, 128>}, {pipeline_mode = #tpu.pipeline_mode<synchronous>, transform_indices = @transform_2, window_bounds = array<i64: 1, 128>}, {pipeline_mode = #tpu.pipeline_mode<synchronous>, transform_indices = @transform_3, window_bounds = array<i64: 128, 128>}, {pipeline_mode = #tpu.pipeline_mode<synchronous>, transform_indices = @transform_4, window_bounds = array<i64: 1, 128>}, {transform_indices = @transform_5, window_bounds = array<i64: 2, 2000, 128>}]} {
    %get3A = arith.constant 0 : index
    %get3A_0 = arith.constant 0 : index
    %get3A_1 = vector.load %arg1[%get3A, %get3A_0] : memref<2000x128xf32, #tpu.memory_space<vmem>>, vector<2000x128xf32>
    %get3A_2 = arith.constant 0 : index
    %get3A_3 = arith.constant 0 : index
    %get3A_4 = vector.load %arg2[%get3A_2, %get3A_3] : memref<128x128xf32, #tpu.memory_space<vmem>>, vector<128x128xf32>
    %dot_general3A = arith.constant dense<0.000000e+00> : vector<2000x128xf32>
    %dot_general3A_5 = tpu.matmul %get3A_1, %get3A_4, %dot_general3A {dimension_numbers = #tpu.dot_dimension_numbers<[1], [1], [0], [0], [0, 0, 1, 0], [], []>, transpose_lhs_hint = false} : vector<2000x128xf32>, vector<128x128xf32>, vector<2000x128xf32> -> vector<2000x128xf32>
    %get3A_6 = arith.constant 0 : index
    %get3A_7 = arith.constant 0 : index
    %get3A_8 = vector.load %arg3[%get3A_6, %get3A_7] : memref<1x128xf32, #tpu.memory_space<vmem>>, vector<1x128xf32>
    %add3A = vector.broadcast %get3A_8 : vector<1x128xf32> to vector<2000x128xf32>
    %add3A_9 = arith.addf %dot_general3A_5, %add3A : vector<2000x128xf32>
    %get3A_10 = arith.constant 0 : index
    %get3A_11 = arith.constant 0 : index
    %get3A_12 = vector.load %arg4[%get3A_10, %get3A_11] : memref<128x128xf32, #tpu.memory_space<vmem>>, vector<128x128xf32>
    %dot_general3A_13 = arith.constant dense<0.000000e+00> : vector<2000x128xf32>
    %dot_general3A_14 = tpu.matmul %get3A_1, %get3A_12, %dot_general3A_13 {dimension_numbers = #tpu.dot_dimension_numbers<[1], [1], [0], [0], [0, 0, 1, 0], [], []>, transpose_lhs_hint = false} : vector<2000x128xf32>, vector<128x128xf32>, vector<2000x128xf32> -> vector<2000x128xf32>
    %get3A_15 = arith.constant 0 : index
    %get3A_16 = arith.constant 0 : index
    %get3A_17 = vector.load %arg5[%get3A_15, %get3A_16] : memref<1x128xf32, #tpu.memory_space<vmem>>, vector<1x128xf32>
    %add3A_18 = vector.broadcast %get3A_17 : vector<1x128xf32> to vector<2000x128xf32>
    %add3A_19 = arith.addf %dot_general3A_14, %add3A_18 : vector<2000x128xf32>
    %exp3A = math.exp %add3A_19 : vector<2000x128xf32>
    %swap3A = arith.constant 0 : index
    %swap3A_20 = arith.constant 0 : index
    %swap3A_21 = arith.constant 0 : index
    %swap3A_22 = vector.load %arg6[%swap3A, %swap3A_20, %swap3A_21] : memref<2x2000x128xf32, #tpu.memory_space<vmem>>, vector<1x2000x128xf32>
    %swap3A_23 = vector.shape_cast %swap3A_22 : vector<1x2000x128xf32> to vector<2000x128xf32>
    %swap3A_24 = vector.shape_cast %exp3A : vector<2000x128xf32> to vector<1x2000x128xf32>
    tpu.vector_store %arg6[%swap3A, %swap3A_20, %swap3A_21], %swap3A_24 {strides = array<i32>} : memref<2x2000x128xf32, #tpu.memory_space<vmem>>, vector<1x2000x128xf32>,
    %mul3A = arith.mulf %add3A_9, %exp3A : vector<2000x128xf32>
    %swap3A_25 = arith.constant 1 : index
    %swap3A_26 = arith.constant 0 : index
    %swap3A_27 = arith.constant 0 : index
    %swap3A_28 = vector.load %arg6[%swap3A_25, %swap3A_26, %swap3A_27] : memref<2x2000x128xf32, #tpu.memory_space<vmem>>, vector<1x2000x128xf32>
    %swap3A_29 = vector.shape_cast %swap3A_28 : vector<1x2000x128xf32> to vector<2000x128xf32>
    %swap3A_30 = vector.shape_cast %mul3A : vector<2000x128xf32> to vector<1x2000x128xf32>
    tpu.vector_store %arg6[%swap3A_25, %swap3A_26, %swap3A_27], %swap3A_30 {strides = array<i32>} : memref<2x2000x128xf32, #tpu.memory_space<vmem>>, vector<1x2000x128xf32>,
    return
  }
  func.func @transform_0(%arg0: i32) -> (i32, i32) {
    %add3A = arith.constant 0 : i32
    %add3A_0 = arith.addi %arg0, %add3A : i32
    %c0_i32 = arith.constant 0 : i32
    %c0_i32_1 = arith.constant 0 : i32
    return %add3A_0, %c0_i32 : i32, i32
  }
  func.func @transform_1(%arg0: i32) -> (i32, i32) {
    %c0_i32 = arith.constant 0 : i32
    %c0_i32_0 = arith.constant 0 : i32
    %c0_i32_1 = arith.constant 0 : i32
    return %c0_i32, %c0_i32_0 : i32, i32
  }
  func.func @transform_2(%arg0: i32) -> (i32, i32) {
    %c0_i32 = arith.constant 0 : i32
    %c0_i32_0 = arith.constant 0 : i32
    %c0_i32_1 = arith.constant 0 : i32
    return %c0_i32, %c0_i32_0 : i32, i32
  }
  func.func @transform_3(%arg0: i32) -> (i32, i32) {
    %c0_i32 = arith.constant 0 : i32
    %c0_i32_0 = arith.constant 0 : i32
    %c0_i32_1 = arith.constant 0 : i32
    return %c0_i32, %c0_i32_0 : i32, i32
  }
  func.func @transform_4(%arg0: i32) -> (i32, i32) {
    %c0_i32 = arith.constant 0 : i32
    %c0_i32_0 = arith.constant 0 : i32
    %c0_i32_1 = arith.constant 0 : i32
    return %c0_i32, %c0_i32_0 : i32, i32
  }
  func.func @transform_5(%arg0: i32) -> (i32, i32, i32) {
    %c0_i32 = arith.constant 0 : i32
    %c0_i32_0 = arith.constant 0 : i32
    %c0_i32_1 = arith.constant 0 : i32
    return %c0_i32, %arg0, %c0_i32_0 : i32, i32, i32
  }
}

module attributes {stable_mosaic.version = 14 : i64} {
  func.func @_fwd_body(%arg0: i32, %arg1: memref<2000x128xf32, #tpu.memory_space<vmem>>, %arg2: memref<128x128xf32, #tpu.memory_space<vmem>>, %arg3: memref<1x128xf32, #tpu.memory_space<vmem>>, %arg4: memref<128x128xf32, #tpu.memory_space<vmem>>, %arg5: memref<1x128xf32, #tpu.memory_space<vmem>>, %arg6: memref<2x2000x128xf32, #tpu.memory_space<vmem>>) attributes {dimension_semantics = [#tpu.dimension_semantics<arbitrary>], iteration_bounds = array<i64: 48>, scalar_prefetch = 0 : i64, scratch_operands = 0 : i64, tpu.core_type = #tpu.core_type<tc>, window_params = [{transform_indices = @transform_0, window_bounds = array<i64: 2000, 128>}, {pipeline_mode = #tpu.pipeline_mode<synchronous>, transform_indices = @transform_1, window_bounds = array<i64: 128, 128>}, {pipeline_mode = #tpu.pipeline_mode<synchronous>, transform_indices = @transform_2, window_bounds = array<i64: 1, 128>}, {pipeline_mode = #tpu.pipeline_mode<synchronous>, transform_indices = @transform_3, window_bounds = array<i64: 128, 128>}, {pipeline_mode = #tpu.pipeline_mode<synchronous>, transform_indices = @transform_4, window_bounds = array<i64: 1, 128>}, {transform_indices = @transform_5, window_bounds = array<i64: 2, 2000, 128>}]} {
    %get3A = arith.constant 0 : index
    %get3A_0 = arith.constant 0 : index
    %get3A_1 = vector.load %arg1[%get3A, %get3A_0] : memref<2000x128xf32, #tpu.memory_space<vmem>>, vector<2000x128xf32>
    %get3A_2 = arith.constant 0 : index
    %get3A_3 = arith.constant 0 : index
    %get3A_4 = vector.load %arg2[%get3A_2, %get3A_3] : memref<128x128xf32, #tpu.memory_space<vmem>>, vector<128x128xf32>
    %dot_general3A = arith.constant dense<0.000000e+00> : vector<2000x128xf32>
    %dot_general3A_5 = tpu.matmul %get3A_1, %get3A_4, %dot_general3A {dimension_numbers = #tpu.dot_dimension_numbers<[1], [1], [0], [0], [0, 0, 1, 0], [], []>, transpose_lhs_hint = false} : vector<2000x128xf32>, vector<128x128xf32>, vector<2000x128xf32> -> vector<2000x128xf32>
    %get3A_6 = arith.constant 0 : index
    %get3A_7 = arith.constant 0 : index
    %get3A_8 = vector.load %arg3[%get3A_6, %get3A_7] : memref<1x128xf32, #tpu.memory_space<vmem>>, vector<1x128xf32>
    %add3A = vector.broadcast %get3A_8 : vector<1x128xf32> to vector<2000x128xf32>
    %add3A_9 = arith.addf %dot_general3A_5, %add3A : vector<2000x128xf32>
    %get3A_10 = arith.constant 0 : index
    %get3A_11 = arith.constant 0 : index
    %get3A_12 = vector.load %arg4[%get3A_10, %get3A_11] : memref<128x128xf32, #tpu.memory_space<vmem>>, vector<128x128xf32>
    %dot_general3A_13 = arith.constant dense<0.000000e+00> : vector<2000x128xf32>
    %dot_general3A_14 = tpu.matmul %get3A_1, %get3A_12, %dot_general3A_13 {dimension_numbers = #tpu.dot_dimension_numbers<[1], [1], [0], [0], [0, 0, 1, 0], [], []>, transpose_lhs_hint = false} : vector<2000x128xf32>, vector<128x128xf32>, vector<2000x128xf32> -> vector<2000x128xf32>
    %get3A_15 = arith.constant 0 : index
    %get3A_16 = arith.constant 0 : index
    %get3A_17 = vector.load %arg5[%get3A_15, %get3A_16] : memref<1x128xf32, #tpu.memory_space<vmem>>, vector<1x128xf32>
    %add3A_18 = vector.broadcast %get3A_17 : vector<1x128xf32> to vector<2000x128xf32>
    %add3A_19 = arith.addf %dot_general3A_14, %add3A_18 : vector<2000x128xf32>
    %exp3A = math.exp %add3A_19 : vector<2000x128xf32>
    %swap3A = arith.constant 0 : index
    %swap3A_20 = arith.constant 0 : index
    %swap3A_21 = arith.constant 0 : index
    %swap3A_22 = vector.load %arg6[%swap3A, %swap3A_20, %swap3A_21] : memref<2x2000x128xf32, #tpu.memory_space<vmem>>, vector<1x2000x128xf32>
    %swap3A_23 = vector.shape_cast %swap3A_22 : vector<1x2000x128xf32> to vector<2000x128xf32>
    %swap3A_24 = vector.shape_cast %exp3A : vector<2000x128xf32> to vector<1x2000x128xf32>
    tpu.vector_store %arg6[%swap3A, %swap3A_20, %swap3A_21], %swap3A_24 {strides = array<i32>} : memref<2x2000x128xf32, #tpu.memory_space<vmem>>, vector<1x2000x128xf32>,
    %mul3A = arith.mulf %add3A_9, %exp3A : vector<2000x128xf32>
    %swap3A_25 = arith.constant 1 : index
    %swap3A_26 = arith.constant 0 : index
    %swap3A_27 = arith.constant 0 : index
    %swap3A_28 = vector.load %arg6[%swap3A_25, %swap3A_26, %swap3A_27] : memref<2x2000x128xf32, #tpu.memory_space<vmem>>, vector<1x2000x128xf32>
    %swap3A_29 = vector.shape_cast %swap3A_28 : vector<1x2000x128xf32> to vector<2000x128xf32>
    %swap3A_30 = vector.shape_cast %mul3A : vector<2000x128xf32> to vector<1x2000x128xf32>
    tpu.vector_store %arg6[%swap3A_25, %swap3A_26, %swap3A_27], %swap3A_30 {strides = array<i32>} : memref<2x2000x128xf32, #tpu.memory_space<vmem>>, vector<1x2000x128xf32>,
    return
  }
  func.func @transform_0(%arg0: i32) -> (i32, i32) {
    %add3A = arith.constant 16 : i32
    %add3A_0 = arith.addi %arg0, %add3A : i32
    %c0_i32 = arith.constant 0 : i32
    %c0_i32_1 = arith.constant 0 : i32
    return %add3A_0, %c0_i32 : i32, i32
  }
  func.func @transform_1(%arg0: i32) -> (i32, i32) {
    %c0_i32 = arith.constant 0 : i32
    %c0_i32_0 = arith.constant 0 : i32
    %c0_i32_1 = arith.constant 0 : i32
    return %c0_i32, %c0_i32_0 : i32, i32
  }
  func.func @transform_2(%arg0: i32) -> (i32, i32) {
    %c0_i32 = arith.constant 0 : i32
    %c0_i32_0 = arith.constant 0 : i32
    %c0_i32_1 = arith.constant 0 : i32
    return %c0_i32, %c0_i32_0 : i32, i32
  }
  func.func @transform_3(%arg0: i32) -> (i32, i32) {
    %c0_i32 = arith.constant 0 : i32
    %c0_i32_0 = arith.constant 0 : i32
    %c0_i32_1 = arith.constant 0 : i32
    return %c0_i32, %c0_i32_0 : i32, i32
  }
  func.func @transform_4(%arg0: i32) -> (i32, i32) {
    %c0_i32 = arith.constant 0 : i32
    %c0_i32_0 = arith.constant 0 : i32
    %c0_i32_1 = arith.constant 0 : i32
    return %c0_i32, %c0_i32_0 : i32, i32
  }
  func.func @transform_5(%arg0: i32) -> (i32, i32, i32) {
    %c0_i32 = arith.constant 0 : i32
    %c0_i32_0 = arith.constant 0 : i32
    %c0_i32_1 = arith.constant 0 : i32
    return %c0_i32, %arg0, %c0_i32_0 : i32, i32, i32
  }
}

module attributes {stable_mosaic.version = 14 : i64} {
  func.func @_fwd_body(%arg0: i32, %arg1: memref<2000x128xf32, #tpu.memory_space<vmem>>, %arg2: memref<128x128xf32, #tpu.memory_space<vmem>>, %arg3: memref<1x128xf32, #tpu.memory_space<vmem>>, %arg4: memref<128x128xf32, #tpu.memory_space<vmem>>, %arg5: memref<1x128xf32, #tpu.memory_space<vmem>>, %arg6: memref<2x2000x128xf32, #tpu.memory_space<vmem>>) attributes {dimension_semantics = [#tpu.dimension_semantics<arbitrary>], iteration_bounds = array<i64: 48>, scalar_prefetch = 0 : i64, scratch_operands = 0 : i64, tpu.core_type = #tpu.core_type<tc>, window_params = [{transform_indices = @transform_0, window_bounds = array<i64: 2000, 128>}, {pipeline_mode = #tpu.pipeline_mode<synchronous>, transform_indices = @transform_1, window_bounds = array<i64: 128, 128>}, {pipeline_mode = #tpu.pipeline_mode<synchronous>, transform_indices = @transform_2, window_bounds = array<i64: 1, 128>}, {pipeline_mode = #tpu.pipeline_mode<synchronous>, transform_indices = @transform_3, window_bounds = array<i64: 128, 128>}, {pipeline_mode = #tpu.pipeline_mode<synchronous>, transform_indices = @transform_4, window_bounds = array<i64: 1, 128>}, {transform_indices = @transform_5, window_bounds = array<i64: 2, 2000, 128>}]} {
    %get3A = arith.constant 0 : index
    %get3A_0 = arith.constant 0 : index
    %get3A_1 = vector.load %arg1[%get3A, %get3A_0] : memref<2000x128xf32, #tpu.memory_space<vmem>>, vector<2000x128xf32>
    %get3A_2 = arith.constant 0 : index
    %get3A_3 = arith.constant 0 : index
    %get3A_4 = vector.load %arg2[%get3A_2, %get3A_3] : memref<128x128xf32, #tpu.memory_space<vmem>>, vector<128x128xf32>
    %dot_general3A = arith.constant dense<0.000000e+00> : vector<2000x128xf32>
    %dot_general3A_5 = tpu.matmul %get3A_1, %get3A_4, %dot_general3A {dimension_numbers = #tpu.dot_dimension_numbers<[1], [1], [0], [0], [0, 0, 1, 0], [], []>, transpose_lhs_hint = false} : vector<2000x128xf32>, vector<128x128xf32>, vector<2000x128xf32> -> vector<2000x128xf32>
    %get3A_6 = arith.constant 0 : index
    %get3A_7 = arith.constant 0 : index
    %get3A_8 = vector.load %arg3[%get3A_6, %get3A_7] : memref<1x128xf32, #tpu.memory_space<vmem>>, vector<1x128xf32>
    %add3A = vector.broadcast %get3A_8 : vector<1x128xf32> to vector<2000x128xf32>
    %add3A_9 = arith.addf %dot_general3A_5, %add3A : vector<2000x128xf32>
    %get3A_10 = arith.constant 0 : index
    %get3A_11 = arith.constant 0 : index
    %get3A_12 = vector.load %arg4[%get3A_10, %get3A_11] : memref<128x128xf32, #tpu.memory_space<vmem>>, vector<128x128xf32>
    %dot_general3A_13 = arith.constant dense<0.000000e+00> : vector<2000x128xf32>
    %dot_general3A_14 = tpu.matmul %get3A_1, %get3A_12, %dot_general3A_13 {dimension_numbers = #tpu.dot_dimension_numbers<[1], [1], [0], [0], [0, 0, 1, 0], [], []>, transpose_lhs_hint = false} : vector<2000x128xf32>, vector<128x128xf32>, vector<2000x128xf32> -> vector<2000x128xf32>
    %get3A_15 = arith.constant 0 : index
    %get3A_16 = arith.constant 0 : index
    %get3A_17 = vector.load %arg5[%get3A_15, %get3A_16] : memref<1x128xf32, #tpu.memory_space<vmem>>, vector<1x128xf32>
    %add3A_18 = vector.broadcast %get3A_17 : vector<1x128xf32> to vector<2000x128xf32>
    %add3A_19 = arith.addf %dot_general3A_14, %add3A_18 : vector<2000x128xf32>
    %exp3A = math.exp %add3A_19 : vector<2000x128xf32>
    %swap3A = arith.constant 0 : index
    %swap3A_20 = arith.constant 0 : index
    %swap3A_21 = arith.constant 0 : index
    %swap3A_22 = vector.load %arg6[%swap3A, %swap3A_20, %swap3A_21] : memref<2x2000x128xf32, #tpu.memory_space<vmem>>, vector<1x2000x128xf32>
    %swap3A_23 = vector.shape_cast %swap3A_22 : vector<1x2000x128xf32> to vector<2000x128xf32>
    %swap3A_24 = vector.shape_cast %exp3A : vector<2000x128xf32> to vector<1x2000x128xf32>
    tpu.vector_store %arg6[%swap3A, %swap3A_20, %swap3A_21], %swap3A_24 {strides = array<i32>} : memref<2x2000x128xf32, #tpu.memory_space<vmem>>, vector<1x2000x128xf32>,
    %mul3A = arith.mulf %add3A_9, %exp3A : vector<2000x128xf32>
    %swap3A_25 = arith.constant 1 : index
    %swap3A_26 = arith.constant 0 : index
    %swap3A_27 = arith.constant 0 : index
    %swap3A_28 = vector.load %arg6[%swap3A_25, %swap3A_26, %swap3A_27] : memref<2x2000x128xf32, #tpu.memory_space<vmem>>, vector<1x2000x128xf32>
    %swap3A_29 = vector.shape_cast %swap3A_28 : vector<1x2000x128xf32> to vector<2000x128xf32>
    %swap3A_30 = vector.shape_cast %mul3A : vector<2000x128xf32> to vector<1x2000x128xf32>
    tpu.vector_store %arg6[%swap3A_25, %swap3A_26, %swap3A_27], %swap3A_30 {strides = array<i32>} : memref<2x2000x128xf32, #tpu.memory_space<vmem>>, vector<1x2000x128xf32>,
    return
  }
  func.func @transform_0(%arg0: i32) -> (i32, i32) {
    %add3A = arith.constant 64 : i32
    %add3A_0 = arith.addi %arg0, %add3A : i32
    %c0_i32 = arith.constant 0 : i32
    %c0_i32_1 = arith.constant 0 : i32
    return %add3A_0, %c0_i32 : i32, i32
  }
  func.func @transform_1(%arg0: i32) -> (i32, i32) {
    %c0_i32 = arith.constant 0 : i32
    %c0_i32_0 = arith.constant 0 : i32
    %c0_i32_1 = arith.constant 0 : i32
    return %c0_i32, %c0_i32_0 : i32, i32
  }
  func.func @transform_2(%arg0: i32) -> (i32, i32) {
    %c0_i32 = arith.constant 0 : i32
    %c0_i32_0 = arith.constant 0 : i32
    %c0_i32_1 = arith.constant 0 : i32
    return %c0_i32, %c0_i32_0 : i32, i32
  }
  func.func @transform_3(%arg0: i32) -> (i32, i32) {
    %c0_i32 = arith.constant 0 : i32
    %c0_i32_0 = arith.constant 0 : i32
    %c0_i32_1 = arith.constant 0 : i32
    return %c0_i32, %c0_i32_0 : i32, i32
  }
  func.func @transform_4(%arg0: i32) -> (i32, i32) {
    %c0_i32 = arith.constant 0 : i32
    %c0_i32_0 = arith.constant 0 : i32
    %c0_i32_1 = arith.constant 0 : i32
    return %c0_i32, %c0_i32_0 : i32, i32
  }
  func.func @transform_5(%arg0: i32) -> (i32, i32, i32) {
    %c0_i32 = arith.constant 0 : i32
    %c0_i32_0 = arith.constant 0 : i32
    %c0_i32_1 = arith.constant 0 : i32
    return %c0_i32, %arg0, %c0_i32_0 : i32, i32, i32
  }
}

module attributes {stable_mosaic.version = 14 : i64} {
  func.func @_fwd_body(%arg0: i32, %arg1: memref<2000x128xf32, #tpu.memory_space<vmem>>, %arg2: memref<128x128xf32, #tpu.memory_space<vmem>>, %arg3: memref<1x128xf32, #tpu.memory_space<vmem>>, %arg4: memref<128x128xf32, #tpu.memory_space<vmem>>, %arg5: memref<1x128xf32, #tpu.memory_space<vmem>>, %arg6: memref<2x2000x128xf32, #tpu.memory_space<vmem>>) attributes {dimension_semantics = [#tpu.dimension_semantics<arbitrary>], iteration_bounds = array<i64: 48>, scalar_prefetch = 0 : i64, scratch_operands = 0 : i64, tpu.core_type = #tpu.core_type<tc>, window_params = [{transform_indices = @transform_0, window_bounds = array<i64: 2000, 128>}, {pipeline_mode = #tpu.pipeline_mode<synchronous>, transform_indices = @transform_1, window_bounds = array<i64: 128, 128>}, {pipeline_mode = #tpu.pipeline_mode<synchronous>, transform_indices = @transform_2, window_bounds = array<i64: 1, 128>}, {pipeline_mode = #tpu.pipeline_mode<synchronous>, transform_indices = @transform_3, window_bounds = array<i64: 128, 128>}, {pipeline_mode = #tpu.pipeline_mode<synchronous>, transform_indices = @transform_4, window_bounds = array<i64: 1, 128>}, {transform_indices = @transform_5, window_bounds = array<i64: 2, 2000, 128>}]} {
    %get3A = arith.constant 0 : index
    %get3A_0 = arith.constant 0 : index
    %get3A_1 = vector.load %arg1[%get3A, %get3A_0] : memref<2000x128xf32, #tpu.memory_space<vmem>>, vector<2000x128xf32>
    %get3A_2 = arith.constant 0 : index
    %get3A_3 = arith.constant 0 : index
    %get3A_4 = vector.load %arg2[%get3A_2, %get3A_3] : memref<128x128xf32, #tpu.memory_space<vmem>>, vector<128x128xf32>
    %dot_general3A = arith.constant dense<0.000000e+00> : vector<2000x128xf32>
    %dot_general3A_5 = tpu.matmul %get3A_1, %get3A_4, %dot_general3A {dimension_numbers = #tpu.dot_dimension_numbers<[1], [1], [0], [0], [0, 0, 1, 0], [], []>, transpose_lhs_hint = false} : vector<2000x128xf32>, vector<128x128xf32>, vector<2000x128xf32> -> vector<2000x128xf32>
    %get3A_6 = arith.constant 0 : index
    %get3A_7 = arith.constant 0 : index
    %get3A_8 = vector.load %arg3[%get3A_6, %get3A_7] : memref<1x128xf32, #tpu.memory_space<vmem>>, vector<1x128xf32>
    %add3A = vector.broadcast %get3A_8 : vector<1x128xf32> to vector<2000x128xf32>
    %add3A_9 = arith.addf %dot_general3A_5, %add3A : vector<2000x128xf32>
    %get3A_10 = arith.constant 0 : index
    %get3A_11 = arith.constant 0 : index
    %get3A_12 = vector.load %arg4[%get3A_10, %get3A_11] : memref<128x128xf32, #tpu.memory_space<vmem>>, vector<128x128xf32>
    %dot_general3A_13 = arith.constant dense<0.000000e+00> : vector<2000x128xf32>
    %dot_general3A_14 = tpu.matmul %get3A_1, %get3A_12, %dot_general3A_13 {dimension_numbers = #tpu.dot_dimension_numbers<[1], [1], [0], [0], [0, 0, 1, 0], [], []>, transpose_lhs_hint = false} : vector<2000x128xf32>, vector<128x128xf32>, vector<2000x128xf32> -> vector<2000x128xf32>
    %get3A_15 = arith.constant 0 : index
    %get3A_16 = arith.constant 0 : index
    %get3A_17 = vector.load %arg5[%get3A_15, %get3A_16] : memref<1x128xf32, #tpu.memory_space<vmem>>, vector<1x128xf32>
    %add3A_18 = vector.broadcast %get3A_17 : vector<1x128xf32> to vector<2000x128xf32>
    %add3A_19 = arith.addf %dot_general3A_14, %add3A_18 : vector<2000x128xf32>
    %exp3A = math.exp %add3A_19 : vector<2000x128xf32>
    %swap3A = arith.constant 0 : index
    %swap3A_20 = arith.constant 0 : index
    %swap3A_21 = arith.constant 0 : index
    %swap3A_22 = vector.load %arg6[%swap3A, %swap3A_20, %swap3A_21] : memref<2x2000x128xf32, #tpu.memory_space<vmem>>, vector<1x2000x128xf32>
    %swap3A_23 = vector.shape_cast %swap3A_22 : vector<1x2000x128xf32> to vector<2000x128xf32>
    %swap3A_24 = vector.shape_cast %exp3A : vector<2000x128xf32> to vector<1x2000x128xf32>
    tpu.vector_store %arg6[%swap3A, %swap3A_20, %swap3A_21], %swap3A_24 {strides = array<i32>} : memref<2x2000x128xf32, #tpu.memory_space<vmem>>, vector<1x2000x128xf32>,
    %mul3A = arith.mulf %add3A_9, %exp3A : vector<2000x128xf32>
    %swap3A_25 = arith.constant 1 : index
    %swap3A_26 = arith.constant 0 : index
    %swap3A_27 = arith.constant 0 : index
    %swap3A_28 = vector.load %arg6[%swap3A_25, %swap3A_26, %swap3A_27] : memref<2x2000x128xf32, #tpu.memory_space<vmem>>, vector<1x2000x128xf32>
    %swap3A_29 = vector.shape_cast %swap3A_28 : vector<1x2000x128xf32> to vector<2000x128xf32>
    %swap3A_30 = vector.shape_cast %mul3A : vector<2000x128xf32> to vector<1x2000x128xf32>
    tpu.vector_store %arg6[%swap3A_25, %swap3A_26, %swap3A_27], %swap3A_30 {strides = array<i32>} : memref<2x2000x128xf32, #tpu.memory_space<vmem>>, vector<1x2000x128xf32>,
    return
  }
  func.func @transform_0(%arg0: i32) -> (i32, i32) {
    %add3A = arith.constant 112 : i32
    %add3A_0 = arith.addi %arg0, %add3A : i32
    %c0_i32 = arith.constant 0 : i32
    %c0_i32_1 = arith.constant 0 : i32
    return %add3A_0, %c0_i32 : i32, i32
  }
  func.func @transform_1(%arg0: i32) -> (i32, i32) {
    %c0_i32 = arith.constant 0 : i32
    %c0_i32_0 = arith.constant 0 : i32
    %c0_i32_1 = arith.constant 0 : i32
    return %c0_i32, %c0_i32_0 : i32, i32
  }
  func.func @transform_2(%arg0: i32) -> (i32, i32) {
    %c0_i32 = arith.constant 0 : i32
    %c0_i32_0 = arith.constant 0 : i32
    %c0_i32_1 = arith.constant 0 : i32
    return %c0_i32, %c0_i32_0 : i32, i32
  }
  func.func @transform_3(%arg0: i32) -> (i32, i32) {
    %c0_i32 = arith.constant 0 : i32
    %c0_i32_0 = arith.constant 0 : i32
    %c0_i32_1 = arith.constant 0 : i32
    return %c0_i32, %c0_i32_0 : i32, i32
  }
  func.func @transform_4(%arg0: i32) -> (i32, i32) {
    %c0_i32 = arith.constant 0 : i32
    %c0_i32_0 = arith.constant 0 : i32
    %c0_i32_1 = arith.constant 0 : i32
    return %c0_i32, %c0_i32_0 : i32, i32
  }
  func.func @transform_5(%arg0: i32) -> (i32, i32, i32) {
    %c0_i32 = arith.constant 0 : i32
    %c0_i32_0 = arith.constant 0 : i32
    %c0_i32_1 = arith.constant 0 : i32
    return %c0_i32, %arg0, %c0_i32_0 : i32, i32, i32
  }
}

module attributes {stable_mosaic.version = 14 : i64} {
  func.func @_div_body(%arg0: i32, %arg1: memref<2x1000x128xf32, #tpu.memory_space<vmem>>, %arg2: memref<1000x128xf32, #tpu.memory_space<vmem>>) attributes {dimension_semantics = [#tpu.dimension_semantics<arbitrary>], iteration_bounds = array<i64: 10>, scalar_prefetch = 0 : i64, scratch_operands = 0 : i64, tpu.core_type = #tpu.core_type<tc>, window_params = [{transform_indices = @transform_0, window_bounds = array<i64: 2, 1000, 128>}, {transform_indices = @transform_1, window_bounds = array<i64: 1000, 128>}]} {
    %get3A = arith.constant 0 : index
    %get3A_0 = arith.constant 0 : index
    %get3A_1 = arith.constant 0 : index
    %get3A_2 = vector.load %arg1[%get3A, %get3A_0, %get3A_1] : memref<2x1000x128xf32, #tpu.memory_space<vmem>>, vector<1x1000x128xf32>
    %get3A_3 = vector.shape_cast %get3A_2 : vector<1x1000x128xf32> to vector<1000x128xf32>
    %get3A_4 = arith.constant 1 : index
    %get3A_5 = arith.constant 0 : index
    %get3A_6 = arith.constant 0 : index
    %get3A_7 = vector.load %arg1[%get3A_4, %get3A_5, %get3A_6] : memref<2x1000x128xf32, #tpu.memory_space<vmem>>, vector<1x1000x128xf32>
    %get3A_8 = vector.shape_cast %get3A_7 : vector<1x1000x128xf32> to vector<1000x128xf32>
    %gt3A = arith.constant 0.000000e+00 : f32
    %gt3A_9 = vector.broadcast %gt3A : f32 to vector<1000x128xf32>
    %gt3A_10 = arith.cmpf ogt, %get3A_3, %gt3A_9 : vector<1000x128xf32>
    %jit3A = arith.constant 1.000000e+00 : f32
    %broadcast_in_dim3A = vector.broadcast %jit3A : f32 to vector<1000x128xf32>
    %select_n3A = arith.select %gt3A_10, %get3A_3, %broadcast_in_dim3A : vector<1000x128xi1>, vector<1000x128xf32>
    %gt3A_11 = arith.constant 0.000000e+00 : f32
    %gt3A_12 = vector.broadcast %gt3A_11 : f32 to vector<1000x128xf32>
    %gt3A_13 = arith.cmpf ogt, %get3A_3, %gt3A_12 : vector<1000x128xf32>
    %div3A = arith.divf %get3A_8, %select_n3A : vector<1000x128xf32>
    %jit3A_14 = arith.constant 0.000000e+00 : f32
    %broadcast_in_dim3A_15 = vector.broadcast %jit3A_14 : f32 to vector<1000x128xf32>
    %select_n3A_16 = arith.select %gt3A_13, %div3A, %broadcast_in_dim3A_15 : vector<1000x128xi1>, vector<1000x128xf32>
    %swap3A = arith.constant 0 : index
    %swap3A_17 = arith.constant 0 : index
    %swap3A_18 = vector.load %arg2[%swap3A, %swap3A_17] : memref<1000x128xf32, #tpu.memory_space<vmem>>, vector<1000x128xf32>
    tpu.vector_store %arg2[%swap3A, %swap3A_17], %select_n3A_16 {strides = array<i32>} : memref<1000x128xf32, #tpu.memory_space<vmem>>, vector<1000x128xf32>,
    return
  }
  func.func @transform_0(%arg0: i32) -> (i32, i32, i32) {
    %c0_i32 = arith.constant 0 : i32
    %c0_i32_0 = arith.constant 0 : i32
    %c0_i32_1 = arith.constant 0 : i32
    return %c0_i32, %arg0, %c0_i32_0 : i32, i32, i32
  }
  func.func @transform_1(%arg0: i32) -> (i32, i32) {
    %c0_i32 = arith.constant 0 : i32
    %c0_i32_0 = arith.constant 0 : i32
    return %arg0, %c0_i32 : i32, i32
  }
}

</mosaic_0001>

<sc_bundles>
// kernel: kernel.11.cloned.1.call-start
scs
__scs_entry_jumppad:
0x0: {  	(pc) =	sbr.rel $0x88, $3  }
0x1: {  	(tag) =	ssettag $0x0;
	lr =	simm.s32 $0x1  }
0x2: {  	[smem:$0x3F9B] =	sst lr;
	_ =	strace $0xD0000000  }
0x3: {  	_ = 	snop  }
0x4: {  	_ = 	snop  }
0x5: {  	_ = 	snop  }
0x6: {  	_ = 	snop  }
0x7: {  	_ = 	snop  }
__scs_overlays_trampoline_lowered:
0x8: {  	[smem:$0x3FAA] =	sst s0  }
0x9: {  	[smem:$0x3FAB] =	sst s1  }
0xa: {  	[smem:$0x3FAC] =	sst s2  }
0xb: {  	[smem:$0x3FAD] =	sst s3  }
0xc: {  	[smem:$0x3FAE] =	sst s4  }
0xd: {  	[smem:$0x3FAF] =	sst s5  }
0xe: {  	[smem:$0x3FB0] =	sst s6  }
0xf: {  	[smem:$0x3FB1] =	sst s7  }
0x10: {  	[smem:$0x3FB2] =	sst s8  }
0x11: {  	[smem:$0x3FB3] =	sst s9;
	s0 =	simm.s32 @!p0 $0x0  }
0x12: {  	s1 =	sld [smem:$0x3F99];
	s0 =	simm.s32 @p0 $0x1  }
0x13: {  	[smem:$0x3FB4] =	sst s0;
	s0 =	simm.s32 @!p1 $0x0  }
0x14: {  	s2 =	sld [smem:$0x3F98];
	s0 =	simm.s32 @p1 $0x1  }
0x15: {  	[smem:$0x3FB5] =	sst s0;
	s0 =	simm.s32 @!p2 $0x0  }
0x16: {  	s3 =	sld [smem:$0x3FDB];
	s0 =	simm.s32 @p2 $0x1  }
0x17: {  	s4 =	simm.s32 $0x1BF5;
	[smem:$0x3FB7] =	sst s0  }
0x18: {  	s0 =	sld [smem:$0x3F9A];
	_ =	swait.ge [sflag:s4], $0x0  }
0x19: {  	s7 =	sld [smem:$0x3F9B]  }
0x1a: {  	s8 =	sadd.s32 $0xFFFFE003, lr  }
0x1b: {  	s9 =	sadd.s32 $0xFFFFFEF7, lr;
	s5 =	simm.s32 $0xFFFFFFFF;
	p2 =	slt.u32 s8, $0xFFFFF086  }
0x1c: {  	p1 =	slt.u32 s9, $0xF7A;
	s5 =	simm.s32 @!p2 $0x0  }
0x1d: {  	s5 =	simm.s32 @p1 $0x1;
	p0 =	seq.s32 s7, s2  }
0x1e: {  	s7 =	smul.u32 @!p0 $0xF7A, s2;
	p2 =	seq.s32 @!p0 s5, $0x0  }
0x1f: {  	s9 =	smul.u32 $0xF7A, s1;
	s8 =	simm.s32 @!p0 $0x1BF5;
	p2 =	por !p2, p0  }
0x20: {  	[sflag:s8] =	ssyncset.s32 @!p0 $0xFFFFF086;
	s6 =	sadd.s32 @!p0 s3, s7;
	s7 =	simm.s32 @!p0 $0x108  }
0x21: {  	s3 =	sadd.s32 s3, s9;
	s6 =	sadd.s32 @!p0 $0x88, s6;
	s7 =	simm.s32 @p2 $0x1082  }
0x22: {  	[simem:s7], [sflag:s8] =	dma.local @!p0 [hbm:s6], $0xF7A  }
0x23: {  	s9 =	sor.u32 $0xD0000000, s2;
	s6 =	simm.s32 $0x108;
	_ =	swait.ge @!p0 [sflag:s8], $0x0  }
0x24: {  	s3 =	sadd.s32 $0x88, s3;
	s6 =	simm.s32 @!p1 $0x1082;
	[sflag:s4] =	ssyncset.s32 $0xFFFFF086  }
0x25: {  	[simem:s6], [sflag:s4] =	dma.local [hbm:s3], $0xF7A  }
0x26: {  	[smem:$0x3F9B] =	sst s1;
	(tag) =	ssettag s2;
	_ =	strace s9  }
0x27: {  	s1 =	sld [smem:$0x3FAB]  }
0x28: {  	s2 =	sld [smem:$0x3FAC]  }
0x29: {  	s4 =	sld [smem:$0x3FAE]  }
0x2a: {  	p0 =	seq.s32 s5, $0x0;
	s5 =	sld [smem:$0x3FAF]  }
0x2b: {  	s6 =	sld [smem:$0x3FB0]  }
0x2c: {  	s7 =	sld [smem:$0x3FB1]  }
0x2d: {  	s3 =	simm.s32 $0x108;
	s8 =	sld [smem:$0x3FB2]  }
0x2e: {  	s3 =	simm.s32 @!p0 $0x1082;
	s9 =	sld [smem:$0x3FB3]  }
0x2f: {  	lr =	sadd.s32 s0, s3;
	s0 =	sld [smem:$0x3FAA]  }
0x30: {  	s3 =	sld [smem:$0x3FAD]  }
0x31: {  	[smem:$0x3FB6] =	sst s10  }
0x32: {  	s10 =	sld [smem:$0x3FB4];
	_ =	sdelay $0x3  }
0x33: {  	p0 =	seq.s32 s10, $0x1;
	s10 =	sld [smem:$0x3FB6];
	_ =	sdelay $0x3  }
0x34: {  	[smem:$0x3FB6] =	sst s10  }
0x35: {  	s10 =	sld [smem:$0x3FB5];
	_ =	sdelay $0x3  }
0x36: {  	p1 =	seq.s32 s10, $0x1;
	s10 =	sld [smem:$0x3FB6];
	_ =	sdelay $0x3  }
0x37: {  	[smem:$0x3FB6] =	sst s10  }
0x38: {  	s10 =	sld [smem:$0x3FB7]  }
0x39: {  	_ = 	snop;
	(pc) =	sbr.ind lr, $3  }
0x3a: {  	_ = 	snop  }
0x3b: {  	_ = 	snop  }
0x3c: {  	p2 =	seq.s32 s10, $0x1;
	s10 =	sld [smem:$0x3FB6]  }
0x3d: {  	_ =	shalt  }
0x3e: {  	_ =	shalt  }
0x3f: {  	_ =	shalt  }
0x40: {  	_ =	shalt  }
0x41: {  	_ =	shalt  }
0x42: {  	_ =	shalt  }
0x43: {  	_ =	shalt  }
0x44: {  	_ =	shalt  }
0x45: {  	_ =	shalt  }
0x46: {  	_ =	shalt  }
0x47: {  	_ =	shalt  }
0x48: {  	_ =	shalt  }
0x49: {  	_ =	shalt  }
0x4a: {  	_ =	shalt  }
0x4b: {  	_ =	shalt  }
0x4c: {  	_ =	shalt  }
0x4d: {  	_ =	shalt  }
0x4e: {  	_ =	shalt  }
0x4f: {  	_ =	shalt  }
0x50: {  	_ =	shalt  }
0x51: {  	_ =	shalt  }
0x52: {  	_ =	shalt  }
0x53: {  	_ =	shalt  }
0x54: {  	_ =	shalt  }
0x55: {  	_ =	shalt  }
0x56: {  	_ =	shalt  }
0x57: {  	_ =	shalt  }
0x58: {  	_ =	shalt  }
0x59: {  	_ =	shalt  }
0x5a: {  	_ =	shalt  }
0x5b: {  	_ =	shalt  }
0x5c: {  	_ =	shalt  }
0x5d: {  	_ =	shalt  }
0x5e: {  	_ =	shalt  }
0x5f: {  	_ =	shalt  }
0x60: {  	_ =	shalt  }
0x61: {  	_ =	shalt  }
0x62: {  	_ =	shalt  }
0x63: {  	_ =	shalt  }
0x64: {  	_ =	shalt  }
0x65: {  	_ =	shalt  }
0x66: {  	_ =	shalt  }
0x67: {  	_ =	shalt  }
0x68: {  	_ =	shalt  }
0x69: {  	_ =	shalt  }
0x6a: {  	_ =	shalt  }
0x6b: {  	_ =	shalt  }
0x6c: {  	_ =	shalt  }
0x6d: {  	_ =	shalt  }
0x6e: {  	_ =	shalt  }
0x6f: {  	_ =	shalt  }
0x70: {  	_ =	shalt  }
0x71: {  	_ =	shalt  }
0x72: {  	_ =	shalt  }
0x73: {  	_ =	shalt  }
0x74: {  	_ =	shalt  }
0x75: {  	_ =	shalt  }
0x76: {  	_ =	shalt  }
0x77: {  	_ =	shalt  }
0x78: {  	_ =	shalt  }
0x79: {  	_ =	shalt  }
0x7a: {  	_ =	shalt  }
0x7b: {  	_ =	shalt  }
0x7c: {  	_ =	shalt  }
0x7d: {  	_ =	shalt  }
0x7e: {  	_ =	shalt  }
0x7f: {  	_ =	shalt  }
0x80: {  	_ =	shalt  }
0x81: {  	_ =	shalt  }
0x82: {  	_ =	shalt  }
0x83: {  	_ =	shalt  }
0x84: {  	_ =	shalt  }
0x85: {  	_ =	shalt  }
0x86: {  	_ =	shalt  }
0x87: {  	_ =	shalt  }
.Lfunc_end0:
.L_simem_size_0:
called_computation_lowered:
.L_overlay_start_0:
0x88: {  	s2 =	sld [smem:$0x3FD9]  }
0x89: {  	s3 =	sld [smem:$0x3FFE];
	_ =	sdelay $0x1  }
0x8a: {  	s1 =	srdreg.scid  }
0x8b: {  	s0 =	sand.u32 $0x1, s1  }
0x8c: {  	s17 =	sshll.u32 s0, $0xA;
	s2 =	sadd.s32 s3, s2  }
0x8d: {  	s2 =	sadd.s32 s2, s17  }
0x8e: {  	[smem:$0x3FC2] =	sst s2  }
0x8f: {  	_ = 	snop  }
0x90: {  	s2 =	sld [smem:$0x3FD0];
	(tm) =	ssettm $0x1  }
0x91: {  	s18 =	sld [smem:$0x3FFB];
	_ =	sdelay $0x3  }
0x92: {  	_ =	strace s18  }
0x93: {  	s3 =	sld [smem:$0x3FFC];
	_ =	sdelay $0x3  }
0x94: {  	_ =	strace s3  }
0x95: {  	s3 =	sld [smem:$0x3FFD];
	_ =	sdelay $0x3  }
0x96: {  	_ =	strace s3  }
0x97: {  	_ =	strace $0x8FFFFFFF  }
0x98: {  	s19 =	sld [smem:$0x3FDB];
	_ =	sdelay $0x1  }
0x99: {  	s4 =	simm.s32 $_scs_section_size  }
0x9a: {  	s5 =	simm.s32 $_size__tile_overlayer_lowered;
	s6 =	simm.s32 $_tile_overlayer_lowered  }
0x9b: {  	s22 =	simm.s32 $0x1BFF;
	s21 =	sshll.u32 s6, $0x1;
	s3 =	sadd.s32 s4, s19  }
0x9c: {  	s7 =	simm.s32 $0x0;
	s20 =	sshll.u32 s5, $0x1;
	s5 =	sadd.s32 s21, s3  }
0x9d: {  	[timem:s7], [sflag:s22] =	dma.local [hbm:s5], s20  }
0x9e: {  	_ =	swait.ge [sflag:s22], s20  }
0x9f: {  	s4 =	ssub.s32 $0x0, s20;
	[sflag:s22] =	ssyncset.done $0x0  }
0xa0: {  	[sflag:s22] =	ssyncadd.s32 s4;
	_ =	sdelay $0x1  }
0xa1: {  	s23 =	simm.s32 $0x1B8B  }
0xa2: {  	_ =	swait.ge [sflag:s23], $0x1  }
0xa3: {  	[sflag:s23] =	ssyncset.done $0x0  }
0xa4: {  	s25 =	simm.s32 $0x1B8E;
	s24 =	sld [smem:$0x3FFE];
	[sflag:s23] =	ssyncadd.s32 $0xFFFFFFFF  }
0xa5: {  	s26 =	simm.s32 $execute0_lowered;
	[smem:$0x3FD2] =	sst s25  }
0xa6: {  	s5 =	sshll.u32 s26, $0x1;
	_ =	strace $0x80000046;
	[dreg:$0x1] =	wrdreg $0xFFFFFFFF  }
0xa7: {  	s28 =	simm.s32 $_size_execute0_lowered;
	s3 =	sadd.s32 s3, s5;
	[dreg:$0x0] =	wrdreg $0x0  }
0xa8: {  	s5 =	sshll.u32 s28, $0x1;
	[dreg:$0x2] =	wrdreg s3  }
0xa9: {  	[dreg:$0x3] =	wrdreg s5  }
0xaa: {  	[dreg:$0x4] =	wrdreg $0xC0  }
0xab: {  	_ =	task [dreg:s7], $0x5FFFF  }
0xac: {  	[dreg:$0x1] =	wrdreg $0xFFFFFFFF  }
0xad: {  	[dreg:$0x0] =	wrdreg $0x60  }
0xae: {  	[dreg:$0x2] =	wrdreg s24  }
0xaf: {  	[dreg:$0x3] =	wrdreg s2  }
0xb0: {  	[dreg:$0x4] =	wrdreg $0xC1800  }
0xb1: {  	[dreg:$0x5] =	wrdreg $0x9  }
0xb2: {  	_ =	task.clear_ibuf [dreg:s7], $0x6FFFF;
	_ =	strace $0x90000046  }
0xb3: {  	s29 =	simm.s32 $0x9;
	_ =	strace $0x80000048  }
0xb4: {  	_ =	swait.ge [sflag:s29], $0x1  }
0xb5: {  	[sflag:s29] =	ssyncadd.s32 $0xFFFFFFFF  }
0xb6: {  	_ =	strace $0x90000048  }
0xb7: {  	_ =	sfence  }
0xb8: {  	s30 =	sld [smem:$0x0];
	_ =	sdelay $0x2  }
0xb9: {  	s31 =	sshll.u32 s1, $0xD;
	s1 =	sshrl.u32 s1, $0x2  }
0xba: {  	s3 =	sand.u32 $0x4000, s31;
	s1 =	sadd.s32 s1, s30  }
0xbb: {  	s0 =	sor.u32 s3, s0;
	s1 =	sshll.u32 s1, $0x11  }
0xbc: {  	s0 =	sor.u32 s1, s0  }
0xbd: {  	s0 =	sadd.s32 $0x8F2B, s0  }
0xbe: {  	[sflag:s0] =	ssyncadd.remote.s32 $0x1  }
0xbf: {  	_ =	sfence.sel $0xFFFF  }
0xc0: {  	[dreg:$0x0] =	wrdreg $0xFFFFFFFF;
	(pc) =	sbr.abs _section_cstart, $3  }
0xc1: {  	[dreg:$0x1] =	wrdreg $0xFFFFFFFF  }
0xc2: {  	_ =	task.clear_ibuf [dreg:s7], $0x2FFFF;
	_ =	strace $0x9FFFFFFF  }
0xc3: {  	(tm) =	ssettm $0x7FFFFFFF  }
tec
execute0_lowered:
.L_overlay_start_1:
0x0: {  	(tag) =	ssettag $0x1  }
0x1: {  	s14 =	stileid.u32  }
0x2: {  	s0 =	rddreg [dreg:$0x0];
	s6 =	smul.u32 $0x1F400, s14  }
0x3: {  	s2 =	rddreg [dreg:$0x1];
	s7 =	smul.u32 $0x7D000, s14  }
0x4: {  	s1 =	srdreg.scid;
	s9 =	smul.u32 $0x3C000, s14  }
0x5: {  	s3 =	rddreg [dreg:$0x2];
	s4 =	simm.s32 $0x0;
	s10 =	smul.u32 $0x780, s14  }
0x6: {  	s1 =	sand.u32 $0x1, s1;
	[smem:$0x7FF] =	sst s4;
	s12 =	smul.u32 $0xF0, s14  }
0x7: {  	p1 =	sgt.u32 s14, $0x9;
	s16 =	sor.u32 $0xF0, s14;
	s5 =	smul.u32 $0x138800, s1  }
0x8: {  	_ =	strace $0x80000047;
	s7 =	sshrl.u32 s7, $0x2;
	s11 =	sadd.s32 $0x80, s10  }
0x9: {  	s10 =	sadd.s32 $0x100, s10;
	s12 =	sadd.s32 s2, s12;
	s6 =	sadd.s32 s6, s5  }
0xa: {  	s5 =	sadd.s32 $0x1A00, s0;
	s7 =	sadd.s32 s7, s3;
	s13 =	sshll.u32 s11, $0x7  }
0xb: {  	[dreg:$0x6] =	wrdreg s12;
	s26 =	sshll.u32 s10, $0x7;
	s28 =	sshrl.u32 s11, $0x3  }
0xc: {  	s10 =	sshrl.u32 s10, $0x3;
	s8 =	sshrl.u32 s6, $0x3;
	s6 =	smul.u32 $0x3E8000, s1  }
0xd: {  	s1 =	ssub.s32 $0x2, s1;
	s31 =	sadd.s32 s2, s10;
	s19 =	sshrl.u32 @!p1 s7, $0x3  }
0xe: {  	s0 =	sadd.s32 s8, s0;
	s23 =	sshrl.u32 s1, $0x1;
	s8 =	smul.u32 $0xF, s14  }
0xf: {  	[dreg:$0xa] =	wrdreg s31;
	s24 =	sadd.s32 $0xFBA00, s0;
	s9 =	sadd.s32 s9, s6  }
0x10: {  	s25 =	sadd.s32 s6, s13;
	s0 =	sadd.s32 $0x149C00, s0;
	[dreg:$0x4] =	wrdreg s24  }
0x11: {  	s9 =	sshrl.u32 s9, $0x3;
	[dreg:$0xb] =	wrdreg s0;
	s0 =	sshll.u32 @!p1 s14, $0x6  }
0x12: {  	s9 =	sadd.s32 s5, s9;
	s18 =	sor.u32 @!p1 $0x1C07, s0;
	s0 =	simm.s32 @!p1 $0x0  }
0x13: {  	[dreg:$0x5] =	wrdreg s9;
	s9 =	sshrl.u32 s25, $0x3;
	s0 =	simm.s32 @p1 $0x1  }
0x14: {  	s29 =	sadd.s32 s6, s26;
	s9 =	sadd.s32 s5, s9;
	[smem:$0x7FD] =	sst s0  }
0x15: {  	s30 =	sshrl.u32 s29, $0x3;
	[dreg:$0x7] =	wrdreg s9;
	s9 =	sadd.s32 s2, s28  }
0x16: {  	s1 =	ssub.s32 s1, s23;
	[dreg:$0x8] =	wrdreg s9;
	s9 =	sadd.s32 s5, s30  }
0x17: {  	s17 =	smax.u32 s1, $0x1;
	s25 =	simm.s32 $0x0;
	[dreg:$0x9] =	wrdreg s9  }
.LBB2_1:
0x18: {  	s0 =	rddreg [dreg:$0x4]  }
0x19: {  	[spmem:s19], [sflag:s18] =	dma.local @!p1 [hbm:s0], $0x3E80  }
0x1a: {  	s0 =	simm.s32 @!p1 $0x7  }
0x1b: {  	s1 =	simm.s32 $0x180;
	_ =	swait.ge @!p1 [sflag:s0], $0x3E80  }
0x1c: {  	s15 =	simm.s32 $0x4180;
	s21 =	simm.s32 $0x80;
	[sflag:s0] =	ssyncset.done @!p1 $0x0  }
0x1d: {  	s26 =	simm.s32 @!p1 $0x10;
	s23 =	simm.s32 $0x8180;
	[sflag:s0] =	ssyncadd.s32 @!p1 $0xFFFFC180  }
0x1e: {  	s30 =	simm.s32 $0x100;
	s28 =	simm.s32 $0x3;
	[bflag:$0x0] =	sbarrier.arrive $0xFFFF  }
0x1f: {  	s29 =	simm.s32 $0x1;
	s26 =	simm.s32 @p1 $0xF;
	s12 =	rddreg [dreg:$0x5]  }
0x20: {  	s31 =	simm.s32 $0x0;
	p3 =	sle.u32 s26, $0x0;
	s13 =	rddreg [dreg:$0x6]  }
0x21: {  	[tilespmem:s1], [sflag:$0x4] =	stream.linear.gather [hbm4b:s12+s4], $0x4000, $0x38;
	[tilespmem:$0x1FA00] =	vst v63  }
0x22: {  	s7 =	simm.s32 @!p3 $0x4;
	s9 =	simm.s32 @!p3 $0x180;
	s14 =	rddreg [dreg:$0x7]  }
0x23: {  	[tilespmem:s4], [sflag:$0x1] =	stream.linear.gather [hbm4b:s13+s4], $0x80, $0x38;
	[tilespmem:$0x1FA00] =	vst v63  }
0x24: {  	s10 =	simm.s32 @!p3 $0x7;
	p1 =	sle.u32 @!p3 s26, $0x3;
	s20 =	rddreg [dreg:$0x8]  }
0x25: {  	[tilespmem:s15], [sflag:$0x5] =	stream.linear.gather [hbm4b:s14+s4], $0x4000, $0x38;
	[tilespmem:$0x1FA00] =	vst v63  }
0x26: {  	s11 =	simm.s32 @!p3 $0x0;
	p0 =	por p1, p3;
	s22 =	rddreg [dreg:$0x9]  }
0x27: {  	[tilespmem:s21], [sflag:$0x2] =	stream.linear.gather [hbm4b:s20+s4], $0x80, $0x38;
	[tilespmem:$0x1FA00] =	vst v63  }
0x28: {  	s24 =	rddreg [dreg:$0xa];
	p2 =	por @!p0 $0x1, $0x1;
	s0 =	sadd.s32 @!p0 $0x0, s8  }
0x29: {  	[tilespmem:s23], [sflag:$0x6] =	stream.linear.gather [hbm4b:s22+s4], $0x4000, $0x38;
	[tilespmem:$0x1FA00] =	vst v63  }
0x2a: {  	p1 =	por @!p3 !p2, p1;
	s0 =	sadd.s32 @!p0 $0x3, s0;
	s1 =	smov.u32 s16  }
0x2b: {  	[tilespmem:s30], [sflag:$0x3] =	stream.linear.gather [hbm4b:s24+s4], $0x80, $0x38;
	[tilespmem:$0x1FA00] =	vst v63  }
0x2c: {  	p2 =	por !p1, p3;
	p1 =	sle.u32 s26, $0x1;
	_ =	swait.ge @!p3 [sflag:s7], $0x4000  }
0x2d: {  	s1 =	smov.u32 @p2 s0;
	p2 =	sle.u32 @!p1 s26, $0x4;
	[sflag:s7] =	ssyncset.done @!p3 $0x0  }
0x2e: {  	s0 =	sshll.u32 @!p0 s1, $0xE;
	[sflag:s7] =	ssyncadd.s32 @!p3 $0xFFFFC000;
	s7 =	simm.s32 @!p3 $0x1  }
0x2f: {  	s1 =	sshll.u32 @!p0 s1, $0x4;
	p4 =	por p2, p1;
	_ =	swait.ge @!p3 [sflag:s7], $0x80  }
0x30: {  	s0 =	sadd.s32 @!p0 s6, s0;
	s1 =	sand.u32 @!p0 $0x1FFFFFF0, s1;
	[sflag:s7] =	ssyncset.done @!p3 $0x0  }
0x31: {  	s0 =	sshrl.u32 @!p0 s0, $0x3;
	[sflag:s7] =	ssyncadd.s32 @!p3 $0xFFFFFF80;
	s7 =	simm.s32 @!p3 $0x80  }
0x32: {  	[spmem:s3] =	stream.indirect.scatter.add.f32 @!p3 [tilespmem:s9], [sflag:$0x7], $0x80, s11, s7, $0xb8;
	[tilespmem:$0x1FA00] =	vst v63  }
0x33: {  	s1 =	sadd.s32 @!p0 s2, s1;
	s20 =	simm.s32 @!p1 $0x80;
	_ =	swait.ge @!p3 [sflag:s10], $0x4000  }
0x34: {  	s21 =	simm.s32 $0x0;
	s7 =	sadd.s32 @!p0 s5, s0;
	[sflag:s10] =	ssyncset.done @!p3 $0x0  }
0x35: {  	s9 =	simm.s32 @!p0 $0x0;
	[sflag:s10] =	ssyncadd.s32 @!p3 $0xFFFFC000;
	s10 =	simm.s32 @!p0 $0x180  }
0x36: {  	[tilespmem:s10], [sflag:$0x4] =	stream.linear.gather @!p0 [hbm4b:s7+s9], $0x4000, $0x38;
	[tilespmem:$0x1FA00] =	vst v63  }
0x37: {  	s22 =	simm.s32 @!p1 $0x4180;
	s0 =	simm.s32 $0x2;
	p3 =	por p2, p2  }
0x38: {  	[tilespmem:s9], [sflag:$0x1] =	stream.linear.gather @!p0 [hbm4b:s1+s9], $0x80, $0x38;
	[tilespmem:$0x1FA00] =	vst v63  }
0x39: {  	s7 =	simm.s32 @!p1 $0x5;
	s10 =	simm.s32 @!p1 $0x2;
	s1 =	simm.s32 @!p1 $0x7  }
.LBB2_2:
0x3a: {  	p5 =	sge.u32 s0, s26  }
0x3b: {  	p2 =	slt.u32 @!p4 s21, $0x4;
	s13 =	sadd.s32 @!p5 $0x5, s31  }
0x3c: {  	p0 =	sge.u32 @!p5 s13, s26;
	s13 =	simm.s32 @!p2 $0x0  }
0x3d: {  	_ =	swait.ge @!p1 [sflag:s7], $0x4000;
	s13 =	simm.s32 @p2 $0x1  }
0x3e: {  	[smem:$0x7FA] =	sst s13  }
0x3f: {  	s24 =	sadd.s32 @!p4 s31, s8;
	p6 =	por p0, p5;
	s15 =	sld [smem:$0x7FA]  }
0x40: {  	s12 =	simm.s32 @!p4 $0x4180;
	s11 =	simm.s32 @!p4 $0x80;
	p2 =	slt.u32 @!p6 s21, $0x4  }
0x41: {  	s30 =	smov.u32 s28;
	s28 =	sadd.s32 $0x3, s28;
	s13 =	simm.s32 @!p2 $0x0  }
0x42: {  	s9 =	simm.s32 @!p5 $0x6;
	s13 =	simm.s32 @p2 $0x1;
	p2 =	seq.s32 s15, $0x1  }
0x43: {  	s23 =	simm.s32 @!p5 $0x3;
	s14 =	sadd.s32 @!p4 $0x4, s24;
	p2 =	por @!p1 !p2, p3  }
0x44: {  	s0 =	simm.s32 @!p5 $0x7;
	s24 =	simm.s32 @!p5 $0x80;
	p2 =	por !p2, p1  }
0x45: {  	[sflag:s7] =	ssyncset.done @!p1 $0x0;
	[smem:$0x7FB] =	sst s13;
	s15 =	simm.s32 @!p2 $0x0  }
0x46: {  	[sflag:s7] =	ssyncadd.s32 @!p1 $0xFFFFC000;
	s21 =	sld [smem:$0x7FB];
	s15 =	simm.s32 @p2 $0x1  }
0x47: {  	s7 =	smov.u32 s16;
	s13 =	sadd.s32 @!p6 s31, s8;
	[smem:$0x7FC] =	sst s15  }
0x48: {  	s31 =	simm.s32 @!p6 $0x100;
	s13 =	sadd.s32 @!p6 $0x5, s13;
	_ =	swait.ge @!p1 [sflag:s10], $0x80  }
0x49: {  	p3 =	sge.u32 s30, s26;
	p2 =	seq.s32 s21, $0x1;
	[sflag:s10] =	ssyncset.done @!p1 $0x0  }
0x4a: {  	p0 =	por @!p5 !p2, p0;
	s15 =	sld [smem:$0x7FC];
	[sflag:s10] =	ssyncadd.s32 @!p1 $0xFFFFFF80  }
0x4b: {  	[spmem:s3] =	stream.indirect.scatter.add.f32 @!p1 [tilespmem:s22], [sflag:$0x7], $0x80, s20, s20, $0xb8;
	[tilespmem:$0x1FA00] =	vst v63  }
0x4c: {  	s21 =	sadd.s32 @!p3 $0x3, s30;
	p0 =	por !p0, p5;
	s22 =	sadd.s32 $0x1, s30  }
0x4d: {  	p2 =	seq.s32 s15, $0x1;
	s15 =	smov.u32 s16;
	_ =	swait.ge @!p1 [sflag:s1], $0x4000  }
0x4e: {  	s7 =	smov.u32 @p2 s14;
	s14 =	simm.s32 @!p4 $0x0;
	p2 =	sge.u32 @!p3 s21, s26  }
0x4f: {  	s15 =	smov.u32 @p0 s13;
	[sflag:s1] =	ssyncset.done @!p1 $0x0;
	s21 =	sshll.u32 @!p4 s7, $0xE  }
0x50: {  	s13 =	sshll.u32 @!p6 s15, $0xE;
	s15 =	sshll.u32 @!p6 s15, $0x4;
	s7 =	sshll.u32 @!p4 s7, $0x4  }
0x51: {  	[sflag:s1] =	ssyncadd.s32 @!p1 $0xFFFFC000;
	p0 =	por p2, p3;
	s10 =	sadd.s32 @!p4 s6, s21  }
0x52: {  	s7 =	sand.u32 @!p4 $0x1FFFFFF0, s7;
	s13 =	sadd.s32 @!p6 s6, s13;
	s10 =	sshrl.u32 @!p4 s10, $0x3  }
0x53: {  	s15 =	sand.u32 @!p6 $0x1FFFFFF0, s15;
	p1 =	slt.u32 @!p0 s29, $0x4;
	s10 =	sadd.s32 @!p4 s5, s10  }
0x54: {  	[tilespmem:s12], [sflag:$0x5] =	stream.linear.gather @!p4 [hbm4b:s10+s14], $0x4000, $0x38;
	[tilespmem:$0x1FA00] =	vst v63  }
0x55: {  	s21 =	smov.u32 s29;
	s29 =	sadd.s32 $0x1, s29;
	s1 =	sadd.s32 @!p4 s2, s7  }
0x56: {  	[tilespmem:s11], [sflag:$0x2] =	stream.linear.gather @!p4 [hbm4b:s1+s14], $0x80, $0x38;
	[tilespmem:$0x1FA00] =	vst v63  }
0x57: {  	s13 =	sshrl.u32 @!p6 s13, $0x3;
	s7 =	sadd.s32 @!p6 s2, s15;
	_ =	swait.ge @!p5 [sflag:s9], $0x4000  }
0x58: {  	s15 =	simm.s32 @!p6 $0x8180;
	p2 =	por @!p3 !p1, p2;
	[sflag:s9] =	ssyncset.done @!p5 $0x0  }
0x59: {  	p1 =	sge.u32 s22, s26;
	s13 =	sadd.s32 @!p6 s5, s13;
	[sflag:s9] =	ssyncadd.s32 @!p5 $0xFFFFC000  }
0x5a: {  	p2 =	por !p2, p3;
	s20 =	simm.s32 @!p1 $0x80;
	_ =	swait.ge @!p5 [sflag:s23], $0x80  }
0x5b: {  	s22 =	simm.s32 @!p1 $0x4180;
	s10 =	simm.s32 @!p5 $0x100;
	[sflag:s23] =	ssyncset.done @!p5 $0x0  }
0x5c: {  	s12 =	simm.s32 @!p5 $0x8180;
	s11 =	sadd.s32 @!p0 s30, s8;
	[sflag:s23] =	ssyncadd.s32 @!p5 $0xFFFFFF80  }
0x5d: {  	[spmem:s3] =	stream.indirect.scatter.add.f32 @!p5 [tilespmem:s12], [sflag:$0x7], $0x80, s10, s24, $0xb8;
	[tilespmem:$0x1FA00] =	vst v63  }
0x5e: {  	s1 =	sadd.s32 @!p0 $0x3, s11;
	s9 =	sadd.s32 @!p1 $0x4, s30;
	_ =	swait.ge @!p5 [sflag:s0], $0x4000  }
0x5f: {  	p4 =	sge.u32 @!p1 s9, s26;
	s9 =	smov.u32 s16;
	[sflag:s0] =	ssyncset.done @!p5 $0x0  }
0x60: {  	s9 =	smov.u32 @p2 s1;
	s1 =	simm.s32 @!p6 $0x0;
	[sflag:s0] =	ssyncadd.s32 @!p5 $0xFFFFC000  }
0x61: {  	[tilespmem:s15], [sflag:$0x6] =	stream.linear.gather @!p6 [hbm4b:s13+s1], $0x4000, $0x38;
	[tilespmem:$0x1FA00] =	vst v63  }
0x62: {  	s11 =	simm.s32 @!p3 $0x4;
	s10 =	sshll.u32 @!p0 s9, $0xE;
	s9 =	sshll.u32 @!p0 s9, $0x4  }
0x63: {  	[tilespmem:s31], [sflag:$0x3] =	stream.linear.gather @!p6 [hbm4b:s7+s1], $0x80, $0x38;
	[tilespmem:$0x1FA00] =	vst v63  }
0x64: {  	s12 =	simm.s32 @!p3 $0x7;
	s10 =	sadd.s32 @!p0 s6, s10;
	_ =	swait.ge @!p3 [sflag:s11], $0x4000  }
0x65: {  	s9 =	sand.u32 @!p0 $0x1FFFFFF0, s9;
	s10 =	sshrl.u32 @!p0 s10, $0x3;
	[sflag:s11] =	ssyncset.done @!p3 $0x0  }
0x66: {  	s9 =	sadd.s32 @!p0 s2, s9;
	s1 =	simm.s32 @!p3 $0x1;
	[sflag:s11] =	ssyncadd.s32 @!p3 $0xFFFFC000  }
0x67: {  	s10 =	sadd.s32 @!p0 s5, s10;
	p5 =	sne.s32 s28, $0x12;
	_ =	swait.ge @!p3 [sflag:s1], $0x80  }
0x68: {  	s0 =	sadd.s32 $0x2, s30;
	s13 =	simm.s32 @!p3 $0x0;
	[sflag:s1] =	ssyncset.done @!p3 $0x0  }
0x69: {  	s11 =	simm.s32 @!p3 $0x180;
	[sflag:s1] =	ssyncadd.s32 @!p3 $0xFFFFFF80;
	s1 =	simm.s32 @!p3 $0x80  }
0x6a: {  	[spmem:s3] =	stream.indirect.scatter.add.f32 @!p3 [tilespmem:s11], [sflag:$0x7], $0x80, s13, s1, $0xb8;
	[tilespmem:$0x1FA00] =	vst v63  }
0x6b: {  	s31 =	smov.u32 s30;
	s7 =	simm.s32 @!p1 $0x5;
	_ =	swait.ge @!p3 [sflag:s12], $0x4000  }
.Ltmp0:
0x6c: {  	s11 =	simm.s32 @!p0 $0x0;
	[sflag:s12] =	ssyncset.done @!p3 $0x0;
	(pc) =	sbr.rel @p5 .LBB2_2-.Ltmp0, $4  }
0x6d: {  	s1 =	simm.s32 @!p0 $0x180;
	[sflag:s12] =	ssyncadd.s32 @!p3 $0xFFFFC000;
	p3 =	por p4, p4  }
0x6e: {  	[tilespmem:s1], [sflag:$0x4] =	stream.linear.gather @!p0 [hbm4b:s10+s11], $0x4000, $0x38;
	[tilespmem:$0x1FA00] =	vst v63  }
0x6f: {  	p4 =	por p4, p1;
	s10 =	simm.s32 @!p1 $0x2;
	s1 =	simm.s32 @!p1 $0x7  }
0x70: {  	[tilespmem:s11], [sflag:$0x1] =	stream.linear.gather @!p0 [hbm4b:s9+s11], $0x80, $0x38;
	[tilespmem:$0x1FA00] =	vst v63  }
0x71: {  	_ =	swait.ge @!p1 [sflag:s7], $0x4000  }
0x72: {  	p0 =	slt.u32 @!p4 s21, $0x4;
	s9 =	smov.u32 s16;
	[sflag:s7] =	ssyncset.done @!p1 $0x0  }
0x73: {  	p0 =	por @!p1 !p0, p3;
	[sflag:s7] =	ssyncadd.s32 @!p1 $0xFFFFC000;
	s7 =	sadd.s32 @!p4 s31, s8  }
0x74: {  	p0 =	por !p0, p1;
	_ =	swait.ge @!p1 [sflag:s10], $0x80;
	s7 =	sadd.s32 @!p4 $0x4, s7  }
0x75: {  	[sflag:s10] =	ssyncset.done @!p1 $0x0;
	s9 =	smov.u32 @p0 s7  }
0x76: {  	[sflag:s10] =	ssyncadd.s32 @!p1 $0xFFFFFF80;
	s7 =	sshll.u32 @!p4 s9, $0xE  }
0x77: {  	[spmem:s3] =	stream.indirect.scatter.add.f32 @!p1 [tilespmem:s22], [sflag:$0x7], $0x80, s20, s20, $0xb8;
	[tilespmem:$0x1FA00] =	vst v63  }
0x78: {  	s7 =	sadd.s32 @!p4 s6, s7;
	_ =	swait.ge @!p1 [sflag:s1], $0x4000  }
0x79: {  	s10 =	simm.s32 @!p4 $0x4180;
	s7 =	sshrl.u32 @!p4 s7, $0x3;
	[sflag:s1] =	ssyncset.done @!p1 $0x0  }
0x7a: {  	s7 =	sadd.s32 @!p4 s5, s7;
	[sflag:s1] =	ssyncadd.s32 @!p1 $0xFFFFC000;
	s1 =	simm.s32 @!p4 $0x0  }
0x7b: {  	[tilespmem:s10], [sflag:$0x5] =	stream.linear.gather @!p4 [hbm4b:s7+s1], $0x4000, $0x38;
	[tilespmem:$0x1FA00] =	vst v63  }
0x7c: {  	p1 =	sge.u32 s0, s26;
	s7 =	sshll.u32 @!p4 s9, $0x4  }
0x7d: {  	s9 =	simm.s32 @!p4 $0x80;
	s0 =	sadd.s32 @!p1 $0x5, s31;
	s7 =	sand.u32 @!p4 $0x1FFFFFF0, s7  }
0x7e: {  	p2 =	sge.u32 @!p1 s0, s26;
	s0 =	simm.s32 @!p1 $0x6;
	s7 =	sadd.s32 @!p4 s2, s7  }
0x7f: {  	[tilespmem:s9], [sflag:$0x2] =	stream.linear.gather @!p4 [hbm4b:s7+s1], $0x80, $0x38;
	[tilespmem:$0x1FA00] =	vst v63  }
0x80: {  	_ =	swait.ge @!p1 [sflag:s0], $0x4000  }
0x81: {  	[sflag:s0] =	ssyncset.done @!p1 $0x0  }
0x82: {  	p0 =	por p2, p1;
	s1 =	simm.s32 @!p1 $0x3;
	[sflag:s0] =	ssyncadd.s32 @!p1 $0xFFFFC000  }
0x83: {  	p3 =	slt.u32 @!p0 s21, $0x4;
	s7 =	sadd.s32 @!p0 s31, s8;
	_ =	swait.ge @!p1 [sflag:s1], $0x80  }
0x84: {  	s9 =	simm.s32 @!p1 $0x100;
	p2 =	por @!p1 !p3, p2;
	[sflag:s1] =	ssyncset.done @!p1 $0x0  }
0x85: {  	s0 =	simm.s32 @!p1 $0x80;
	[sflag:s1] =	ssyncadd.s32 @!p1 $0xFFFFFF80;
	s1 =	simm.s32 @!p1 $0x8180  }
0x86: {  	[spmem:s3] =	stream.indirect.scatter.add.f32 @!p1 [tilespmem:s1], [sflag:$0x7], $0x80, s9, s0, $0xb8;
	[tilespmem:$0x1FA00] =	vst v63  }
0x87: {  	s7 =	sadd.s32 @!p0 $0x5, s7;
	p2 =	por !p2, p1;
	s0 =	smov.u32 s16  }
0x88: {  	s1 =	simm.s32 @!p1 $0x7;
	s0 =	smov.u32 @p2 s7  }
0x89: {  	_ =	swait.ge @!p1 [sflag:s1], $0x4000;
	s7 =	sshll.u32 @!p0 s0, $0xE  }
0x8a: {  	s9 =	simm.s32 @!p0 $0x0;
	[sflag:s1] =	ssyncset.done @!p1 $0x0;
	s7 =	sadd.s32 @!p0 s6, s7  }
0x8b: {  	s0 =	sshll.u32 @!p0 s0, $0x4;
	[sflag:s1] =	ssyncadd.s32 @!p1 $0xFFFFC000;
	s1 =	sshrl.u32 @!p0 s7, $0x3  }
0x8c: {  	s0 =	sand.u32 @!p0 $0x1FFFFFF0, s0;
	s7 =	simm.s32 @!p0 $0x8180;
	s1 =	sadd.s32 @!p0 s5, s1  }
0x8d: {  	[tilespmem:s7], [sflag:$0x6] =	stream.linear.gather @!p0 [hbm4b:s1+s9], $0x4000, $0x38;
	[tilespmem:$0x1FA00] =	vst v63  }
0x8e: {  	s0 =	sadd.s32 @!p0 s2, s0;
	s1 =	simm.s32 @!p0 $0x100  }
0x8f: {  	[tilespmem:s1], [sflag:$0x3] =	stream.linear.gather @!p0 [hbm4b:s0+s9], $0x80, $0x38;
	[tilespmem:$0x1FA00] =	vst v63  }
0x90: {  	[bflag:$0x0] =	sbarrier.arrive $0xFFFF  }
0x91: {  	s31 =	sld [smem:$0x7FD];
	_ =	sdelay $0x1  }
0x92: {  	s25 =	sadd.s32 $0x1, s25  }
0x93: {  	p0 =	sne.s32 s25, s17;
	s0 =	rddreg [dreg:$0xb];
	p1 =	seq.s32 s31, $0x1  }
0x94: {  	[hbm:s0], [sflag:s18] =	dma.local @!p1 [spmem:s19], $0x3E80  }
.Ltmp1:
0x95: {  	_ = 	snop;
	(pc) =	sbr.rel @p0 .LBB2_1-.Ltmp1, $4  }
0x96: {  	s0 =	simm.s32 @!p1 $0x7  }
0x97: {  	_ =	swait.ge @!p1 [sflag:s0], $0x3E80  }
0x98: {  	[sflag:s0] =	ssyncset.done @!p1 $0x0  }
0x99: {  	[sflag:s0] =	ssyncadd.s32 @!p1 $0xFFFFC180  }
0x9a: {  	_ =	sfence.sel $0x180000  }
0x9b: {  	[bflag:$0x0] =	sbarrier.arrive $0xFFFF  }
0x9c: {  	_ =	strace $0x90000047  }
0x9d: {  	s0 =	stileid.u32;
	[bflag:$0x2] =	sbarrier.arrive $0xFFFF  }
0x9e: {  	p0 =	sne.s32 s0, $0x0;
	s0 =	rddreg [dreg:$0x3]  }
0x9f: {  	s0 =	sadd.s32 @!p0 $0x100000, s0  }
0xa0: {  	[sflag:s0] =	ssyncadd.tile.s32 @!p0 $0x1;
	_ =	shalt  }
.Lfunc_end2:
_tile_overlayer_lowered:
.L_overlay_start_2:
0xa1: {  	(tag) =	ssettag $0x2  }
0xa2: {  	s0 =	rddreg [dreg:$0x0];
	s2 =	stileid.u32  }
0xa3: {  	s1 =	rddreg [dreg:$0x1];
	p0 =	sne.s32 s2, $0x0  }
0xa4: {  	s3 =	rddreg [dreg:$0x2];
	[bflag:$0x3] =	sbarrier.arrive $0xFFFF;
	s2 =	simm.s32 @!p0 $0x1C07  }
0xa5: {  	[timem:s3], [sflag:s2] =	dma.local @!p0 [hbm:s0], s1  }
0xa6: {  	s0 =	simm.s32 @!p0 $0x7  }
0xa7: {  	_ =	swait.ge @!p0 [sflag:s0], s1  }
0xa8: {  	s1 =	ssub.s32 @!p0 $0x0, s1;
	[sflag:s0] =	ssyncset.done @!p0 $0x0  }
0xa9: {  	[sflag:s0] =	ssyncadd.s32 @!p0 s1  }
0xaa: {  	[bflag:$0x3] =	sbarrier.arrive $0xFFFF  }
0xab: {  	_ =	shalt  }

// kernel: kernel.14.cloned.1.call-start
scs
__scs_entry_jumppad:
0x0: {  	(pc) =	sbr.rel $0x88, $3  }
0x1: {  	(tag) =	ssettag $0x0;
	lr =	simm.s32 $0x1  }
0x2: {  	[smem:$0x3F9B] =	sst lr;
	_ =	strace $0xD0000000  }
0x3: {  	_ = 	snop  }
0x4: {  	_ = 	snop  }
0x5: {  	_ = 	snop  }
0x6: {  	_ = 	snop  }
0x7: {  	_ = 	snop  }
__scs_overlays_trampoline_lowered:
0x8: {  	[smem:$0x3FAA] =	sst s0  }
0x9: {  	[smem:$0x3FAB] =	sst s1  }
0xa: {  	[smem:$0x3FAC] =	sst s2  }
0xb: {  	[smem:$0x3FAD] =	sst s3  }
0xc: {  	[smem:$0x3FAE] =	sst s4  }
0xd: {  	[smem:$0x3FAF] =	sst s5  }
0xe: {  	[smem:$0x3FB0] =	sst s6  }
0xf: {  	[smem:$0x3FB1] =	sst s7  }
0x10: {  	[smem:$0x3FB2] =	sst s8  }
0x11: {  	[smem:$0x3FB3] =	sst s9;
	s0 =	simm.s32 @!p0 $0x0  }
0x12: {  	s1 =	sld [smem:$0x3F99];
	s0 =	simm.s32 @p0 $0x1  }
0x13: {  	[smem:$0x3FB4] =	sst s0;
	s0 =	simm.s32 @!p1 $0x0  }
0x14: {  	s2 =	sld [smem:$0x3F98];
	s0 =	simm.s32 @p1 $0x1  }
0x15: {  	[smem:$0x3FB5] =	sst s0;
	s0 =	simm.s32 @!p2 $0x0  }
0x16: {  	s3 =	sld [smem:$0x3FDB];
	s0 =	simm.s32 @p2 $0x1  }
0x17: {  	s4 =	simm.s32 $0x1BF5;
	[smem:$0x3FB7] =	sst s0  }
0x18: {  	s0 =	sld [smem:$0x3F9A];
	_ =	swait.ge [sflag:s4], $0x0  }
0x19: {  	s7 =	sld [smem:$0x3F9B]  }
0x1a: {  	s8 =	sadd.s32 $0xFFFFE003, lr  }
0x1b: {  	s9 =	sadd.s32 $0xFFFFFEF7, lr;
	s5 =	simm.s32 $0xFFFFFFFF;
	p2 =	slt.u32 s8, $0xFFFFF086  }
0x1c: {  	p1 =	slt.u32 s9, $0xF7A;
	s5 =	simm.s32 @!p2 $0x0  }
0x1d: {  	s5 =	simm.s32 @p1 $0x1;
	p0 =	seq.s32 s7, s2  }
0x1e: {  	s7 =	smul.u32 @!p0 $0xF7A, s2;
	p2 =	seq.s32 @!p0 s5, $0x0  }
0x1f: {  	s9 =	smul.u32 $0xF7A, s1;
	s8 =	simm.s32 @!p0 $0x1BF5;
	p2 =	por !p2, p0  }
0x20: {  	[sflag:s8] =	ssyncset.s32 @!p0 $0xFFFFF086;
	s6 =	sadd.s32 @!p0 s3, s7;
	s7 =	simm.s32 @!p0 $0x108  }
0x21: {  	s3 =	sadd.s32 s3, s9;
	s6 =	sadd.s32 @!p0 $0x88, s6;
	s7 =	simm.s32 @p2 $0x1082  }
0x22: {  	[simem:s7], [sflag:s8] =	dma.local @!p0 [hbm:s6], $0xF7A  }
0x23: {  	s9 =	sor.u32 $0xD0000000, s2;
	s6 =	simm.s32 $0x108;
	_ =	swait.ge @!p0 [sflag:s8], $0x0  }
0x24: {  	s3 =	sadd.s32 $0x88, s3;
	s6 =	simm.s32 @!p1 $0x1082;
	[sflag:s4] =	ssyncset.s32 $0xFFFFF086  }
0x25: {  	[simem:s6], [sflag:s4] =	dma.local [hbm:s3], $0xF7A  }
0x26: {  	[smem:$0x3F9B] =	sst s1;
	(tag) =	ssettag s2;
	_ =	strace s9  }
0x27: {  	s1 =	sld [smem:$0x3FAB]  }
0x28: {  	s2 =	sld [smem:$0x3FAC]  }
0x29: {  	s4 =	sld [smem:$0x3FAE]  }
0x2a: {  	p0 =	seq.s32 s5, $0x0;
	s5 =	sld [smem:$0x3FAF]  }
0x2b: {  	s6 =	sld [smem:$0x3FB0]  }
0x2c: {  	s7 =	sld [smem:$0x3FB1]  }
0x2d: {  	s3 =	simm.s32 $0x108;
	s8 =	sld [smem:$0x3FB2]  }
0x2e: {  	s3 =	simm.s32 @!p0 $0x1082;
	s9 =	sld [smem:$0x3FB3]  }
0x2f: {  	lr =	sadd.s32 s0, s3;
	s0 =	sld [smem:$0x3FAA]  }
0x30: {  	s3 =	sld [smem:$0x3FAD]  }
0x31: {  	[smem:$0x3FB6] =	sst s10  }
0x32: {  	s10 =	sld [smem:$0x3FB4];
	_ =	sdelay $0x3  }
0x33: {  	p0 =	seq.s32 s10, $0x1;
	s10 =	sld [smem:$0x3FB6];
	_ =	sdelay $0x3  }
0x34: {  	[smem:$0x3FB6] =	sst s10  }
0x35: {  	s10 =	sld [smem:$0x3FB5];
	_ =	sdelay $0x3  }
0x36: {  	p1 =	seq.s32 s10, $0x1;
	s10 =	sld [smem:$0x3FB6];
	_ =	sdelay $0x3  }
0x37: {  	[smem:$0x3FB6] =	sst s10  }
0x38: {  	s10 =	sld [smem:$0x3FB7]  }
0x39: {  	_ = 	snop;
	(pc) =	sbr.ind lr, $3  }
0x3a: {  	_ = 	snop  }
0x3b: {  	_ = 	snop  }
0x3c: {  	p2 =	seq.s32 s10, $0x1;
	s10 =	sld [smem:$0x3FB6]  }
0x3d: {  	_ =	shalt  }
0x3e: {  	_ =	shalt  }
0x3f: {  	_ =	shalt  }
0x40: {  	_ =	shalt  }
0x41: {  	_ =	shalt  }
0x42: {  	_ =	shalt  }
0x43: {  	_ =	shalt  }
0x44: {  	_ =	shalt  }
0x45: {  	_ =	shalt  }
0x46: {  	_ =	shalt  }
0x47: {  	_ =	shalt  }
0x48: {  	_ =	shalt  }
0x49: {  	_ =	shalt  }
0x4a: {  	_ =	shalt  }
0x4b: {  	_ =	shalt  }
0x4c: {  	_ =	shalt  }
0x4d: {  	_ =	shalt  }
0x4e: {  	_ =	shalt  }
0x4f: {  	_ =	shalt  }
0x50: {  	_ =	shalt  }
0x51: {  	_ =	shalt  }
0x52: {  	_ =	shalt  }
0x53: {  	_ =	shalt  }
0x54: {  	_ =	shalt  }
0x55: {  	_ =	shalt  }
0x56: {  	_ =	shalt  }
0x57: {  	_ =	shalt  }
0x58: {  	_ =	shalt  }
0x59: {  	_ =	shalt  }
0x5a: {  	_ =	shalt  }
0x5b: {  	_ =	shalt  }
0x5c: {  	_ =	shalt  }
0x5d: {  	_ =	shalt  }
0x5e: {  	_ =	shalt  }
0x5f: {  	_ =	shalt  }
0x60: {  	_ =	shalt  }
0x61: {  	_ =	shalt  }
0x62: {  	_ =	shalt  }
0x63: {  	_ =	shalt  }
0x64: {  	_ =	shalt  }
0x65: {  	_ =	shalt  }
0x66: {  	_ =	shalt  }
0x67: {  	_ =	shalt  }
0x68: {  	_ =	shalt  }
0x69: {  	_ =	shalt  }
0x6a: {  	_ =	shalt  }
0x6b: {  	_ =	shalt  }
0x6c: {  	_ =	shalt  }
0x6d: {  	_ =	shalt  }
0x6e: {  	_ =	shalt  }
0x6f: {  	_ =	shalt  }
0x70: {  	_ =	shalt  }
0x71: {  	_ =	shalt  }
0x72: {  	_ =	shalt  }
0x73: {  	_ =	shalt  }
0x74: {  	_ =	shalt  }
0x75: {  	_ =	shalt  }
0x76: {  	_ =	shalt  }
0x77: {  	_ =	shalt  }
0x78: {  	_ =	shalt  }
0x79: {  	_ =	shalt  }
0x7a: {  	_ =	shalt  }
0x7b: {  	_ =	shalt  }
0x7c: {  	_ =	shalt  }
0x7d: {  	_ =	shalt  }
0x7e: {  	_ =	shalt  }
0x7f: {  	_ =	shalt  }
0x80: {  	_ =	shalt  }
0x81: {  	_ =	shalt  }
0x82: {  	_ =	shalt  }
0x83: {  	_ =	shalt  }
0x84: {  	_ =	shalt  }
0x85: {  	_ =	shalt  }
0x86: {  	_ =	shalt  }
0x87: {  	_ =	shalt  }
.Lfunc_end0:
.L_simem_size_0:
called_computation.1_lowered:
.L_overlay_start_0:
0x88: {  	s2 =	sld [smem:$0x3FD9]  }
0x89: {  	s3 =	sld [smem:$0x3FFE];
	_ =	sdelay $0x1  }
0x8a: {  	s1 =	srdreg.scid  }
0x8b: {  	s0 =	sand.u32 $0x1, s1  }
0x8c: {  	s17 =	sshll.u32 s0, $0xA;
	s2 =	sadd.s32 s3, s2  }
0x8d: {  	s2 =	sadd.s32 s2, s17  }
0x8e: {  	[smem:$0x3FC2] =	sst s2  }
0x8f: {  	_ = 	snop  }
0x90: {  	s2 =	sld [smem:$0x3FD0];
	(tm) =	ssettm $0x1  }
0x91: {  	s18 =	sld [smem:$0x3FFB];
	_ =	sdelay $0x3  }
0x92: {  	_ =	strace s18  }
0x93: {  	s3 =	sld [smem:$0x3FFC];
	_ =	sdelay $0x3  }
0x94: {  	_ =	strace s3  }
0x95: {  	s3 =	sld [smem:$0x3FFD];
	_ =	sdelay $0x3  }
0x96: {  	_ =	strace s3  }
0x97: {  	_ =	strace $0x8FFFFFFF  }
0x98: {  	s19 =	sld [smem:$0x3FDB];
	_ =	sdelay $0x1  }
0x99: {  	s4 =	simm.s32 $_scs_section_size  }
0x9a: {  	s5 =	simm.s32 $_size__tile_overlayer_lowered;
	s6 =	simm.s32 $_tile_overlayer_lowered  }
0x9b: {  	s22 =	simm.s32 $0x1BFF;
	s21 =	sshll.u32 s6, $0x1;
	s3 =	sadd.s32 s4, s19  }
0x9c: {  	s7 =	simm.s32 $0x0;
	s20 =	sshll.u32 s5, $0x1;
	s5 =	sadd.s32 s21, s3  }
0x9d: {  	[timem:s7], [sflag:s22] =	dma.local [hbm:s5], s20  }
0x9e: {  	_ =	swait.ge [sflag:s22], s20  }
0x9f: {  	s4 =	ssub.s32 $0x0, s20;
	[sflag:s22] =	ssyncset.done $0x0  }
0xa0: {  	[sflag:s22] =	ssyncadd.s32 s4;
	_ =	sdelay $0x1  }
0xa1: {  	s23 =	simm.s32 $0x1B8B  }
0xa2: {  	_ =	swait.ge [sflag:s23], $0x1  }
0xa3: {  	[sflag:s23] =	ssyncset.done $0x0  }
0xa4: {  	s25 =	simm.s32 $0x1B8E;
	s24 =	sld [smem:$0x3FFE];
	[sflag:s23] =	ssyncadd.s32 $0xFFFFFFFF  }
0xa5: {  	s26 =	simm.s32 $execute0_lowered;
	[smem:$0x3FD2] =	sst s25  }
0xa6: {  	s5 =	sshll.u32 s26, $0x1;
	_ =	strace $0x80000049;
	[dreg:$0x1] =	wrdreg $0xFFFFFFFF  }
0xa7: {  	s28 =	simm.s32 $_size_execute0_lowered;
	s3 =	sadd.s32 s3, s5;
	[dreg:$0x0] =	wrdreg $0x0  }
0xa8: {  	s5 =	sshll.u32 s28, $0x1;
	[dreg:$0x2] =	wrdreg s3  }
0xa9: {  	[dreg:$0x3] =	wrdreg s5  }
0xaa: {  	[dreg:$0x4] =	wrdreg $0xC0  }
0xab: {  	_ =	task [dreg:s7], $0x5FFFF  }
0xac: {  	[dreg:$0x1] =	wrdreg $0xFFFFFFFF  }
0xad: {  	[dreg:$0x0] =	wrdreg $0x60  }
0xae: {  	[dreg:$0x2] =	wrdreg s24  }
0xaf: {  	[dreg:$0x3] =	wrdreg s2  }
0xb0: {  	[dreg:$0x4] =	wrdreg $0xC1800  }
0xb1: {  	[dreg:$0x5] =	wrdreg $0x9  }
0xb2: {  	_ =	task.clear_ibuf [dreg:s7], $0x6FFFF;
	_ =	strace $0x90000049  }
0xb3: {  	s29 =	simm.s32 $0x9;
	_ =	strace $0x8000004B  }
0xb4: {  	_ =	swait.ge [sflag:s29], $0x1  }
0xb5: {  	[sflag:s29] =	ssyncadd.s32 $0xFFFFFFFF  }
0xb6: {  	_ =	strace $0x9000004B  }
0xb7: {  	_ =	sfence  }
0xb8: {  	s30 =	sld [smem:$0x0];
	_ =	sdelay $0x2  }
0xb9: {  	s31 =	sshll.u32 s1, $0xD;
	s1 =	sshrl.u32 s1, $0x2  }
0xba: {  	s3 =	sand.u32 $0x4000, s31;
	s1 =	sadd.s32 s1, s30  }
0xbb: {  	s0 =	sor.u32 s3, s0;
	s1 =	sshll.u32 s1, $0x11  }
0xbc: {  	s0 =	sor.u32 s1, s0  }
0xbd: {  	s0 =	sadd.s32 $0x8F2B, s0  }
0xbe: {  	[sflag:s0] =	ssyncadd.remote.s32 $0x1  }
0xbf: {  	_ =	sfence.sel $0xFFFF  }
0xc0: {  	[dreg:$0x0] =	wrdreg $0xFFFFFFFF;
	(pc) =	sbr.abs _section_cstart, $3  }
0xc1: {  	[dreg:$0x1] =	wrdreg $0xFFFFFFFF  }
0xc2: {  	_ =	task.clear_ibuf [dreg:s7], $0x2FFFF;
	_ =	strace $0x9FFFFFFF  }
0xc3: {  	(tm) =	ssettm $0x7FFFFFFF  }
tec
execute0_lowered:
.L_overlay_start_1:
0x0: {  	(tag) =	ssettag $0x1  }
0x1: {  	s0 =	rddreg [dreg:$0x0]  }
0x2: {  	s1 =	rddreg [dreg:$0x1]  }
0x3: {  	s3 =	srdreg.scid;
	s11 =	stileid.u32  }
0x4: {  	s2 =	rddreg [dreg:$0x2];
	s6 =	smul.u32 $0x1F400, s11  }
0x5: {  	s21 =	simm.s32 $0x180;
	s28 =	simm.s32 $0x1;
	s7 =	smul.u32 $0x7D000, s11  }
0x6: {  	s29 =	simm.s32 $0x7;
	s30 =	simm.s32 $0x0;
	s9 =	smul.u32 $0xB8000, s11  }
0x7: {  	s5 =	sand.u32 $0x1, s3;
	s3 =	simm.s32 $0x0;
	s24 =	smul.u32 $0x1700, s11  }
0x8: {  	p0 =	slt.u32 s11, $0xE;
	s16 =	sadd.s32 $0xFA0, s1;
	s4 =	smul.u32 $0x138800, s5  }
0x9: {  	[smem:$0x7FF] =	sst s3;
	s23 =	ssub.s32 $0x2, s5;
	s5 =	smul.u32 $0xBB8000, s5  }
0xa: {  	_ =	strace $0x8000004A;
	s8 =	sshrl.u32 s23, $0x1;
	s7 =	sshrl.u32 s7, $0x2  }
0xb: {  	s10 =	sshrl.u32 s24, $0x3;
	s6 =	sadd.s32 s6, s4;
	s4 =	sadd.s32 $0x197E00, s0  }
0xc: {  	s20 =	sadd.s32 s7, s2;
	s7 =	smul.u32 $0x2E, s11;
	s9 =	sadd.s32 s9, s5  }
0xd: {  	s14 =	sadd.s32 s1, s10;
	s6 =	sshrl.u32 s6, $0x3;
	s9 =	sshrl.u32 s9, $0x3  }
0xe: {  	s10 =	sadd.s32 $0xFA0, s14;
	s12 =	sadd.s32 $0xFB0, s14;
	s14 =	sadd.s32 $0xFC0, s14  }
0xf: {  	s0 =	sadd.s32 s6, s0;
	s6 =	ssub.s32 s23, s8;
	s8 =	simm.s32 $0x2F  }
0x10: {  	s9 =	sadd.s32 s4, s9;
	[dreg:$0x7] =	wrdreg s10;
	s23 =	simm.s32 $0x80  }
0x11: {  	s25 =	sadd.s32 $0x149C00, s0;
	s8 =	simm.s32 @!p0 $0x2E;
	s26 =	sadd.s32 $0x800, s9  }
0x12: {  	s13 =	sadd.s32 $0x1000, s9;
	p0 =	sgt.u32 s11, $0x9;
	[dreg:$0x6] =	wrdreg s25  }
0x13: {  	s17 =	sadd.s32 $0x1A00, s0;
	s18 =	smax.u32 s6, $0x1;
	[dreg:$0x8] =	wrdreg s26  }
0x14: {  	s15 =	sadd.s32 $0xFFFFFFFF, s8;
	s31 =	sadd.s32 $0xFFFFFFFE, s8;
	s0 =	sshll.u32 @!p0 s11, $0x6  }
0x15: {  	s20 =	sshrl.u32 @!p0 s20, $0x3;
	s26 =	simm.s32 $0x4;
	[dreg:$0x4] =	wrdreg s15  }
0x16: {  	[dreg:$0x5] =	wrdreg s31;
	s15 =	sor.u32 $0x2E0, s11;
	s19 =	sor.u32 @!p0 $0x1C07, s0  }
.LBB2_1:
0x17: {  	s0 =	rddreg [dreg:$0x6]  }
0x18: {  	[spmem:s20], [sflag:s19] =	dma.local @!p0 [hbm:s0], $0x3E80  }
0x19: {  	s0 =	simm.s32 @!p0 $0x7  }
0x1a: {  	_ =	swait.ge @!p0 [sflag:s0], $0x3E80  }
0x1b: {  	[sflag:s0] =	ssyncset.done @!p0 $0x0  }
0x1c: {  	[sflag:s0] =	ssyncadd.s32 @!p0 $0xFFFFC180  }
0x1d: {  	[bflag:$0x0] =	sbarrier.arrive $0xFFFF  }
0x1e: {  	[tilespmem:s21], [sflag:$0x4] =	stream.linear.gather [hbm4b:s9+s3], $0x4000, $0x38;
	[tilespmem:$0x1FA00] =	vst v63  }
0x1f: {  	s10 =	rddreg [dreg:$0x7]  }
0x20: {  	[tilespmem:s3], [sflag:$0x1] =	stream.linear.gather [hbm4b:s10+s3], $0x80, $0x38;
	[tilespmem:$0x1FA00] =	vst v63  }
0x21: {  	s1 =	simm.s32 $0x4180;
	s11 =	rddreg [dreg:$0x8]  }
0x22: {  	[tilespmem:s1], [sflag:$0x5] =	stream.linear.gather [hbm4b:s11+s3], $0x4000, $0x38;
	[tilespmem:$0x1FA00] =	vst v63  }
0x23: {  	_ = 	snop  }
0x24: {  	[tilespmem:s23], [sflag:$0x2] =	stream.linear.gather [hbm4b:s12+s3], $0x80, $0x38;
	[tilespmem:$0x1FA00] =	vst v63  }
0x25: {  	s22 =	simm.s32 $0x8180  }
0x26: {  	[tilespmem:s22], [sflag:$0x6] =	stream.linear.gather [hbm4b:s13+s3], $0x4000, $0x38;
	[tilespmem:$0x1FA00] =	vst v63  }
0x27: {  	s24 =	simm.s32 $0x100;
	p1 =	sle.u32 s8, $0x3  }
0x28: {  	[tilespmem:s24], [sflag:$0x3] =	stream.linear.gather [hbm4b:s14+s3], $0x80, $0x38;
	[tilespmem:$0x1FA00] =	vst v63  }
0x29: {  	p2 =	por @!p1 $0x0, $0x0;
	_ =	swait.ge [sflag:s26], $0x4000  }
0x2a: {  	p2 =	por !p2, p1;
	s0 =	sadd.s32 @!p1 $0x0, s7;
	[sflag:s26] =	ssyncset.done $0x0  }
0x2b: {  	s0 =	sadd.s32 @!p1 $0x3, s0;
	s1 =	smov.u32 s15;
	[sflag:s26] =	ssyncadd.s32 $0xFFFFC000  }
0x2c: {  	s1 =	smov.u32 @p2 s0;
	_ =	swait.ge [sflag:s28], $0x80  }
0x2d: {  	s0 =	sshll.u32 @!p1 s1, $0xE;
	[sflag:s28] =	ssyncset.done $0x0  }
0x2e: {  	s0 =	sadd.s32 @!p1 s5, s0;
	[sflag:s28] =	ssyncadd.s32 $0xFFFFFF80  }
0x2f: {  	[spmem:s2] =	stream.indirect.scatter.add.f32 [tilespmem:s21], [sflag:$0x7], $0x80, s3, s23, $0xb8;
	[tilespmem:$0x1FA00] =	vst v63  }
0x30: {  	s1 =	sshll.u32 @!p1 s1, $0x4;
	s0 =	sshrl.u32 @!p1 s0, $0x3;
	_ =	swait.ge [sflag:s29], $0x4000  }
0x31: {  	s22 =	simm.s32 @!p1 $0x0;
	s0 =	sadd.s32 @!p1 s4, s0;
	[sflag:s29] =	ssyncset.done $0x0  }
0x32: {  	s24 =	simm.s32 @!p1 $0x180;
	s6 =	rddreg [dreg:$0x4];
	[sflag:s29] =	ssyncadd.s32 $0xFFFFC000  }
0x33: {  	[tilespmem:s24], [sflag:$0x4] =	stream.linear.gather @!p1 [hbm4b:s0+s22], $0x4000, $0x38;
	[tilespmem:$0x1FA00] =	vst v63  }
0x34: {  	p2 =	sle.u32 s6, $0x0;
	s0 =	sadd.s32 @!p1 s1, s16  }
0x35: {  	[tilespmem:s22], [sflag:$0x1] =	stream.linear.gather @!p1 [hbm4b:s0+s22], $0x80, $0x38;
	[tilespmem:$0x1FA00] =	vst v63  }
0x36: {  	s31 =	simm.s32 $0x3;
	p3 =	sle.u32 @!p2 s8, $0x4;
	s0 =	simm.s32 @!p2 $0x5  }
0x37: {  	s6 =	simm.s32 @!p2 $0x2;
	p1 =	por p3, p2;
	_ =	swait.ge @!p2 [sflag:s0], $0x4000  }
0x38: {  	s24 =	smov.u32 s15;
	p4 =	por @!p1 $0x1, $0x1;
	[sflag:s0] =	ssyncset.done @!p2 $0x0  }
0x39: {  	p3 =	por @!p2 !p4, p3;
	[sflag:s0] =	ssyncadd.s32 @!p2 $0xFFFFC000;
	s0 =	sadd.s32 @!p1 $0x0, s7  }
0x3a: {  	p3 =	por !p3, p2;
	_ =	swait.ge @!p2 [sflag:s6], $0x80;
	s0 =	sadd.s32 @!p1 $0x4, s0  }
0x3b: {  	s22 =	simm.s32 @!p2 $0x4180;
	[sflag:s6] =	ssyncset.done @!p2 $0x0;
	s24 =	smov.u32 @p3 s0  }
0x3c: {  	[sflag:s6] =	ssyncadd.s32 @!p2 $0xFFFFFF80;
	s6 =	simm.s32 @!p2 $0x80;
	s0 =	sshll.u32 @!p1 s24, $0xE  }
0x3d: {  	[spmem:s2] =	stream.indirect.scatter.add.f32 @!p2 [tilespmem:s22], [sflag:$0x7], $0x80, s6, s6, $0xb8;
	[tilespmem:$0x1FA00] =	vst v63  }
0x3e: {  	s1 =	simm.s32 @!p2 $0x7;
	s6 =	sshll.u32 @!p1 s24, $0x4;
	s0 =	sadd.s32 @!p1 s5, s0  }
0x3f: {  	s24 =	simm.s32 @!p1 $0x4180;
	s22 =	smov.u32 s15;
	_ =	swait.ge @!p2 [sflag:s1], $0x4000  }
0x40: {  	s0 =	sshrl.u32 @!p1 s0, $0x3;
	[sflag:s1] =	ssyncset.done @!p2 $0x0;
	s25 =	rddreg [dreg:$0x5]  }
0x41: {  	s0 =	sadd.s32 @!p1 s4, s0;
	[sflag:s1] =	ssyncadd.s32 @!p2 $0xFFFFC000;
	s1 =	simm.s32 @!p1 $0x0  }
0x42: {  	[tilespmem:s24], [sflag:$0x5] =	stream.linear.gather @!p1 [hbm4b:s0+s1], $0x4000, $0x38;
	[tilespmem:$0x1FA00] =	vst v63  }
0x43: {  	p2 =	sle.u32 s25, $0x0;
	s0 =	sadd.s32 @!p1 s6, s16;
	s6 =	simm.s32 @!p1 $0x80  }
0x44: {  	[tilespmem:s6], [sflag:$0x2] =	stream.linear.gather @!p1 [hbm4b:s0+s1], $0x80, $0x38;
	[tilespmem:$0x1FA00] =	vst v63  }
0x45: {  	s24 =	simm.s32 @!p2 $0x7;
	s25 =	simm.s32 @!p2 $0x8180;
	s1 =	simm.s32 @!p2 $0x6  }
0x46: {  	s0 =	simm.s32 $0x1;
	p1 =	sle.u32 @!p2 s8, $0x5;
	_ =	swait.ge @!p2 [sflag:s1], $0x4000  }
0x47: {  	s6 =	simm.s32 @!p2 $0x3;
	p3 =	por p1, p2;
	[sflag:s1] =	ssyncset.done @!p2 $0x0  }
0x48: {  	p4 =	por @!p3 $0x1, $0x1;
	[sflag:s1] =	ssyncadd.s32 @!p2 $0xFFFFC000;
	s1 =	sadd.s32 @!p3 $0x0, s7  }
0x49: {  	p1 =	por @!p2 !p4, p1;
	_ =	swait.ge @!p2 [sflag:s6], $0x80;
	s10 =	sadd.s32 @!p3 $0x5, s1  }
0x4a: {  	p1 =	por !p1, p2;
	s1 =	simm.s32 @!p2 $0x100;
	[sflag:s6] =	ssyncset.done @!p2 $0x0  }
0x4b: {  	s22 =	smov.u32 @p1 s10;
	[sflag:s6] =	ssyncadd.s32 @!p2 $0xFFFFFF80;
	s6 =	simm.s32 @!p2 $0x80  }
.LBB2_2:
0x4c: {  	[spmem:s2] =	stream.indirect.scatter.add.f32 @!p2 [tilespmem:s25], [sflag:$0x7], $0x80, s1, s6, $0xb8;
	[tilespmem:$0x1FA00] =	vst v63  }
0x4d: {  	s6 =	sshll.u32 @!p3 s22, $0xE  }
0x4e: {  	s10 =	simm.s32 @!p3 $0x8180;
	_ =	swait.ge @!p2 [sflag:s24], $0x4000;
	s6 =	sadd.s32 @!p3 s5, s6  }
0x4f: {  	s22 =	sshll.u32 @!p3 s22, $0x4;
	[sflag:s24] =	ssyncset.done @!p2 $0x0;
	s6 =	sshrl.u32 @!p3 s6, $0x3  }
0x50: {  	[sflag:s24] =	ssyncadd.s32 @!p2 $0xFFFFC000;
	s6 =	sadd.s32 @!p3 s4, s6;
	s24 =	simm.s32 @!p3 $0x0  }
0x51: {  	[tilespmem:s10], [sflag:$0x6] =	stream.linear.gather @!p3 [hbm4b:s6+s24], $0x4000, $0x38;
	[tilespmem:$0x1FA00] =	vst v63  }
0x52: {  	s6 =	sadd.s32 @!p3 s22, s16;
	s10 =	simm.s32 @!p3 $0x100  }
0x53: {  	[tilespmem:s10], [sflag:$0x3] =	stream.linear.gather @!p3 [hbm4b:s6+s24], $0x80, $0x38;
	[tilespmem:$0x1FA00] =	vst v63  }
0x54: {  	s1 =	smov.u32 s31;
	s31 =	sadd.s32 $0x3, s31;
	_ =	swait.ge [sflag:s26], $0x4000  }
0x55: {  	p3 =	sge.u32 s31, s8;
	s10 =	smov.u32 s15;
	[sflag:s26] =	ssyncset.done $0x0  }
0x56: {  	p2 =	seq.s32 @!p3 s1, $0x2D;
	s6 =	sadd.s32 @!p3 s1, s7;
	[sflag:s26] =	ssyncadd.s32 $0xFFFFC000  }
0x57: {  	s6 =	sadd.s32 @!p3 $0x3, s6;
	p2 =	por !p2, p3;
	_ =	swait.ge [sflag:s28], $0x80  }
0x58: {  	s10 =	smov.u32 @p2 s6;
	[sflag:s28] =	ssyncset.done $0x0  }
0x59: {  	s25 =	simm.s32 @!p3 $0x0;
	s6 =	sshll.u32 @!p3 s10, $0xE;
	[sflag:s28] =	ssyncadd.s32 $0xFFFFFF80  }
0x5a: {  	[spmem:s2] =	stream.indirect.scatter.add.f32 [tilespmem:s21], [sflag:$0x7], $0x80, s3, s23, $0xb8;
	[tilespmem:$0x1FA00] =	vst v63  }
0x5b: {  	s11 =	simm.s32 @!p3 $0x180;
	s6 =	sadd.s32 @!p3 s5, s6;
	_ =	swait.ge [sflag:s29], $0x4000  }
0x5c: {  	s10 =	sshll.u32 @!p3 s10, $0x4;
	s6 =	sshrl.u32 @!p3 s6, $0x3;
	[sflag:s29] =	ssyncset.done $0x0  }
0x5d: {  	s6 =	sadd.s32 @!p3 s4, s6;
	s24 =	rddreg [dreg:$0x4];
	[sflag:s29] =	ssyncadd.s32 $0xFFFFC000  }
0x5e: {  	[tilespmem:s11], [sflag:$0x4] =	stream.linear.gather @!p3 [hbm4b:s6+s25], $0x4000, $0x38;
	[tilespmem:$0x1FA00] =	vst v63  }
0x5f: {  	p1 =	sne.s32 s31, $0x30;
	s10 =	sadd.s32 @!p3 s10, s16;
	p2 =	sge.u32 s1, s24  }
0x60: {  	[tilespmem:s25], [sflag:$0x1] =	stream.linear.gather @!p3 [hbm4b:s10+s25], $0x80, $0x38;
	[tilespmem:$0x1FA00] =	vst v63  }
0x61: {  	s22 =	smov.u32 s0;
	s6 =	simm.s32 @!p2 $0x5;
	s10 =	sadd.s32 @!p2 $0x4, s1  }
0x62: {  	s24 =	simm.s32 @!p2 $0x4180;
	_ =	swait.ge @!p2 [sflag:s6], $0x4000;
	p4 =	sge.u32 @!p2 s10, s8  }
0x63: {  	s25 =	smov.u32 s15;
	[sflag:s6] =	ssyncset.done @!p2 $0x0;
	p3 =	por p4, p2  }
0x64: {  	s10 =	simm.s32 @!p2 $0x2;
	[sflag:s6] =	ssyncadd.s32 @!p2 $0xFFFFC000;
	p5 =	slt.u32 @!p3 s0, $0xE  }
0x65: {  	s6 =	sadd.s32 @!p3 s1, s7;
	_ =	swait.ge @!p2 [sflag:s10], $0x80;
	p4 =	por @!p2 !p5, p4  }
0x66: {  	s6 =	sadd.s32 @!p3 $0x4, s6;
	[sflag:s10] =	ssyncset.done @!p2 $0x0;
	p4 =	por !p4, p2  }
0x67: {  	[sflag:s10] =	ssyncadd.s32 @!p2 $0xFFFFFF80;
	s10 =	simm.s32 @!p2 $0x80;
	s25 =	smov.u32 @p4 s6  }
0x68: {  	[spmem:s2] =	stream.indirect.scatter.add.f32 @!p2 [tilespmem:s24], [sflag:$0x7], $0x80, s10, s10, $0xb8;
	[tilespmem:$0x1FA00] =	vst v63  }
0x69: {  	s11 =	simm.s32 @!p2 $0x7;
	s6 =	sshll.u32 @!p3 s25, $0xE;
	s10 =	sshll.u32 @!p3 s25, $0x4  }
0x6a: {  	s25 =	simm.s32 @!p3 $0x4180;
	_ =	swait.ge @!p2 [sflag:s11], $0x4000;
	s6 =	sadd.s32 @!p3 s5, s6  }
0x6b: {  	[sflag:s11] =	ssyncset.done @!p2 $0x0;
	s24 =	rddreg [dreg:$0x5];
	s6 =	sshrl.u32 @!p3 s6, $0x3  }
0x6c: {  	[sflag:s11] =	ssyncadd.s32 @!p2 $0xFFFFC000;
	s6 =	sadd.s32 @!p3 s4, s6;
	s11 =	simm.s32 @!p3 $0x0  }
0x6d: {  	[tilespmem:s25], [sflag:$0x5] =	stream.linear.gather @!p3 [hbm4b:s6+s11], $0x4000, $0x38;
	[tilespmem:$0x1FA00] =	vst v63  }
0x6e: {  	s10 =	sadd.s32 @!p3 s10, s16;
	p2 =	sge.u32 s1, s24;
	s6 =	simm.s32 @!p3 $0x80  }
0x6f: {  	[tilespmem:s6], [sflag:$0x2] =	stream.linear.gather @!p3 [hbm4b:s10+s11], $0x80, $0x38;
	[tilespmem:$0x1FA00] =	vst v63  }
0x70: {  	s0 =	sadd.s32 $0x1, s0;
	s24 =	simm.s32 @!p2 $0x7;
	s6 =	simm.s32 @!p2 $0x6  }
0x71: {  	s25 =	simm.s32 @!p2 $0x8180;
	s10 =	sadd.s32 @!p2 $0x5, s1;
	_ =	swait.ge @!p2 [sflag:s6], $0x4000  }
0x72: {  	p4 =	sge.u32 @!p2 s10, s8;
	s10 =	simm.s32 @!p2 $0x3;
	[sflag:s6] =	ssyncset.done @!p2 $0x0  }
.Ltmp0:
0x73: {  	p3 =	por p4, p2;
	[sflag:s6] =	ssyncadd.s32 @!p2 $0xFFFFC000;
	(pc) =	sbr.rel @p1 .LBB2_2-.Ltmp0, $4  }
0x74: {  	p5 =	slt.u32 @!p3 s22, $0xE;
	s1 =	sadd.s32 @!p3 s1, s7;
	s6 =	simm.s32 @!p2 $0x80  }
0x75: {  	s22 =	smov.u32 s15;
	_ =	swait.ge @!p2 [sflag:s10], $0x80;
	p4 =	por @!p2 !p5, p4  }
0x76: {  	s11 =	sadd.s32 @!p3 $0x5, s1;
	[sflag:s10] =	ssyncset.done @!p2 $0x0;
	p4 =	por !p4, p2  }
0x77: {  	s1 =	simm.s32 @!p2 $0x100;
	[sflag:s10] =	ssyncadd.s32 @!p2 $0xFFFFFF80;
	s22 =	smov.u32 @p4 s11  }
0x78: {  	[spmem:s2] =	stream.indirect.scatter.add.f32 @!p2 [tilespmem:s25], [sflag:$0x7], $0x80, s1, s6, $0xb8;
	[tilespmem:$0x1FA00] =	vst v63  }
0x79: {  	s0 =	sshll.u32 @!p3 s22, $0xE;
	s1 =	simm.s32 @!p3 $0x8180  }
0x7a: {  	s6 =	simm.s32 @!p3 $0x0;
	_ =	swait.ge @!p2 [sflag:s24], $0x4000;
	s0 =	sadd.s32 @!p3 s5, s0  }
0x7b: {  	s10 =	sshll.u32 @!p3 s22, $0x4;
	[sflag:s24] =	ssyncset.done @!p2 $0x0;
	s0 =	sshrl.u32 @!p3 s0, $0x3  }
0x7c: {  	s30 =	sadd.s32 $0x1, s30;
	[sflag:s24] =	ssyncadd.s32 @!p2 $0xFFFFC000;
	s0 =	sadd.s32 @!p3 s4, s0  }
0x7d: {  	[tilespmem:s1], [sflag:$0x6] =	stream.linear.gather @!p3 [hbm4b:s0+s6], $0x4000, $0x38;
	[tilespmem:$0x1FA00] =	vst v63  }
0x7e: {  	p1 =	sne.s32 s30, s18;
	s0 =	sadd.s32 @!p3 s10, s16;
	s1 =	simm.s32 @!p3 $0x100  }
0x7f: {  	[tilespmem:s1], [sflag:$0x3] =	stream.linear.gather @!p3 [hbm4b:s0+s6], $0x80, $0x38;
	[tilespmem:$0x1FA00] =	vst v63  }
.Ltmp1:
0x80: {  	s0 =	simm.s32 @!p0 $0x7;
	[bflag:$0x0] =	sbarrier.arrive $0xFFFF;
	(pc) =	sbr.rel @p1 .LBB2_1-.Ltmp1, $4  }
0x81: {  	[hbm:s17], [sflag:s19] =	dma.local @!p0 [spmem:s20], $0x3E80  }
0x82: {  	_ =	swait.ge @!p0 [sflag:s0], $0x3E80  }
0x83: {  	[sflag:s0] =	ssyncset.done @!p0 $0x0  }
0x84: {  	[sflag:s0] =	ssyncadd.s32 @!p0 $0xFFFFC180  }
0x85: {  	_ =	sfence.sel $0x180000  }
0x86: {  	[bflag:$0x0] =	sbarrier.arrive $0xFFFF  }
0x87: {  	_ =	strace $0x9000004A  }
0x88: {  	s0 =	stileid.u32;
	[bflag:$0x2] =	sbarrier.arrive $0xFFFF  }
0x89: {  	p0 =	sne.s32 s0, $0x0;
	s0 =	rddreg [dreg:$0x3]  }
0x8a: {  	s0 =	sadd.s32 @!p0 $0x100000, s0  }
0x8b: {  	[sflag:s0] =	ssyncadd.tile.s32 @!p0 $0x1;
	_ =	shalt  }
.Lfunc_end2:
_tile_overlayer_lowered:
.L_overlay_start_2:
0x8c: {  	(tag) =	ssettag $0x2  }
0x8d: {  	s0 =	rddreg [dreg:$0x0];
	s2 =	stileid.u32  }
0x8e: {  	s1 =	rddreg [dreg:$0x1];
	p0 =	sne.s32 s2, $0x0  }
0x8f: {  	s3 =	rddreg [dreg:$0x2];
	[bflag:$0x3] =	sbarrier.arrive $0xFFFF;
	s2 =	simm.s32 @!p0 $0x1C07  }
0x90: {  	[timem:s3], [sflag:s2] =	dma.local @!p0 [hbm:s0], s1  }
0x91: {  	s0 =	simm.s32 @!p0 $0x7  }
0x92: {  	_ =	swait.ge @!p0 [sflag:s0], s1  }
0x93: {  	s1 =	ssub.s32 @!p0 $0x0, s1;
	[sflag:s0] =	ssyncset.done @!p0 $0x0  }
0x94: {  	[sflag:s0] =	ssyncadd.s32 @!p0 s1  }
0x95: {  	[bflag:$0x3] =	sbarrier.arrive $0xFFFF  }
0x96: {  	_ =	shalt  }

// kernel: kernel.17.cloned.1.call-start
scs
__scs_entry_jumppad:
0x0: {  	(pc) =	sbr.rel $0x88, $3  }
0x1: {  	(tag) =	ssettag $0x0;
	lr =	simm.s32 $0x1  }
0x2: {  	[smem:$0x3F9B] =	sst lr;
	_ =	strace $0xD0000000  }
0x3: {  	_ = 	snop  }
0x4: {  	_ = 	snop  }
0x5: {  	_ = 	snop  }
0x6: {  	_ = 	snop  }
0x7: {  	_ = 	snop  }
__scs_overlays_trampoline_lowered:
0x8: {  	[smem:$0x3FAA] =	sst s0  }
0x9: {  	[smem:$0x3FAB] =	sst s1  }
0xa: {  	[smem:$0x3FAC] =	sst s2  }
0xb: {  	[smem:$0x3FAD] =	sst s3  }
0xc: {  	[smem:$0x3FAE] =	sst s4  }
0xd: {  	[smem:$0x3FAF] =	sst s5  }
0xe: {  	[smem:$0x3FB0] =	sst s6  }
0xf: {  	[smem:$0x3FB1] =	sst s7  }
0x10: {  	[smem:$0x3FB2] =	sst s8  }
0x11: {  	[smem:$0x3FB3] =	sst s9;
	s0 =	simm.s32 @!p0 $0x0  }
0x12: {  	s1 =	sld [smem:$0x3F99];
	s0 =	simm.s32 @p0 $0x1  }
0x13: {  	[smem:$0x3FB4] =	sst s0;
	s0 =	simm.s32 @!p1 $0x0  }
0x14: {  	s2 =	sld [smem:$0x3F98];
	s0 =	simm.s32 @p1 $0x1  }
0x15: {  	[smem:$0x3FB5] =	sst s0;
	s0 =	simm.s32 @!p2 $0x0  }
0x16: {  	s3 =	sld [smem:$0x3FDB];
	s0 =	simm.s32 @p2 $0x1  }
0x17: {  	s4 =	simm.s32 $0x1BF5;
	[smem:$0x3FB7] =	sst s0  }
0x18: {  	s0 =	sld [smem:$0x3F9A];
	_ =	swait.ge [sflag:s4], $0x0  }
0x19: {  	s7 =	sld [smem:$0x3F9B]  }
0x1a: {  	s8 =	sadd.s32 $0xFFFFE003, lr  }
0x1b: {  	s9 =	sadd.s32 $0xFFFFFEF7, lr;
	s5 =	simm.s32 $0xFFFFFFFF;
	p2 =	slt.u32 s8, $0xFFFFF086  }
0x1c: {  	p1 =	slt.u32 s9, $0xF7A;
	s5 =	simm.s32 @!p2 $0x0  }
0x1d: {  	s5 =	simm.s32 @p1 $0x1;
	p0 =	seq.s32 s7, s2  }
0x1e: {  	s7 =	smul.u32 @!p0 $0xF7A, s2;
	p2 =	seq.s32 @!p0 s5, $0x0  }
0x1f: {  	s9 =	smul.u32 $0xF7A, s1;
	s8 =	simm.s32 @!p0 $0x1BF5;
	p2 =	por !p2, p0  }
0x20: {  	[sflag:s8] =	ssyncset.s32 @!p0 $0xFFFFF086;
	s6 =	sadd.s32 @!p0 s3, s7;
	s7 =	simm.s32 @!p0 $0x108  }
0x21: {  	s3 =	sadd.s32 s3, s9;
	s6 =	sadd.s32 @!p0 $0x88, s6;
	s7 =	simm.s32 @p2 $0x1082  }
0x22: {  	[simem:s7], [sflag:s8] =	dma.local @!p0 [hbm:s6], $0xF7A  }
0x23: {  	s9 =	sor.u32 $0xD0000000, s2;
	s6 =	simm.s32 $0x108;
	_ =	swait.ge @!p0 [sflag:s8], $0x0  }
0x24: {  	s3 =	sadd.s32 $0x88, s3;
	s6 =	simm.s32 @!p1 $0x1082;
	[sflag:s4] =	ssyncset.s32 $0xFFFFF086  }
0x25: {  	[simem:s6], [sflag:s4] =	dma.local [hbm:s3], $0xF7A  }
0x26: {  	[smem:$0x3F9B] =	sst s1;
	(tag) =	ssettag s2;
	_ =	strace s9  }
0x27: {  	s1 =	sld [smem:$0x3FAB]  }
0x28: {  	s2 =	sld [smem:$0x3FAC]  }
0x29: {  	s4 =	sld [smem:$0x3FAE]  }
0x2a: {  	p0 =	seq.s32 s5, $0x0;
	s5 =	sld [smem:$0x3FAF]  }
0x2b: {  	s6 =	sld [smem:$0x3FB0]  }
0x2c: {  	s7 =	sld [smem:$0x3FB1]  }
0x2d: {  	s3 =	simm.s32 $0x108;
	s8 =	sld [smem:$0x3FB2]  }
0x2e: {  	s3 =	simm.s32 @!p0 $0x1082;
	s9 =	sld [smem:$0x3FB3]  }
0x2f: {  	lr =	sadd.s32 s0, s3;
	s0 =	sld [smem:$0x3FAA]  }
0x30: {  	s3 =	sld [smem:$0x3FAD]  }
0x31: {  	[smem:$0x3FB6] =	sst s10  }
0x32: {  	s10 =	sld [smem:$0x3FB4];
	_ =	sdelay $0x3  }
0x33: {  	p0 =	seq.s32 s10, $0x1;
	s10 =	sld [smem:$0x3FB6];
	_ =	sdelay $0x3  }
0x34: {  	[smem:$0x3FB6] =	sst s10  }
0x35: {  	s10 =	sld [smem:$0x3FB5];
	_ =	sdelay $0x3  }
0x36: {  	p1 =	seq.s32 s10, $0x1;
	s10 =	sld [smem:$0x3FB6];
	_ =	sdelay $0x3  }
0x37: {  	[smem:$0x3FB6] =	sst s10  }
0x38: {  	s10 =	sld [smem:$0x3FB7]  }
0x39: {  	_ = 	snop;
	(pc) =	sbr.ind lr, $3  }
0x3a: {  	_ = 	snop  }
0x3b: {  	_ = 	snop  }
0x3c: {  	p2 =	seq.s32 s10, $0x1;
	s10 =	sld [smem:$0x3FB6]  }
0x3d: {  	_ =	shalt  }
0x3e: {  	_ =	shalt  }
0x3f: {  	_ =	shalt  }
0x40: {  	_ =	shalt  }
0x41: {  	_ =	shalt  }
0x42: {  	_ =	shalt  }
0x43: {  	_ =	shalt  }
0x44: {  	_ =	shalt  }
0x45: {  	_ =	shalt  }
0x46: {  	_ =	shalt  }
0x47: {  	_ =	shalt  }
0x48: {  	_ =	shalt  }
0x49: {  	_ =	shalt  }
0x4a: {  	_ =	shalt  }
0x4b: {  	_ =	shalt  }
0x4c: {  	_ =	shalt  }
0x4d: {  	_ =	shalt  }
0x4e: {  	_ =	shalt  }
0x4f: {  	_ =	shalt  }
0x50: {  	_ =	shalt  }
0x51: {  	_ =	shalt  }
0x52: {  	_ =	shalt  }
0x53: {  	_ =	shalt  }
0x54: {  	_ =	shalt  }
0x55: {  	_ =	shalt  }
0x56: {  	_ =	shalt  }
0x57: {  	_ =	shalt  }
0x58: {  	_ =	shalt  }
0x59: {  	_ =	shalt  }
0x5a: {  	_ =	shalt  }
0x5b: {  	_ =	shalt  }
0x5c: {  	_ =	shalt  }
0x5d: {  	_ =	shalt  }
0x5e: {  	_ =	shalt  }
0x5f: {  	_ =	shalt  }
0x60: {  	_ =	shalt  }
0x61: {  	_ =	shalt  }
0x62: {  	_ =	shalt  }
0x63: {  	_ =	shalt  }
0x64: {  	_ =	shalt  }
0x65: {  	_ =	shalt  }
0x66: {  	_ =	shalt  }
0x67: {  	_ =	shalt  }
0x68: {  	_ =	shalt  }
0x69: {  	_ =	shalt  }
0x6a: {  	_ =	shalt  }
0x6b: {  	_ =	shalt  }
0x6c: {  	_ =	shalt  }
0x6d: {  	_ =	shalt  }
0x6e: {  	_ =	shalt  }
0x6f: {  	_ =	shalt  }
0x70: {  	_ =	shalt  }
0x71: {  	_ =	shalt  }
0x72: {  	_ =	shalt  }
0x73: {  	_ =	shalt  }
0x74: {  	_ =	shalt  }
0x75: {  	_ =	shalt  }
0x76: {  	_ =	shalt  }
0x77: {  	_ =	shalt  }
0x78: {  	_ =	shalt  }
0x79: {  	_ =	shalt  }
0x7a: {  	_ =	shalt  }
0x7b: {  	_ =	shalt  }
0x7c: {  	_ =	shalt  }
0x7d: {  	_ =	shalt  }
0x7e: {  	_ =	shalt  }
0x7f: {  	_ =	shalt  }
0x80: {  	_ =	shalt  }
0x81: {  	_ =	shalt  }
0x82: {  	_ =	shalt  }
0x83: {  	_ =	shalt  }
0x84: {  	_ =	shalt  }
0x85: {  	_ =	shalt  }
0x86: {  	_ =	shalt  }
0x87: {  	_ =	shalt  }
.Lfunc_end0:
.L_simem_size_0:
called_computation.2_lowered:
.L_overlay_start_0:
0x88: {  	s2 =	sld [smem:$0x3FD9]  }
0x89: {  	s3 =	sld [smem:$0x3FFE];
	_ =	sdelay $0x1  }
0x8a: {  	s1 =	srdreg.scid  }
0x8b: {  	s0 =	sand.u32 $0x1, s1  }
0x8c: {  	s17 =	sshll.u32 s0, $0xA;
	s2 =	sadd.s32 s3, s2  }
0x8d: {  	s2 =	sadd.s32 s2, s17  }
0x8e: {  	[smem:$0x3FC2] =	sst s2  }
0x8f: {  	_ = 	snop  }
0x90: {  	s2 =	sld [smem:$0x3FD0];
	(tm) =	ssettm $0x1  }
0x91: {  	s18 =	sld [smem:$0x3FFB];
	_ =	sdelay $0x3  }
0x92: {  	_ =	strace s18  }
0x93: {  	s3 =	sld [smem:$0x3FFC];
	_ =	sdelay $0x3  }
0x94: {  	_ =	strace s3  }
0x95: {  	s3 =	sld [smem:$0x3FFD];
	_ =	sdelay $0x3  }
0x96: {  	_ =	strace s3  }
0x97: {  	_ =	strace $0x8FFFFFFF  }
0x98: {  	s19 =	sld [smem:$0x3FDB];
	_ =	sdelay $0x1  }
0x99: {  	s4 =	simm.s32 $_scs_section_size  }
0x9a: {  	s5 =	simm.s32 $_size__tile_overlayer_lowered;
	s6 =	simm.s32 $_tile_overlayer_lowered  }
0x9b: {  	s22 =	simm.s32 $0x1BFF;
	s21 =	sshll.u32 s6, $0x1;
	s3 =	sadd.s32 s4, s19  }
0x9c: {  	s7 =	simm.s32 $0x0;
	s20 =	sshll.u32 s5, $0x1;
	s5 =	sadd.s32 s21, s3  }
0x9d: {  	[timem:s7], [sflag:s22] =	dma.local [hbm:s5], s20  }
0x9e: {  	_ =	swait.ge [sflag:s22], s20  }
0x9f: {  	s4 =	ssub.s32 $0x0, s20;
	[sflag:s22] =	ssyncset.done $0x0  }
0xa0: {  	[sflag:s22] =	ssyncadd.s32 s4;
	_ =	sdelay $0x1  }
0xa1: {  	s23 =	simm.s32 $0x1B8B  }
0xa2: {  	_ =	swait.ge [sflag:s23], $0x1  }
0xa3: {  	[sflag:s23] =	ssyncset.done $0x0  }
0xa4: {  	s25 =	simm.s32 $0x1B8E;
	s24 =	sld [smem:$0x3FFE];
	[sflag:s23] =	ssyncadd.s32 $0xFFFFFFFF  }
0xa5: {  	s26 =	simm.s32 $execute0_lowered;
	[smem:$0x3FD2] =	sst s25  }
0xa6: {  	s5 =	sshll.u32 s26, $0x1;
	_ =	strace $0x8000004C;
	[dreg:$0x1] =	wrdreg $0xFFFFFFFF  }
0xa7: {  	s28 =	simm.s32 $_size_execute0_lowered;
	s3 =	sadd.s32 s3, s5;
	[dreg:$0x0] =	wrdreg $0x0  }
0xa8: {  	s5 =	sshll.u32 s28, $0x1;
	[dreg:$0x2] =	wrdreg s3  }
0xa9: {  	[dreg:$0x3] =	wrdreg s5  }
0xaa: {  	[dreg:$0x4] =	wrdreg $0xC0  }
0xab: {  	_ =	task [dreg:s7], $0x5FFFF  }
0xac: {  	[dreg:$0x1] =	wrdreg $0xFFFFFFFF  }
0xad: {  	[dreg:$0x0] =	wrdreg $0x60  }
0xae: {  	[dreg:$0x2] =	wrdreg s24  }
0xaf: {  	[dreg:$0x3] =	wrdreg s2  }
0xb0: {  	[dreg:$0x4] =	wrdreg $0xC1800  }
0xb1: {  	[dreg:$0x5] =	wrdreg $0x9  }
0xb2: {  	_ =	task.clear_ibuf [dreg:s7], $0x6FFFF;
	_ =	strace $0x9000004C  }
0xb3: {  	s29 =	simm.s32 $0x9;
	_ =	strace $0x8000004E  }
0xb4: {  	_ =	swait.ge [sflag:s29], $0x1  }
0xb5: {  	[sflag:s29] =	ssyncadd.s32 $0xFFFFFFFF  }
0xb6: {  	_ =	strace $0x9000004E  }
0xb7: {  	_ =	sfence  }
0xb8: {  	s30 =	sld [smem:$0x0];
	_ =	sdelay $0x2  }
0xb9: {  	s31 =	sshll.u32 s1, $0xD;
	s1 =	sshrl.u32 s1, $0x2  }
0xba: {  	s3 =	sand.u32 $0x4000, s31;
	s1 =	sadd.s32 s1, s30  }
0xbb: {  	s0 =	sor.u32 s3, s0;
	s1 =	sshll.u32 s1, $0x11  }
0xbc: {  	s0 =	sor.u32 s1, s0  }
0xbd: {  	s0 =	sadd.s32 $0x8F2B, s0  }
0xbe: {  	[sflag:s0] =	ssyncadd.remote.s32 $0x1  }
0xbf: {  	_ =	sfence.sel $0xFFFF  }
0xc0: {  	[dreg:$0x0] =	wrdreg $0xFFFFFFFF;
	(pc) =	sbr.abs _section_cstart, $3  }
0xc1: {  	[dreg:$0x1] =	wrdreg $0xFFFFFFFF  }
0xc2: {  	_ =	task.clear_ibuf [dreg:s7], $0x2FFFF;
	_ =	strace $0x9FFFFFFF  }
0xc3: {  	(tm) =	ssettm $0x7FFFFFFF  }
tec
execute0_lowered:
.L_overlay_start_1:
0x0: {  	(tag) =	ssettag $0x1  }
0x1: {  	s0 =	rddreg [dreg:$0x0]  }
0x2: {  	s1 =	rddreg [dreg:$0x1]  }
0x3: {  	s3 =	srdreg.scid;
	s11 =	stileid.u32  }
0x4: {  	s2 =	rddreg [dreg:$0x2];
	s6 =	smul.u32 $0x1F400, s11  }
0x5: {  	s21 =	simm.s32 $0x180;
	s28 =	simm.s32 $0x1;
	s7 =	smul.u32 $0x7D000, s11  }
0x6: {  	s29 =	simm.s32 $0x7;
	s30 =	simm.s32 $0x0;
	s9 =	smul.u32 $0xB8000, s11  }
0x7: {  	s5 =	sand.u32 $0x1, s3;
	s3 =	simm.s32 $0x0;
	s24 =	smul.u32 $0x1700, s11  }
0x8: {  	p0 =	slt.u32 s11, $0xE;
	s16 =	sadd.s32 $0x3E80, s1;
	s4 =	smul.u32 $0x138800, s5  }
0x9: {  	[smem:$0x7FF] =	sst s3;
	s23 =	ssub.s32 $0x2, s5;
	s5 =	smul.u32 $0xBB8000, s5  }
0xa: {  	_ =	strace $0x8000004D;
	s8 =	sshrl.u32 s23, $0x1;
	s7 =	sshrl.u32 s7, $0x2  }
0xb: {  	s10 =	sshrl.u32 s24, $0x3;
	s6 =	sadd.s32 s6, s4;
	s4 =	sadd.s32 $0x485E00, s0  }
0xc: {  	s20 =	sadd.s32 s7, s2;
	s7 =	smul.u32 $0x2E, s11;
	s9 =	sadd.s32 s9, s5  }
0xd: {  	s14 =	sadd.s32 s1, s10;
	s6 =	sshrl.u32 s6, $0x3;
	s9 =	sshrl.u32 s9, $0x3  }
0xe: {  	s10 =	sadd.s32 $0x3E80, s14;
	s12 =	sadd.s32 $0x3E90, s14;
	s14 =	sadd.s32 $0x3EA0, s14  }
0xf: {  	s0 =	sadd.s32 s6, s0;
	s6 =	ssub.s32 s23, s8;
	s8 =	simm.s32 $0x2F  }
0x10: {  	s9 =	sadd.s32 s4, s9;
	[dreg:$0x7] =	wrdreg s10;
	s23 =	simm.s32 $0x80  }
0x11: {  	s25 =	sadd.s32 $0x1A00, s0;
	s8 =	simm.s32 @!p0 $0x2E;
	s26 =	sadd.s32 $0x800, s9  }
0x12: {  	s13 =	sadd.s32 $0x1000, s9;
	p0 =	sgt.u32 s11, $0x9;
	[dreg:$0x6] =	wrdreg s25  }
0x13: {  	s17 =	sadd.s32 $0x4FC00, s0;
	s18 =	smax.u32 s6, $0x1;
	[dreg:$0x8] =	wrdreg s26  }
0x14: {  	s15 =	sadd.s32 $0xFFFFFFFF, s8;
	s31 =	sadd.s32 $0xFFFFFFFE, s8;
	s0 =	sshll.u32 @!p0 s11, $0x6  }
0x15: {  	s20 =	sshrl.u32 @!p0 s20, $0x3;
	s26 =	simm.s32 $0x4;
	[dreg:$0x4] =	wrdreg s15  }
0x16: {  	[dreg:$0x5] =	wrdreg s31;
	s15 =	sor.u32 $0x2E0, s11;
	s19 =	sor.u32 @!p0 $0x1C07, s0  }
.LBB2_1:
0x17: {  	s0 =	rddreg [dreg:$0x6]  }
0x18: {  	[spmem:s20], [sflag:s19] =	dma.local @!p0 [hbm:s0], $0x3E80  }
0x19: {  	s0 =	simm.s32 @!p0 $0x7  }
0x1a: {  	_ =	swait.ge @!p0 [sflag:s0], $0x3E80  }
0x1b: {  	[sflag:s0] =	ssyncset.done @!p0 $0x0  }
0x1c: {  	[sflag:s0] =	ssyncadd.s32 @!p0 $0xFFFFC180  }
0x1d: {  	[bflag:$0x0] =	sbarrier.arrive $0xFFFF  }
0x1e: {  	[tilespmem:s21], [sflag:$0x4] =	stream.linear.gather [hbm4b:s9+s3], $0x4000, $0x38;
	[tilespmem:$0x1FA00] =	vst v63  }
0x1f: {  	s10 =	rddreg [dreg:$0x7]  }
0x20: {  	[tilespmem:s3], [sflag:$0x1] =	stream.linear.gather [hbm4b:s10+s3], $0x80, $0x38;
	[tilespmem:$0x1FA00] =	vst v63  }
0x21: {  	s1 =	simm.s32 $0x4180;
	s11 =	rddreg [dreg:$0x8]  }
0x22: {  	[tilespmem:s1], [sflag:$0x5] =	stream.linear.gather [hbm4b:s11+s3], $0x4000, $0x38;
	[tilespmem:$0x1FA00] =	vst v63  }
0x23: {  	_ = 	snop  }
0x24: {  	[tilespmem:s23], [sflag:$0x2] =	stream.linear.gather [hbm4b:s12+s3], $0x80, $0x38;
	[tilespmem:$0x1FA00] =	vst v63  }
0x25: {  	s22 =	simm.s32 $0x8180  }
0x26: {  	[tilespmem:s22], [sflag:$0x6] =	stream.linear.gather [hbm4b:s13+s3], $0x4000, $0x38;
	[tilespmem:$0x1FA00] =	vst v63  }
0x27: {  	s24 =	simm.s32 $0x100;
	p1 =	sle.u32 s8, $0x3  }
0x28: {  	[tilespmem:s24], [sflag:$0x3] =	stream.linear.gather [hbm4b:s14+s3], $0x80, $0x38;
	[tilespmem:$0x1FA00] =	vst v63  }
0x29: {  	p2 =	por @!p1 $0x0, $0x0;
	_ =	swait.ge [sflag:s26], $0x4000  }
0x2a: {  	p2 =	por !p2, p1;
	s0 =	sadd.s32 @!p1 $0x0, s7;
	[sflag:s26] =	ssyncset.done $0x0  }
0x2b: {  	s0 =	sadd.s32 @!p1 $0x3, s0;
	s1 =	smov.u32 s15;
	[sflag:s26] =	ssyncadd.s32 $0xFFFFC000  }
0x2c: {  	s1 =	smov.u32 @p2 s0;
	_ =	swait.ge [sflag:s28], $0x80  }
0x2d: {  	s0 =	sshll.u32 @!p1 s1, $0xE;
	[sflag:s28] =	ssyncset.done $0x0  }
0x2e: {  	s0 =	sadd.s32 @!p1 s5, s0;
	[sflag:s28] =	ssyncadd.s32 $0xFFFFFF80  }
0x2f: {  	[spmem:s2] =	stream.indirect.scatter.add.f32 [tilespmem:s21], [sflag:$0x7], $0x80, s3, s23, $0xb8;
	[tilespmem:$0x1FA00] =	vst v63  }
0x30: {  	s1 =	sshll.u32 @!p1 s1, $0x4;
	s0 =	sshrl.u32 @!p1 s0, $0x3;
	_ =	swait.ge [sflag:s29], $0x4000  }
0x31: {  	s22 =	simm.s32 @!p1 $0x0;
	s0 =	sadd.s32 @!p1 s4, s0;
	[sflag:s29] =	ssyncset.done $0x0  }
0x32: {  	s24 =	simm.s32 @!p1 $0x180;
	s6 =	rddreg [dreg:$0x4];
	[sflag:s29] =	ssyncadd.s32 $0xFFFFC000  }
0x33: {  	[tilespmem:s24], [sflag:$0x4] =	stream.linear.gather @!p1 [hbm4b:s0+s22], $0x4000, $0x38;
	[tilespmem:$0x1FA00] =	vst v63  }
0x34: {  	p2 =	sle.u32 s6, $0x0;
	s0 =	sadd.s32 @!p1 s1, s16  }
0x35: {  	[tilespmem:s22], [sflag:$0x1] =	stream.linear.gather @!p1 [hbm4b:s0+s22], $0x80, $0x38;
	[tilespmem:$0x1FA00] =	vst v63  }
0x36: {  	s31 =	simm.s32 $0x3;
	p3 =	sle.u32 @!p2 s8, $0x4;
	s0 =	simm.s32 @!p2 $0x5  }
0x37: {  	s6 =	simm.s32 @!p2 $0x2;
	p1 =	por p3, p2;
	_ =	swait.ge @!p2 [sflag:s0], $0x4000  }
0x38: {  	s24 =	smov.u32 s15;
	p4 =	por @!p1 $0x1, $0x1;
	[sflag:s0] =	ssyncset.done @!p2 $0x0  }
0x39: {  	p3 =	por @!p2 !p4, p3;
	[sflag:s0] =	ssyncadd.s32 @!p2 $0xFFFFC000;
	s0 =	sadd.s32 @!p1 $0x0, s7  }
0x3a: {  	p3 =	por !p3, p2;
	_ =	swait.ge @!p2 [sflag:s6], $0x80;
	s0 =	sadd.s32 @!p1 $0x4, s0  }
0x3b: {  	s22 =	simm.s32 @!p2 $0x4180;
	[sflag:s6] =	ssyncset.done @!p2 $0x0;
	s24 =	smov.u32 @p3 s0  }
0x3c: {  	[sflag:s6] =	ssyncadd.s32 @!p2 $0xFFFFFF80;
	s6 =	simm.s32 @!p2 $0x80;
	s0 =	sshll.u32 @!p1 s24, $0xE  }
0x3d: {  	[spmem:s2] =	stream.indirect.scatter.add.f32 @!p2 [tilespmem:s22], [sflag:$0x7], $0x80, s6, s6, $0xb8;
	[tilespmem:$0x1FA00] =	vst v63  }
0x3e: {  	s1 =	simm.s32 @!p2 $0x7;
	s6 =	sshll.u32 @!p1 s24, $0x4;
	s0 =	sadd.s32 @!p1 s5, s0  }
0x3f: {  	s24 =	simm.s32 @!p1 $0x4180;
	s22 =	smov.u32 s15;
	_ =	swait.ge @!p2 [sflag:s1], $0x4000  }
0x40: {  	s0 =	sshrl.u32 @!p1 s0, $0x3;
	[sflag:s1] =	ssyncset.done @!p2 $0x0;
	s25 =	rddreg [dreg:$0x5]  }
0x41: {  	s0 =	sadd.s32 @!p1 s4, s0;
	[sflag:s1] =	ssyncadd.s32 @!p2 $0xFFFFC000;
	s1 =	simm.s32 @!p1 $0x0  }
0x42: {  	[tilespmem:s24], [sflag:$0x5] =	stream.linear.gather @!p1 [hbm4b:s0+s1], $0x4000, $0x38;
	[tilespmem:$0x1FA00] =	vst v63  }
0x43: {  	p2 =	sle.u32 s25, $0x0;
	s0 =	sadd.s32 @!p1 s6, s16;
	s6 =	simm.s32 @!p1 $0x80  }
0x44: {  	[tilespmem:s6], [sflag:$0x2] =	stream.linear.gather @!p1 [hbm4b:s0+s1], $0x80, $0x38;
	[tilespmem:$0x1FA00] =	vst v63  }
0x45: {  	s24 =	simm.s32 @!p2 $0x7;
	s25 =	simm.s32 @!p2 $0x8180;
	s1 =	simm.s32 @!p2 $0x6  }
0x46: {  	s0 =	simm.s32 $0x1;
	p1 =	sle.u32 @!p2 s8, $0x5;
	_ =	swait.ge @!p2 [sflag:s1], $0x4000  }
0x47: {  	s6 =	simm.s32 @!p2 $0x3;
	p3 =	por p1, p2;
	[sflag:s1] =	ssyncset.done @!p2 $0x0  }
0x48: {  	p4 =	por @!p3 $0x1, $0x1;
	[sflag:s1] =	ssyncadd.s32 @!p2 $0xFFFFC000;
	s1 =	sadd.s32 @!p3 $0x0, s7  }
0x49: {  	p1 =	por @!p2 !p4, p1;
	_ =	swait.ge @!p2 [sflag:s6], $0x80;
	s10 =	sadd.s32 @!p3 $0x5, s1  }
0x4a: {  	p1 =	por !p1, p2;
	s1 =	simm.s32 @!p2 $0x100;
	[sflag:s6] =	ssyncset.done @!p2 $0x0  }
0x4b: {  	s22 =	smov.u32 @p1 s10;
	[sflag:s6] =	ssyncadd.s32 @!p2 $0xFFFFFF80;
	s6 =	simm.s32 @!p2 $0x80  }
.LBB2_2:
0x4c: {  	[spmem:s2] =	stream.indirect.scatter.add.f32 @!p2 [tilespmem:s25], [sflag:$0x7], $0x80, s1, s6, $0xb8;
	[tilespmem:$0x1FA00] =	vst v63  }
0x4d: {  	s6 =	sshll.u32 @!p3 s22, $0xE  }
0x4e: {  	s10 =	simm.s32 @!p3 $0x8180;
	_ =	swait.ge @!p2 [sflag:s24], $0x4000;
	s6 =	sadd.s32 @!p3 s5, s6  }
0x4f: {  	s22 =	sshll.u32 @!p3 s22, $0x4;
	[sflag:s24] =	ssyncset.done @!p2 $0x0;
	s6 =	sshrl.u32 @!p3 s6, $0x3  }
0x50: {  	[sflag:s24] =	ssyncadd.s32 @!p2 $0xFFFFC000;
	s6 =	sadd.s32 @!p3 s4, s6;
	s24 =	simm.s32 @!p3 $0x0  }
0x51: {  	[tilespmem:s10], [sflag:$0x6] =	stream.linear.gather @!p3 [hbm4b:s6+s24], $0x4000, $0x38;
	[tilespmem:$0x1FA00] =	vst v63  }
0x52: {  	s6 =	sadd.s32 @!p3 s22, s16;
	s10 =	simm.s32 @!p3 $0x100  }
0x53: {  	[tilespmem:s10], [sflag:$0x3] =	stream.linear.gather @!p3 [hbm4b:s6+s24], $0x80, $0x38;
	[tilespmem:$0x1FA00] =	vst v63  }
0x54: {  	s1 =	smov.u32 s31;
	s31 =	sadd.s32 $0x3, s31;
	_ =	swait.ge [sflag:s26], $0x4000  }
0x55: {  	p3 =	sge.u32 s31, s8;
	s10 =	smov.u32 s15;
	[sflag:s26] =	ssyncset.done $0x0  }
0x56: {  	p2 =	seq.s32 @!p3 s1, $0x2D;
	s6 =	sadd.s32 @!p3 s1, s7;
	[sflag:s26] =	ssyncadd.s32 $0xFFFFC000  }
0x57: {  	s6 =	sadd.s32 @!p3 $0x3, s6;
	p2 =	por !p2, p3;
	_ =	swait.ge [sflag:s28], $0x80  }
0x58: {  	s10 =	smov.u32 @p2 s6;
	[sflag:s28] =	ssyncset.done $0x0  }
0x59: {  	s25 =	simm.s32 @!p3 $0x0;
	s6 =	sshll.u32 @!p3 s10, $0xE;
	[sflag:s28] =	ssyncadd.s32 $0xFFFFFF80  }
0x5a: {  	[spmem:s2] =	stream.indirect.scatter.add.f32 [tilespmem:s21], [sflag:$0x7], $0x80, s3, s23, $0xb8;
	[tilespmem:$0x1FA00] =	vst v63  }
0x5b: {  	s11 =	simm.s32 @!p3 $0x180;
	s6 =	sadd.s32 @!p3 s5, s6;
	_ =	swait.ge [sflag:s29], $0x4000  }
0x5c: {  	s10 =	sshll.u32 @!p3 s10, $0x4;
	s6 =	sshrl.u32 @!p3 s6, $0x3;
	[sflag:s29] =	ssyncset.done $0x0  }
0x5d: {  	s6 =	sadd.s32 @!p3 s4, s6;
	s24 =	rddreg [dreg:$0x4];
	[sflag:s29] =	ssyncadd.s32 $0xFFFFC000  }
0x5e: {  	[tilespmem:s11], [sflag:$0x4] =	stream.linear.gather @!p3 [hbm4b:s6+s25], $0x4000, $0x38;
	[tilespmem:$0x1FA00] =	vst v63  }
0x5f: {  	p1 =	sne.s32 s31, $0x30;
	s10 =	sadd.s32 @!p3 s10, s16;
	p2 =	sge.u32 s1, s24  }
0x60: {  	[tilespmem:s25], [sflag:$0x1] =	stream.linear.gather @!p3 [hbm4b:s10+s25], $0x80, $0x38;
	[tilespmem:$0x1FA00] =	vst v63  }
0x61: {  	s22 =	smov.u32 s0;
	s6 =	simm.s32 @!p2 $0x5;
	s10 =	sadd.s32 @!p2 $0x4, s1  }
0x62: {  	s24 =	simm.s32 @!p2 $0x4180;
	_ =	swait.ge @!p2 [sflag:s6], $0x4000;
	p4 =	sge.u32 @!p2 s10, s8  }
0x63: {  	s25 =	smov.u32 s15;
	[sflag:s6] =	ssyncset.done @!p2 $0x0;
	p3 =	por p4, p2  }
0x64: {  	s10 =	simm.s32 @!p2 $0x2;
	[sflag:s6] =	ssyncadd.s32 @!p2 $0xFFFFC000;
	p5 =	slt.u32 @!p3 s0, $0xE  }
0x65: {  	s6 =	sadd.s32 @!p3 s1, s7;
	_ =	swait.ge @!p2 [sflag:s10], $0x80;
	p4 =	por @!p2 !p5, p4  }
0x66: {  	s6 =	sadd.s32 @!p3 $0x4, s6;
	[sflag:s10] =	ssyncset.done @!p2 $0x0;
	p4 =	por !p4, p2  }
0x67: {  	[sflag:s10] =	ssyncadd.s32 @!p2 $0xFFFFFF80;
	s10 =	simm.s32 @!p2 $0x80;
	s25 =	smov.u32 @p4 s6  }
0x68: {  	[spmem:s2] =	stream.indirect.scatter.add.f32 @!p2 [tilespmem:s24], [sflag:$0x7], $0x80, s10, s10, $0xb8;
	[tilespmem:$0x1FA00] =	vst v63  }
0x69: {  	s11 =	simm.s32 @!p2 $0x7;
	s6 =	sshll.u32 @!p3 s25, $0xE;
	s10 =	sshll.u32 @!p3 s25, $0x4  }
0x6a: {  	s25 =	simm.s32 @!p3 $0x4180;
	_ =	swait.ge @!p2 [sflag:s11], $0x4000;
	s6 =	sadd.s32 @!p3 s5, s6  }
0x6b: {  	[sflag:s11] =	ssyncset.done @!p2 $0x0;
	s24 =	rddreg [dreg:$0x5];
	s6 =	sshrl.u32 @!p3 s6, $0x3  }
0x6c: {  	[sflag:s11] =	ssyncadd.s32 @!p2 $0xFFFFC000;
	s6 =	sadd.s32 @!p3 s4, s6;
	s11 =	simm.s32 @!p3 $0x0  }
0x6d: {  	[tilespmem:s25], [sflag:$0x5] =	stream.linear.gather @!p3 [hbm4b:s6+s11], $0x4000, $0x38;
	[tilespmem:$0x1FA00] =	vst v63  }
0x6e: {  	s10 =	sadd.s32 @!p3 s10, s16;
	p2 =	sge.u32 s1, s24;
	s6 =	simm.s32 @!p3 $0x80  }
0x6f: {  	[tilespmem:s6], [sflag:$0x2] =	stream.linear.gather @!p3 [hbm4b:s10+s11], $0x80, $0x38;
	[tilespmem:$0x1FA00] =	vst v63  }
0x70: {  	s0 =	sadd.s32 $0x1, s0;
	s24 =	simm.s32 @!p2 $0x7;
	s6 =	simm.s32 @!p2 $0x6  }
0x71: {  	s25 =	simm.s32 @!p2 $0x8180;
	s10 =	sadd.s32 @!p2 $0x5, s1;
	_ =	swait.ge @!p2 [sflag:s6], $0x4000  }
0x72: {  	p4 =	sge.u32 @!p2 s10, s8;
	s10 =	simm.s32 @!p2 $0x3;
	[sflag:s6] =	ssyncset.done @!p2 $0x0  }
.Ltmp0:
0x73: {  	p3 =	por p4, p2;
	[sflag:s6] =	ssyncadd.s32 @!p2 $0xFFFFC000;
	(pc) =	sbr.rel @p1 .LBB2_2-.Ltmp0, $4  }
0x74: {  	p5 =	slt.u32 @!p3 s22, $0xE;
	s1 =	sadd.s32 @!p3 s1, s7;
	s6 =	simm.s32 @!p2 $0x80  }
0x75: {  	s22 =	smov.u32 s15;
	_ =	swait.ge @!p2 [sflag:s10], $0x80;
	p4 =	por @!p2 !p5, p4  }
0x76: {  	s11 =	sadd.s32 @!p3 $0x5, s1;
	[sflag:s10] =	ssyncset.done @!p2 $0x0;
	p4 =	por !p4, p2  }
0x77: {  	s1 =	simm.s32 @!p2 $0x100;
	[sflag:s10] =	ssyncadd.s32 @!p2 $0xFFFFFF80;
	s22 =	smov.u32 @p4 s11  }
0x78: {  	[spmem:s2] =	stream.indirect.scatter.add.f32 @!p2 [tilespmem:s25], [sflag:$0x7], $0x80, s1, s6, $0xb8;
	[tilespmem:$0x1FA00] =	vst v63  }
0x79: {  	s0 =	sshll.u32 @!p3 s22, $0xE;
	s1 =	simm.s32 @!p3 $0x8180  }
0x7a: {  	s6 =	simm.s32 @!p3 $0x0;
	_ =	swait.ge @!p2 [sflag:s24], $0x4000;
	s0 =	sadd.s32 @!p3 s5, s0  }
0x7b: {  	s10 =	sshll.u32 @!p3 s22, $0x4;
	[sflag:s24] =	ssyncset.done @!p2 $0x0;
	s0 =	sshrl.u32 @!p3 s0, $0x3  }
0x7c: {  	s30 =	sadd.s32 $0x1, s30;
	[sflag:s24] =	ssyncadd.s32 @!p2 $0xFFFFC000;
	s0 =	sadd.s32 @!p3 s4, s0  }
0x7d: {  	[tilespmem:s1], [sflag:$0x6] =	stream.linear.gather @!p3 [hbm4b:s0+s6], $0x4000, $0x38;
	[tilespmem:$0x1FA00] =	vst v63  }
0x7e: {  	p1 =	sne.s32 s30, s18;
	s0 =	sadd.s32 @!p3 s10, s16;
	s1 =	simm.s32 @!p3 $0x100  }
0x7f: {  	[tilespmem:s1], [sflag:$0x3] =	stream.linear.gather @!p3 [hbm4b:s0+s6], $0x80, $0x38;
	[tilespmem:$0x1FA00] =	vst v63  }
.Ltmp1:
0x80: {  	s0 =	simm.s32 @!p0 $0x7;
	[bflag:$0x0] =	sbarrier.arrive $0xFFFF;
	(pc) =	sbr.rel @p1 .LBB2_1-.Ltmp1, $4  }
0x81: {  	[hbm:s17], [sflag:s19] =	dma.local @!p0 [spmem:s20], $0x3E80  }
0x82: {  	_ =	swait.ge @!p0 [sflag:s0], $0x3E80  }
0x83: {  	[sflag:s0] =	ssyncset.done @!p0 $0x0  }
0x84: {  	[sflag:s0] =	ssyncadd.s32 @!p0 $0xFFFFC180  }
0x85: {  	_ =	sfence.sel $0x180000  }
0x86: {  	[bflag:$0x0] =	sbarrier.arrive $0xFFFF  }
0x87: {  	_ =	strace $0x9000004D  }
0x88: {  	s0 =	stileid.u32;
	[bflag:$0x2] =	sbarrier.arrive $0xFFFF  }
0x89: {  	p0 =	sne.s32 s0, $0x0;
	s0 =	rddreg [dreg:$0x3]  }
0x8a: {  	s0 =	sadd.s32 @!p0 $0x100000, s0  }
0x8b: {  	[sflag:s0] =	ssyncadd.tile.s32 @!p0 $0x1;
	_ =	shalt  }
.Lfunc_end2:
_tile_overlayer_lowered:
.L_overlay_start_2:
0x8c: {  	(tag) =	ssettag $0x2  }
0x8d: {  	s0 =	rddreg [dreg:$0x0];
	s2 =	stileid.u32  }
0x8e: {  	s1 =	rddreg [dreg:$0x1];
	p0 =	sne.s32 s2, $0x0  }
0x8f: {  	s3 =	rddreg [dreg:$0x2];
	[bflag:$0x3] =	sbarrier.arrive $0xFFFF;
	s2 =	simm.s32 @!p0 $0x1C07  }
0x90: {  	[timem:s3], [sflag:s2] =	dma.local @!p0 [hbm:s0], s1  }
0x91: {  	s0 =	simm.s32 @!p0 $0x7  }
0x92: {  	_ =	swait.ge @!p0 [sflag:s0], s1  }
0x93: {  	s1 =	ssub.s32 @!p0 $0x0, s1;
	[sflag:s0] =	ssyncset.done @!p0 $0x0  }
0x94: {  	[sflag:s0] =	ssyncadd.s32 @!p0 s1  }
0x95: {  	[bflag:$0x3] =	sbarrier.arrive $0xFFFF  }
0x96: {  	_ =	shalt  }

// kernel: kernel.20.cloned.1.call-start
scs
__scs_entry_jumppad:
0x0: {  	(pc) =	sbr.rel $0x88, $3  }
0x1: {  	(tag) =	ssettag $0x0;
	lr =	simm.s32 $0x1  }
0x2: {  	[smem:$0x3F9B] =	sst lr;
	_ =	strace $0xD0000000  }
0x3: {  	_ = 	snop  }
0x4: {  	_ = 	snop  }
0x5: {  	_ = 	snop  }
0x6: {  	_ = 	snop  }
0x7: {  	_ = 	snop  }
__scs_overlays_trampoline_lowered:
0x8: {  	[smem:$0x3FAA] =	sst s0  }
0x9: {  	[smem:$0x3FAB] =	sst s1  }
0xa: {  	[smem:$0x3FAC] =	sst s2  }
0xb: {  	[smem:$0x3FAD] =	sst s3  }
0xc: {  	[smem:$0x3FAE] =	sst s4  }
0xd: {  	[smem:$0x3FAF] =	sst s5  }
0xe: {  	[smem:$0x3FB0] =	sst s6  }
0xf: {  	[smem:$0x3FB1] =	sst s7  }
0x10: {  	[smem:$0x3FB2] =	sst s8  }
0x11: {  	[smem:$0x3FB3] =	sst s9;
	s0 =	simm.s32 @!p0 $0x0  }
0x12: {  	s1 =	sld [smem:$0x3F99];
	s0 =	simm.s32 @p0 $0x1  }
0x13: {  	[smem:$0x3FB4] =	sst s0;
	s0 =	simm.s32 @!p1 $0x0  }
0x14: {  	s2 =	sld [smem:$0x3F98];
	s0 =	simm.s32 @p1 $0x1  }
0x15: {  	[smem:$0x3FB5] =	sst s0;
	s0 =	simm.s32 @!p2 $0x0  }
0x16: {  	s3 =	sld [smem:$0x3FDB];
	s0 =	simm.s32 @p2 $0x1  }
0x17: {  	s4 =	simm.s32 $0x1BF5;
	[smem:$0x3FB7] =	sst s0  }
0x18: {  	s0 =	sld [smem:$0x3F9A];
	_ =	swait.ge [sflag:s4], $0x0  }
0x19: {  	s7 =	sld [smem:$0x3F9B]  }
0x1a: {  	s8 =	sadd.s32 $0xFFFFE003, lr  }
0x1b: {  	s9 =	sadd.s32 $0xFFFFFEF7, lr;
	s5 =	simm.s32 $0xFFFFFFFF;
	p2 =	slt.u32 s8, $0xFFFFF086  }
0x1c: {  	p1 =	slt.u32 s9, $0xF7A;
	s5 =	simm.s32 @!p2 $0x0  }
0x1d: {  	s5 =	simm.s32 @p1 $0x1;
	p0 =	seq.s32 s7, s2  }
0x1e: {  	s7 =	smul.u32 @!p0 $0xF7A, s2;
	p2 =	seq.s32 @!p0 s5, $0x0  }
0x1f: {  	s9 =	smul.u32 $0xF7A, s1;
	s8 =	simm.s32 @!p0 $0x1BF5;
	p2 =	por !p2, p0  }
0x20: {  	[sflag:s8] =	ssyncset.s32 @!p0 $0xFFFFF086;
	s6 =	sadd.s32 @!p0 s3, s7;
	s7 =	simm.s32 @!p0 $0x108  }
0x21: {  	s3 =	sadd.s32 s3, s9;
	s6 =	sadd.s32 @!p0 $0x88, s6;
	s7 =	simm.s32 @p2 $0x1082  }
0x22: {  	[simem:s7], [sflag:s8] =	dma.local @!p0 [hbm:s6], $0xF7A  }
0x23: {  	s9 =	sor.u32 $0xD0000000, s2;
	s6 =	simm.s32 $0x108;
	_ =	swait.ge @!p0 [sflag:s8], $0x0  }
0x24: {  	s3 =	sadd.s32 $0x88, s3;
	s6 =	simm.s32 @!p1 $0x1082;
	[sflag:s4] =	ssyncset.s32 $0xFFFFF086  }
0x25: {  	[simem:s6], [sflag:s4] =	dma.local [hbm:s3], $0xF7A  }
0x26: {  	[smem:$0x3F9B] =	sst s1;
	(tag) =	ssettag s2;
	_ =	strace s9  }
0x27: {  	s1 =	sld [smem:$0x3FAB]  }
0x28: {  	s2 =	sld [smem:$0x3FAC]  }
0x29: {  	s4 =	sld [smem:$0x3FAE]  }
0x2a: {  	p0 =	seq.s32 s5, $0x0;
	s5 =	sld [smem:$0x3FAF]  }
0x2b: {  	s6 =	sld [smem:$0x3FB0]  }
0x2c: {  	s7 =	sld [smem:$0x3FB1]  }
0x2d: {  	s3 =	simm.s32 $0x108;
	s8 =	sld [smem:$0x3FB2]  }
0x2e: {  	s3 =	simm.s32 @!p0 $0x1082;
	s9 =	sld [smem:$0x3FB3]  }
0x2f: {  	lr =	sadd.s32 s0, s3;
	s0 =	sld [smem:$0x3FAA]  }
0x30: {  	s3 =	sld [smem:$0x3FAD]  }
0x31: {  	[smem:$0x3FB6] =	sst s10  }
0x32: {  	s10 =	sld [smem:$0x3FB4];
	_ =	sdelay $0x3  }
0x33: {  	p0 =	seq.s32 s10, $0x1;
	s10 =	sld [smem:$0x3FB6];
	_ =	sdelay $0x3  }
0x34: {  	[smem:$0x3FB6] =	sst s10  }
0x35: {  	s10 =	sld [smem:$0x3FB5];
	_ =	sdelay $0x3  }
0x36: {  	p1 =	seq.s32 s10, $0x1;
	s10 =	sld [smem:$0x3FB6];
	_ =	sdelay $0x3  }
0x37: {  	[smem:$0x3FB6] =	sst s10  }
0x38: {  	s10 =	sld [smem:$0x3FB7]  }
0x39: {  	_ = 	snop;
	(pc) =	sbr.ind lr, $3  }
0x3a: {  	_ = 	snop  }
0x3b: {  	_ = 	snop  }
0x3c: {  	p2 =	seq.s32 s10, $0x1;
	s10 =	sld [smem:$0x3FB6]  }
0x3d: {  	_ =	shalt  }
0x3e: {  	_ =	shalt  }
0x3f: {  	_ =	shalt  }
0x40: {  	_ =	shalt  }
0x41: {  	_ =	shalt  }
0x42: {  	_ =	shalt  }
0x43: {  	_ =	shalt  }
0x44: {  	_ =	shalt  }
0x45: {  	_ =	shalt  }
0x46: {  	_ =	shalt  }
0x47: {  	_ =	shalt  }
0x48: {  	_ =	shalt  }
0x49: {  	_ =	shalt  }
0x4a: {  	_ =	shalt  }
0x4b: {  	_ =	shalt  }
0x4c: {  	_ =	shalt  }
0x4d: {  	_ =	shalt  }
0x4e: {  	_ =	shalt  }
0x4f: {  	_ =	shalt  }
0x50: {  	_ =	shalt  }
0x51: {  	_ =	shalt  }
0x52: {  	_ =	shalt  }
0x53: {  	_ =	shalt  }
0x54: {  	_ =	shalt  }
0x55: {  	_ =	shalt  }
0x56: {  	_ =	shalt  }
0x57: {  	_ =	shalt  }
0x58: {  	_ =	shalt  }
0x59: {  	_ =	shalt  }
0x5a: {  	_ =	shalt  }
0x5b: {  	_ =	shalt  }
0x5c: {  	_ =	shalt  }
0x5d: {  	_ =	shalt  }
0x5e: {  	_ =	shalt  }
0x5f: {  	_ =	shalt  }
0x60: {  	_ =	shalt  }
0x61: {  	_ =	shalt  }
0x62: {  	_ =	shalt  }
0x63: {  	_ =	shalt  }
0x64: {  	_ =	shalt  }
0x65: {  	_ =	shalt  }
0x66: {  	_ =	shalt  }
0x67: {  	_ =	shalt  }
0x68: {  	_ =	shalt  }
0x69: {  	_ =	shalt  }
0x6a: {  	_ =	shalt  }
0x6b: {  	_ =	shalt  }
0x6c: {  	_ =	shalt  }
0x6d: {  	_ =	shalt  }
0x6e: {  	_ =	shalt  }
0x6f: {  	_ =	shalt  }
0x70: {  	_ =	shalt  }
0x71: {  	_ =	shalt  }
0x72: {  	_ =	shalt  }
0x73: {  	_ =	shalt  }
0x74: {  	_ =	shalt  }
0x75: {  	_ =	shalt  }
0x76: {  	_ =	shalt  }
0x77: {  	_ =	shalt  }
0x78: {  	_ =	shalt  }
0x79: {  	_ =	shalt  }
0x7a: {  	_ =	shalt  }
0x7b: {  	_ =	shalt  }
0x7c: {  	_ =	shalt  }
0x7d: {  	_ =	shalt  }
0x7e: {  	_ =	shalt  }
0x7f: {  	_ =	shalt  }
0x80: {  	_ =	shalt  }
0x81: {  	_ =	shalt  }
0x82: {  	_ =	shalt  }
0x83: {  	_ =	shalt  }
0x84: {  	_ =	shalt  }
0x85: {  	_ =	shalt  }
0x86: {  	_ =	shalt  }
0x87: {  	_ =	shalt  }
.Lfunc_end0:
.L_simem_size_0:
called_computation.3_lowered:
.L_overlay_start_0:
0x88: {  	s2 =	sld [smem:$0x3FD9]  }
0x89: {  	s3 =	sld [smem:$0x3FFE];
	_ =	sdelay $0x1  }
0x8a: {  	s1 =	srdreg.scid  }
0x8b: {  	s0 =	sand.u32 $0x1, s1  }
0x8c: {  	s17 =	sshll.u32 s0, $0xA;
	s2 =	sadd.s32 s3, s2  }
0x8d: {  	s2 =	sadd.s32 s2, s17  }
0x8e: {  	[smem:$0x3FC2] =	sst s2  }
0x8f: {  	_ = 	snop  }
0x90: {  	s2 =	sld [smem:$0x3FD0];
	(tm) =	ssettm $0x1  }
0x91: {  	s18 =	sld [smem:$0x3FFB];
	_ =	sdelay $0x3  }
0x92: {  	_ =	strace s18  }
0x93: {  	s3 =	sld [smem:$0x3FFC];
	_ =	sdelay $0x3  }
0x94: {  	_ =	strace s3  }
0x95: {  	s3 =	sld [smem:$0x3FFD];
	_ =	sdelay $0x3  }
0x96: {  	_ =	strace s3  }
0x97: {  	_ =	strace $0x8FFFFFFF  }
0x98: {  	s19 =	sld [smem:$0x3FDB];
	_ =	sdelay $0x1  }
0x99: {  	s4 =	simm.s32 $_scs_section_size  }
0x9a: {  	s5 =	simm.s32 $_size__tile_overlayer_lowered;
	s6 =	simm.s32 $_tile_overlayer_lowered  }
0x9b: {  	s22 =	simm.s32 $0x1BFF;
	s21 =	sshll.u32 s6, $0x1;
	s3 =	sadd.s32 s4, s19  }
0x9c: {  	s7 =	simm.s32 $0x0;
	s20 =	sshll.u32 s5, $0x1;
	s5 =	sadd.s32 s21, s3  }
0x9d: {  	[timem:s7], [sflag:s22] =	dma.local [hbm:s5], s20  }
0x9e: {  	_ =	swait.ge [sflag:s22], s20  }
0x9f: {  	s4 =	ssub.s32 $0x0, s20;
	[sflag:s22] =	ssyncset.done $0x0  }
0xa0: {  	[sflag:s22] =	ssyncadd.s32 s4;
	_ =	sdelay $0x1  }
0xa1: {  	s23 =	simm.s32 $0x1B8B  }
0xa2: {  	_ =	swait.ge [sflag:s23], $0x1  }
0xa3: {  	[sflag:s23] =	ssyncset.done $0x0  }
0xa4: {  	s25 =	simm.s32 $0x1B8E;
	s24 =	sld [smem:$0x3FFE];
	[sflag:s23] =	ssyncadd.s32 $0xFFFFFFFF  }
0xa5: {  	s26 =	simm.s32 $execute0_lowered;
	[smem:$0x3FD2] =	sst s25  }
0xa6: {  	s5 =	sshll.u32 s26, $0x1;
	_ =	strace $0x8000004F;
	[dreg:$0x1] =	wrdreg $0xFFFFFFFF  }
0xa7: {  	s28 =	simm.s32 $_size_execute0_lowered;
	s3 =	sadd.s32 s3, s5;
	[dreg:$0x0] =	wrdreg $0x0  }
0xa8: {  	s5 =	sshll.u32 s28, $0x1;
	[dreg:$0x2] =	wrdreg s3  }
0xa9: {  	[dreg:$0x3] =	wrdreg s5  }
0xaa: {  	[dreg:$0x4] =	wrdreg $0xC0  }
0xab: {  	_ =	task [dreg:s7], $0x5FFFF  }
0xac: {  	[dreg:$0x1] =	wrdreg $0xFFFFFFFF  }
0xad: {  	[dreg:$0x0] =	wrdreg $0x60  }
0xae: {  	[dreg:$0x2] =	wrdreg s24  }
0xaf: {  	[dreg:$0x3] =	wrdreg s2  }
0xb0: {  	[dreg:$0x4] =	wrdreg $0xC1800  }
0xb1: {  	[dreg:$0x5] =	wrdreg $0x9  }
0xb2: {  	_ =	task.clear_ibuf [dreg:s7], $0x6FFFF;
	_ =	strace $0x9000004F  }
0xb3: {  	s29 =	simm.s32 $0x9;
	_ =	strace $0x80000051  }
0xb4: {  	_ =	swait.ge [sflag:s29], $0x1  }
0xb5: {  	[sflag:s29] =	ssyncadd.s32 $0xFFFFFFFF  }
0xb6: {  	_ =	strace $0x90000051  }
0xb7: {  	_ =	sfence  }
0xb8: {  	s30 =	sld [smem:$0x0];
	_ =	sdelay $0x2  }
0xb9: {  	s31 =	sshll.u32 s1, $0xD;
	s1 =	sshrl.u32 s1, $0x2  }
0xba: {  	s3 =	sand.u32 $0x4000, s31;
	s1 =	sadd.s32 s1, s30  }
0xbb: {  	s0 =	sor.u32 s3, s0;
	s1 =	sshll.u32 s1, $0x11  }
0xbc: {  	s0 =	sor.u32 s1, s0  }
0xbd: {  	s0 =	sadd.s32 $0x8F2B, s0  }
0xbe: {  	[sflag:s0] =	ssyncadd.remote.s32 $0x1  }
0xbf: {  	_ =	sfence.sel $0xFFFF  }
0xc0: {  	[dreg:$0x0] =	wrdreg $0xFFFFFFFF;
	(pc) =	sbr.abs _section_cstart, $3  }
0xc1: {  	[dreg:$0x1] =	wrdreg $0xFFFFFFFF  }
0xc2: {  	_ =	task.clear_ibuf [dreg:s7], $0x2FFFF;
	_ =	strace $0x9FFFFFFF  }
0xc3: {  	(tm) =	ssettm $0x7FFFFFFF  }
tec
execute0_lowered:
.L_overlay_start_1:
0x0: {  	(tag) =	ssettag $0x1  }
0x1: {  	s0 =	rddreg [dreg:$0x0]  }
0x2: {  	s1 =	rddreg [dreg:$0x1]  }
0x3: {  	s3 =	srdreg.scid;
	s11 =	stileid.u32  }
0x4: {  	s2 =	rddreg [dreg:$0x2];
	s6 =	smul.u32 $0x1F400, s11  }
0x5: {  	s21 =	simm.s32 $0x180;
	s28 =	simm.s32 $0x1;
	s7 =	smul.u32 $0x7D000, s11  }
0x6: {  	s29 =	simm.s32 $0x7;
	s30 =	simm.s32 $0x0;
	s9 =	smul.u32 $0xB8000, s11  }
0x7: {  	s5 =	sand.u32 $0x1, s3;
	s3 =	simm.s32 $0x0;
	s24 =	smul.u32 $0x1700, s11  }
0x8: {  	p0 =	slt.u32 s11, $0xE;
	s16 =	sadd.s32 $0x6D60, s1;
	s4 =	smul.u32 $0x138800, s5  }
0x9: {  	[smem:$0x7FF] =	sst s3;
	s23 =	ssub.s32 $0x2, s5;
	s5 =	smul.u32 $0xBB8000, s5  }
0xa: {  	_ =	strace $0x80000050;
	s8 =	sshrl.u32 s23, $0x1;
	s7 =	sshrl.u32 s7, $0x2  }
0xb: {  	s10 =	sshrl.u32 s24, $0x3;
	s6 =	sadd.s32 s6, s4;
	s4 =	sadd.s32 $0x9DE00, s0  }
0xc: {  	s20 =	sadd.s32 s7, s2;
	s7 =	smul.u32 $0x2E, s11;
	s9 =	sadd.s32 s9, s5  }
0xd: {  	s14 =	sadd.s32 s1, s10;
	s6 =	sshrl.u32 s6, $0x3;
	s9 =	sshrl.u32 s9, $0x3  }
0xe: {  	s10 =	sadd.s32 $0x6D60, s14;
	s12 =	sadd.s32 $0x6D70, s14;
	s14 =	sadd.s32 $0x6D80, s14  }
0xf: {  	s0 =	sadd.s32 s6, s0;
	s6 =	ssub.s32 s23, s8;
	s8 =	simm.s32 $0x2F  }
0x10: {  	s9 =	sadd.s32 s4, s9;
	[dreg:$0x7] =	wrdreg s10;
	s23 =	simm.s32 $0x80  }
0x11: {  	s25 =	sadd.s32 $0x4FC00, s0;
	s8 =	simm.s32 @!p0 $0x2E;
	s26 =	sadd.s32 $0x800, s9  }
0x12: {  	s13 =	sadd.s32 $0x1000, s9;
	p0 =	sgt.u32 s11, $0x9;
	[dreg:$0x6] =	wrdreg s25  }
0x13: {  	s17 =	sadd.s32 $0x1A00, s0;
	s18 =	smax.u32 s6, $0x1;
	[dreg:$0x8] =	wrdreg s26  }
0x14: {  	s15 =	sadd.s32 $0xFFFFFFFF, s8;
	s31 =	sadd.s32 $0xFFFFFFFE, s8;
	s0 =	sshll.u32 @!p0 s11, $0x6  }
0x15: {  	s20 =	sshrl.u32 @!p0 s20, $0x3;
	s26 =	simm.s32 $0x4;
	[dreg:$0x4] =	wrdreg s15  }
0x16: {  	[dreg:$0x5] =	wrdreg s31;
	s15 =	sor.u32 $0x2E0, s11;
	s19 =	sor.u32 @!p0 $0x1C07, s0  }
.LBB2_1:
0x17: {  	s0 =	rddreg [dreg:$0x6]  }
0x18: {  	[spmem:s20], [sflag:s19] =	dma.local @!p0 [hbm:s0], $0x3E80  }
0x19: {  	s0 =	simm.s32 @!p0 $0x7  }
0x1a: {  	_ =	swait.ge @!p0 [sflag:s0], $0x3E80  }
0x1b: {  	[sflag:s0] =	ssyncset.done @!p0 $0x0  }
0x1c: {  	[sflag:s0] =	ssyncadd.s32 @!p0 $0xFFFFC180  }
0x1d: {  	[bflag:$0x0] =	sbarrier.arrive $0xFFFF  }
0x1e: {  	[tilespmem:s21], [sflag:$0x4] =	stream.linear.gather [hbm4b:s9+s3], $0x4000, $0x38;
	[tilespmem:$0x1FA00] =	vst v63  }
0x1f: {  	s10 =	rddreg [dreg:$0x7]  }
0x20: {  	[tilespmem:s3], [sflag:$0x1] =	stream.linear.gather [hbm4b:s10+s3], $0x80, $0x38;
	[tilespmem:$0x1FA00] =	vst v63  }
0x21: {  	s1 =	simm.s32 $0x4180;
	s11 =	rddreg [dreg:$0x8]  }
0x22: {  	[tilespmem:s1], [sflag:$0x5] =	stream.linear.gather [hbm4b:s11+s3], $0x4000, $0x38;
	[tilespmem:$0x1FA00] =	vst v63  }
0x23: {  	_ = 	snop  }
0x24: {  	[tilespmem:s23], [sflag:$0x2] =	stream.linear.gather [hbm4b:s12+s3], $0x80, $0x38;
	[tilespmem:$0x1FA00] =	vst v63  }
0x25: {  	s22 =	simm.s32 $0x8180  }
0x26: {  	[tilespmem:s22], [sflag:$0x6] =	stream.linear.gather [hbm4b:s13+s3], $0x4000, $0x38;
	[tilespmem:$0x1FA00] =	vst v63  }
0x27: {  	s24 =	simm.s32 $0x100;
	p1 =	sle.u32 s8, $0x3  }
0x28: {  	[tilespmem:s24], [sflag:$0x3] =	stream.linear.gather [hbm4b:s14+s3], $0x80, $0x38;
	[tilespmem:$0x1FA00] =	vst v63  }
0x29: {  	p2 =	por @!p1 $0x0, $0x0;
	_ =	swait.ge [sflag:s26], $0x4000  }
0x2a: {  	p2 =	por !p2, p1;
	s0 =	sadd.s32 @!p1 $0x0, s7;
	[sflag:s26] =	ssyncset.done $0x0  }
0x2b: {  	s0 =	sadd.s32 @!p1 $0x3, s0;
	s1 =	smov.u32 s15;
	[sflag:s26] =	ssyncadd.s32 $0xFFFFC000  }
0x2c: {  	s1 =	smov.u32 @p2 s0;
	_ =	swait.ge [sflag:s28], $0x80  }
0x2d: {  	s0 =	sshll.u32 @!p1 s1, $0xE;
	[sflag:s28] =	ssyncset.done $0x0  }
0x2e: {  	s0 =	sadd.s32 @!p1 s5, s0;
	[sflag:s28] =	ssyncadd.s32 $0xFFFFFF80  }
0x2f: {  	[spmem:s2] =	stream.indirect.scatter.add.f32 [tilespmem:s21], [sflag:$0x7], $0x80, s3, s23, $0xb8;
	[tilespmem:$0x1FA00] =	vst v63  }
0x30: {  	s1 =	sshll.u32 @!p1 s1, $0x4;
	s0 =	sshrl.u32 @!p1 s0, $0x3;
	_ =	swait.ge [sflag:s29], $0x4000  }
0x31: {  	s22 =	simm.s32 @!p1 $0x0;
	s0 =	sadd.s32 @!p1 s4, s0;
	[sflag:s29] =	ssyncset.done $0x0  }
0x32: {  	s24 =	simm.s32 @!p1 $0x180;
	s6 =	rddreg [dreg:$0x4];
	[sflag:s29] =	ssyncadd.s32 $0xFFFFC000  }
0x33: {  	[tilespmem:s24], [sflag:$0x4] =	stream.linear.gather @!p1 [hbm4b:s0+s22], $0x4000, $0x38;
	[tilespmem:$0x1FA00] =	vst v63  }
0x34: {  	p2 =	sle.u32 s6, $0x0;
	s0 =	sadd.s32 @!p1 s1, s16  }
0x35: {  	[tilespmem:s22], [sflag:$0x1] =	stream.linear.gather @!p1 [hbm4b:s0+s22], $0x80, $0x38;
	[tilespmem:$0x1FA00] =	vst v63  }
0x36: {  	s31 =	simm.s32 $0x3;
	p3 =	sle.u32 @!p2 s8, $0x4;
	s0 =	simm.s32 @!p2 $0x5  }
0x37: {  	s6 =	simm.s32 @!p2 $0x2;
	p1 =	por p3, p2;
	_ =	swait.ge @!p2 [sflag:s0], $0x4000  }
0x38: {  	s24 =	smov.u32 s15;
	p4 =	por @!p1 $0x1, $0x1;
	[sflag:s0] =	ssyncset.done @!p2 $0x0  }
0x39: {  	p3 =	por @!p2 !p4, p3;
	[sflag:s0] =	ssyncadd.s32 @!p2 $0xFFFFC000;
	s0 =	sadd.s32 @!p1 $0x0, s7  }
0x3a: {  	p3 =	por !p3, p2;
	_ =	swait.ge @!p2 [sflag:s6], $0x80;
	s0 =	sadd.s32 @!p1 $0x4, s0  }
0x3b: {  	s22 =	simm.s32 @!p2 $0x4180;
	[sflag:s6] =	ssyncset.done @!p2 $0x0;
	s24 =	smov.u32 @p3 s0  }
0x3c: {  	[sflag:s6] =	ssyncadd.s32 @!p2 $0xFFFFFF80;
	s6 =	simm.s32 @!p2 $0x80;
	s0 =	sshll.u32 @!p1 s24, $0xE  }
0x3d: {  	[spmem:s2] =	stream.indirect.scatter.add.f32 @!p2 [tilespmem:s22], [sflag:$0x7], $0x80, s6, s6, $0xb8;
	[tilespmem:$0x1FA00] =	vst v63  }
0x3e: {  	s1 =	simm.s32 @!p2 $0x7;
	s6 =	sshll.u32 @!p1 s24, $0x4;
	s0 =	sadd.s32 @!p1 s5, s0  }
0x3f: {  	s24 =	simm.s32 @!p1 $0x4180;
	s22 =	smov.u32 s15;
	_ =	swait.ge @!p2 [sflag:s1], $0x4000  }
0x40: {  	s0 =	sshrl.u32 @!p1 s0, $0x3;
	[sflag:s1] =	ssyncset.done @!p2 $0x0;
	s25 =	rddreg [dreg:$0x5]  }
0x41: {  	s0 =	sadd.s32 @!p1 s4, s0;
	[sflag:s1] =	ssyncadd.s32 @!p2 $0xFFFFC000;
	s1 =	simm.s32 @!p1 $0x0  }
0x42: {  	[tilespmem:s24], [sflag:$0x5] =	stream.linear.gather @!p1 [hbm4b:s0+s1], $0x4000, $0x38;
	[tilespmem:$0x1FA00] =	vst v63  }
0x43: {  	p2 =	sle.u32 s25, $0x0;
	s0 =	sadd.s32 @!p1 s6, s16;
	s6 =	simm.s32 @!p1 $0x80  }
0x44: {  	[tilespmem:s6], [sflag:$0x2] =	stream.linear.gather @!p1 [hbm4b:s0+s1], $0x80, $0x38;
	[tilespmem:$0x1FA00] =	vst v63  }
0x45: {  	s24 =	simm.s32 @!p2 $0x7;
	s25 =	simm.s32 @!p2 $0x8180;
	s1 =	simm.s32 @!p2 $0x6  }
0x46: {  	s0 =	simm.s32 $0x1;
	p1 =	sle.u32 @!p2 s8, $0x5;
	_ =	swait.ge @!p2 [sflag:s1], $0x4000  }
0x47: {  	s6 =	simm.s32 @!p2 $0x3;
	p3 =	por p1, p2;
	[sflag:s1] =	ssyncset.done @!p2 $0x0  }
0x48: {  	p4 =	por @!p3 $0x1, $0x1;
	[sflag:s1] =	ssyncadd.s32 @!p2 $0xFFFFC000;
	s1 =	sadd.s32 @!p3 $0x0, s7  }
0x49: {  	p1 =	por @!p2 !p4, p1;
	_ =	swait.ge @!p2 [sflag:s6], $0x80;
	s10 =	sadd.s32 @!p3 $0x5, s1  }
0x4a: {  	p1 =	por !p1, p2;
	s1 =	simm.s32 @!p2 $0x100;
	[sflag:s6] =	ssyncset.done @!p2 $0x0  }
0x4b: {  	s22 =	smov.u32 @p1 s10;
	[sflag:s6] =	ssyncadd.s32 @!p2 $0xFFFFFF80;
	s6 =	simm.s32 @!p2 $0x80  }
.LBB2_2:
0x4c: {  	[spmem:s2] =	stream.indirect.scatter.add.f32 @!p2 [tilespmem:s25], [sflag:$0x7], $0x80, s1, s6, $0xb8;
	[tilespmem:$0x1FA00] =	vst v63  }
0x4d: {  	s6 =	sshll.u32 @!p3 s22, $0xE  }
0x4e: {  	s10 =	simm.s32 @!p3 $0x8180;
	_ =	swait.ge @!p2 [sflag:s24], $0x4000;
	s6 =	sadd.s32 @!p3 s5, s6  }
0x4f: {  	s22 =	sshll.u32 @!p3 s22, $0x4;
	[sflag:s24] =	ssyncset.done @!p2 $0x0;
	s6 =	sshrl.u32 @!p3 s6, $0x3  }
0x50: {  	[sflag:s24] =	ssyncadd.s32 @!p2 $0xFFFFC000;
	s6 =	sadd.s32 @!p3 s4, s6;
	s24 =	simm.s32 @!p3 $0x0  }
0x51: {  	[tilespmem:s10], [sflag:$0x6] =	stream.linear.gather @!p3 [hbm4b:s6+s24], $0x4000, $0x38;
	[tilespmem:$0x1FA00] =	vst v63  }
0x52: {  	s6 =	sadd.s32 @!p3 s22, s16;
	s10 =	simm.s32 @!p3 $0x100  }
0x53: {  	[tilespmem:s10], [sflag:$0x3] =	stream.linear.gather @!p3 [hbm4b:s6+s24], $0x80, $0x38;
	[tilespmem:$0x1FA00] =	vst v63  }
0x54: {  	s1 =	smov.u32 s31;
	s31 =	sadd.s32 $0x3, s31;
	_ =	swait.ge [sflag:s26], $0x4000  }
0x55: {  	p3 =	sge.u32 s31, s8;
	s10 =	smov.u32 s15;
	[sflag:s26] =	ssyncset.done $0x0  }
0x56: {  	p2 =	seq.s32 @!p3 s1, $0x2D;
	s6 =	sadd.s32 @!p3 s1, s7;
	[sflag:s26] =	ssyncadd.s32 $0xFFFFC000  }
0x57: {  	s6 =	sadd.s32 @!p3 $0x3, s6;
	p2 =	por !p2, p3;
	_ =	swait.ge [sflag:s28], $0x80  }
0x58: {  	s10 =	smov.u32 @p2 s6;
	[sflag:s28] =	ssyncset.done $0x0  }
0x59: {  	s25 =	simm.s32 @!p3 $0x0;
	s6 =	sshll.u32 @!p3 s10, $0xE;
	[sflag:s28] =	ssyncadd.s32 $0xFFFFFF80  }
0x5a: {  	[spmem:s2] =	stream.indirect.scatter.add.f32 [tilespmem:s21], [sflag:$0x7], $0x80, s3, s23, $0xb8;
	[tilespmem:$0x1FA00] =	vst v63  }
0x5b: {  	s11 =	simm.s32 @!p3 $0x180;
	s6 =	sadd.s32 @!p3 s5, s6;
	_ =	swait.ge [sflag:s29], $0x4000  }
0x5c: {  	s10 =	sshll.u32 @!p3 s10, $0x4;
	s6 =	sshrl.u32 @!p3 s6, $0x3;
	[sflag:s29] =	ssyncset.done $0x0  }
0x5d: {  	s6 =	sadd.s32 @!p3 s4, s6;
	s24 =	rddreg [dreg:$0x4];
	[sflag:s29] =	ssyncadd.s32 $0xFFFFC000  }
0x5e: {  	[tilespmem:s11], [sflag:$0x4] =	stream.linear.gather @!p3 [hbm4b:s6+s25], $0x4000, $0x38;
	[tilespmem:$0x1FA00] =	vst v63  }
0x5f: {  	p1 =	sne.s32 s31, $0x30;
	s10 =	sadd.s32 @!p3 s10, s16;
	p2 =	sge.u32 s1, s24  }
0x60: {  	[tilespmem:s25], [sflag:$0x1] =	stream.linear.gather @!p3 [hbm4b:s10+s25], $0x80, $0x38;
	[tilespmem:$0x1FA00] =	vst v63  }
0x61: {  	s22 =	smov.u32 s0;
	s6 =	simm.s32 @!p2 $0x5;
	s10 =	sadd.s32 @!p2 $0x4, s1  }
0x62: {  	s24 =	simm.s32 @!p2 $0x4180;
	_ =	swait.ge @!p2 [sflag:s6], $0x4000;
	p4 =	sge.u32 @!p2 s10, s8  }
0x63: {  	s25 =	smov.u32 s15;
	[sflag:s6] =	ssyncset.done @!p2 $0x0;
	p3 =	por p4, p2  }
0x64: {  	s10 =	simm.s32 @!p2 $0x2;
	[sflag:s6] =	ssyncadd.s32 @!p2 $0xFFFFC000;
	p5 =	slt.u32 @!p3 s0, $0xE  }
0x65: {  	s6 =	sadd.s32 @!p3 s1, s7;
	_ =	swait.ge @!p2 [sflag:s10], $0x80;
	p4 =	por @!p2 !p5, p4  }
0x66: {  	s6 =	sadd.s32 @!p3 $0x4, s6;
	[sflag:s10] =	ssyncset.done @!p2 $0x0;
	p4 =	por !p4, p2  }
0x67: {  	[sflag:s10] =	ssyncadd.s32 @!p2 $0xFFFFFF80;
	s10 =	simm.s32 @!p2 $0x80;
	s25 =	smov.u32 @p4 s6  }
0x68: {  	[spmem:s2] =	stream.indirect.scatter.add.f32 @!p2 [tilespmem:s24], [sflag:$0x7], $0x80, s10, s10, $0xb8;
	[tilespmem:$0x1FA00] =	vst v63  }
0x69: {  	s11 =	simm.s32 @!p2 $0x7;
	s6 =	sshll.u32 @!p3 s25, $0xE;
	s10 =	sshll.u32 @!p3 s25, $0x4  }
0x6a: {  	s25 =	simm.s32 @!p3 $0x4180;
	_ =	swait.ge @!p2 [sflag:s11], $0x4000;
	s6 =	sadd.s32 @!p3 s5, s6  }
0x6b: {  	[sflag:s11] =	ssyncset.done @!p2 $0x0;
	s24 =	rddreg [dreg:$0x5];
	s6 =	sshrl.u32 @!p3 s6, $0x3  }
0x6c: {  	[sflag:s11] =	ssyncadd.s32 @!p2 $0xFFFFC000;
	s6 =	sadd.s32 @!p3 s4, s6;
	s11 =	simm.s32 @!p3 $0x0  }
0x6d: {  	[tilespmem:s25], [sflag:$0x5] =	stream.linear.gather @!p3 [hbm4b:s6+s11], $0x4000, $0x38;
	[tilespmem:$0x1FA00] =	vst v63  }
0x6e: {  	s10 =	sadd.s32 @!p3 s10, s16;
	p2 =	sge.u32 s1, s24;
	s6 =	simm.s32 @!p3 $0x80  }
0x6f: {  	[tilespmem:s6], [sflag:$0x2] =	stream.linear.gather @!p3 [hbm4b:s10+s11], $0x80, $0x38;
	[tilespmem:$0x1FA00] =	vst v63  }
0x70: {  	s0 =	sadd.s32 $0x1, s0;
	s24 =	simm.s32 @!p2 $0x7;
	s6 =	simm.s32 @!p2 $0x6  }
0x71: {  	s25 =	simm.s32 @!p2 $0x8180;
	s10 =	sadd.s32 @!p2 $0x5, s1;
	_ =	swait.ge @!p2 [sflag:s6], $0x4000  }
0x72: {  	p4 =	sge.u32 @!p2 s10, s8;
	s10 =	simm.s32 @!p2 $0x3;
	[sflag:s6] =	ssyncset.done @!p2 $0x0  }
.Ltmp0:
0x73: {  	p3 =	por p4, p2;
	[sflag:s6] =	ssyncadd.s32 @!p2 $0xFFFFC000;
	(pc) =	sbr.rel @p1 .LBB2_2-.Ltmp0, $4  }
0x74: {  	p5 =	slt.u32 @!p3 s22, $0xE;
	s1 =	sadd.s32 @!p3 s1, s7;
	s6 =	simm.s32 @!p2 $0x80  }
0x75: {  	s22 =	smov.u32 s15;
	_ =	swait.ge @!p2 [sflag:s10], $0x80;
	p4 =	por @!p2 !p5, p4  }
0x76: {  	s11 =	sadd.s32 @!p3 $0x5, s1;
	[sflag:s10] =	ssyncset.done @!p2 $0x0;
	p4 =	por !p4, p2  }
0x77: {  	s1 =	simm.s32 @!p2 $0x100;
	[sflag:s10] =	ssyncadd.s32 @!p2 $0xFFFFFF80;
	s22 =	smov.u32 @p4 s11  }
0x78: {  	[spmem:s2] =	stream.indirect.scatter.add.f32 @!p2 [tilespmem:s25], [sflag:$0x7], $0x80, s1, s6, $0xb8;
	[tilespmem:$0x1FA00] =	vst v63  }
0x79: {  	s0 =	sshll.u32 @!p3 s22, $0xE;
	s1 =	simm.s32 @!p3 $0x8180  }
0x7a: {  	s6 =	simm.s32 @!p3 $0x0;
	_ =	swait.ge @!p2 [sflag:s24], $0x4000;
	s0 =	sadd.s32 @!p3 s5, s0  }
0x7b: {  	s10 =	sshll.u32 @!p3 s22, $0x4;
	[sflag:s24] =	ssyncset.done @!p2 $0x0;
	s0 =	sshrl.u32 @!p3 s0, $0x3  }
0x7c: {  	s30 =	sadd.s32 $0x1, s30;
	[sflag:s24] =	ssyncadd.s32 @!p2 $0xFFFFC000;
	s0 =	sadd.s32 @!p3 s4, s0  }
0x7d: {  	[tilespmem:s1], [sflag:$0x6] =	stream.linear.gather @!p3 [hbm4b:s0+s6], $0x4000, $0x38;
	[tilespmem:$0x1FA00] =	vst v63  }
0x7e: {  	p1 =	sne.s32 s30, s18;
	s0 =	sadd.s32 @!p3 s10, s16;
	s1 =	simm.s32 @!p3 $0x100  }
0x7f: {  	[tilespmem:s1], [sflag:$0x3] =	stream.linear.gather @!p3 [hbm4b:s0+s6], $0x80, $0x38;
	[tilespmem:$0x1FA00] =	vst v63  }
.Ltmp1:
0x80: {  	s0 =	simm.s32 @!p0 $0x7;
	[bflag:$0x0] =	sbarrier.arrive $0xFFFF;
	(pc) =	sbr.rel @p1 .LBB2_1-.Ltmp1, $4  }
0x81: {  	[hbm:s17], [sflag:s19] =	dma.local @!p0 [spmem:s20], $0x3E80  }
0x82: {  	_ =	swait.ge @!p0 [sflag:s0], $0x3E80  }
0x83: {  	[sflag:s0] =	ssyncset.done @!p0 $0x0  }
0x84: {  	[sflag:s0] =	ssyncadd.s32 @!p0 $0xFFFFC180  }
0x85: {  	_ =	sfence.sel $0x180000  }
0x86: {  	[bflag:$0x0] =	sbarrier.arrive $0xFFFF  }
0x87: {  	_ =	strace $0x90000050  }
0x88: {  	s0 =	stileid.u32;
	[bflag:$0x2] =	sbarrier.arrive $0xFFFF  }
0x89: {  	p0 =	sne.s32 s0, $0x0;
	s0 =	rddreg [dreg:$0x3]  }
0x8a: {  	s0 =	sadd.s32 @!p0 $0x100000, s0  }
0x8b: {  	[sflag:s0] =	ssyncadd.tile.s32 @!p0 $0x1;
	_ =	shalt  }
.Lfunc_end2:
_tile_overlayer_lowered:
.L_overlay_start_2:
0x8c: {  	(tag) =	ssettag $0x2  }
0x8d: {  	s0 =	rddreg [dreg:$0x0];
	s2 =	stileid.u32  }
0x8e: {  	s1 =	rddreg [dreg:$0x1];
	p0 =	sne.s32 s2, $0x0  }
0x8f: {  	s3 =	rddreg [dreg:$0x2];
	[bflag:$0x3] =	sbarrier.arrive $0xFFFF;
	s2 =	simm.s32 @!p0 $0x1C07  }
0x90: {  	[timem:s3], [sflag:s2] =	dma.local @!p0 [hbm:s0], s1  }
0x91: {  	s0 =	simm.s32 @!p0 $0x7  }
0x92: {  	_ =	swait.ge @!p0 [sflag:s0], s1  }
0x93: {  	s1 =	ssub.s32 @!p0 $0x0, s1;
	[sflag:s0] =	ssyncset.done @!p0 $0x0  }
0x94: {  	[sflag:s0] =	ssyncadd.s32 @!p0 s1  }
0x95: {  	[bflag:$0x3] =	sbarrier.arrive $0xFFFF  }
0x96: {  	_ =	shalt  }

</sc_bundles>
